<compile_context>
chip_gen: v7x
topology: tpu7x:2x2x1
jax: 0.10.2.dev20260603
libtpu: 0.0.44.dev20260713+nightly
codegen_flags: <defaults>
</compile_context>

<pallas_src>
import functools

import jax
import jax.numpy as jnp
from jax import lax
from jax.experimental import pallas as pl
from jax.experimental.pallas import tpu as pltpu
from jax.experimental.pallas import tpu_sc as plsc

N_NODES = 10000
IN_CH = 128
HID = 64

NC, NS = 2, 16
NW = NC * NS
EB = 128
NBUF = 4
YSROWS = 10016
K0, K1 = 80, 80
NPAD = 10240
RPT = NPAD // NS
RB = 1024


def _sc_degree(dst_idx, ones_v, zcol):
    maxk = max(K0, K1)
    mesh = plsc.VectorSubcoreMesh(core_axis_name="c", subcore_axis_name="s")

    @functools.partial(
        pl.kernel,
        out_type=jax.ShapeDtypeStruct((NC, NPAD), jnp.float32),
        mesh=mesh,
        scratch_types=[
            pltpu.VMEM((maxk, EB), jnp.int32),
            pltpu.VMEM((EB,), jnp.float32),
            pltpu.VMEM_SHARED((NPAD,), jnp.float32),
        ],
        compiler_params=pltpu.CompilerParams(use_tc_tiling_on_sc=False),
    )
    def k(dst_hbm, ones_hbm, zcol_hbm, out_hbm, idx_v, ones_vm, hist_sh):
        cid = lax.axis_index("c")
        sid = lax.axis_index("s")
        base = jnp.where(cid == 0, sid * K0, NS * K0 + sid * K1)
        count = jnp.where(cid == 0, K0, K1)
        pltpu.sync_copy(dst_hbm.at[pl.ds(base, maxk)], idx_v)
        pltpu.sync_copy(ones_hbm, ones_vm)
        pltpu.sync_copy(zcol_hbm, hist_sh.at[pl.ds(sid * RPT, RPT)])
        plsc.subcore_barrier()

        def body(c, carry):
            pltpu.sync_copy(ones_vm, hist_sh.at[idx_v.at[c]], add=True)
            return carry

        lax.fori_loop(0, count, body, 0)
        plsc.subcore_barrier()
        pltpu.sync_copy(hist_sh.at[pl.ds(sid * RPT, RPT)],
                        out_hbm.at[cid, pl.ds(sid * RPT, RPT)])

    return k(dst_idx, ones_v, zcol)


def _sc_aggregate(ybf, src_idx, dst_idx, zrows):
    maxk = max(K0, K1)
    mesh = plsc.VectorSubcoreMesh(core_axis_name="c", subcore_axis_name="s")

    @functools.partial(
        pl.kernel,
        out_type=jax.ShapeDtypeStruct((NC, NPAD, HID), jnp.float32),
        mesh=mesh,
        scratch_types=(
            [pltpu.VMEM((maxk, EB), jnp.int32),
             pltpu.VMEM((maxk, EB), jnp.int32)]
            + [pltpu.VMEM((EB, HID), jnp.bfloat16) for _ in range(NBUF)]
            + [pltpu.VMEM((EB, HID), jnp.float32) for _ in range(NBUF)]
            + [pltpu.VMEM_SHARED((NPAD, HID), jnp.float32),
               pltpu.VMEM_SHARED((YSROWS, HID), jnp.bfloat16)]
            + [pltpu.SemaphoreType.DMA for _ in range(2 * NBUF)]
        ),
        compiler_params=pltpu.CompilerParams(use_tc_tiling_on_sc=False,
                                             needs_layout_passes=False),
    )
    def k(y_hbm, src_hbm, dst_hbm, z_hbm, out_hbm,
          srcv, dstv, *rest):
        bbufs = rest[0:NBUF]
        fbufs = rest[NBUF:2 * NBUF]
        acc_sh = rest[2 * NBUF]
        y_sh = rest[2 * NBUF + 1]
        gsems = rest[2 * NBUF + 2: 3 * NBUF + 2]
        ssems = rest[3 * NBUF + 2:]
        cid = lax.axis_index("c")
        sid = lax.axis_index("s")
        base = jnp.where(cid == 0, sid * K0, NS * K0 + sid * K1)
        count = jnp.where(cid == 0, K0, K1)
        pltpu.sync_copy(src_hbm.at[pl.ds(base, maxk)], srcv)
        pltpu.sync_copy(dst_hbm.at[pl.ds(base, maxk)], dstv)
        pltpu.sync_copy(z_hbm, acc_sh.at[pl.ds(sid * RPT, RPT)])
        yr = YSROWS // NS
        pltpu.sync_copy(y_hbm.at[pl.ds(sid * yr, yr)],
                        y_sh.at[pl.ds(sid * yr, yr)])
        plsc.subcore_barrier()

        lanes = lax.iota(jnp.int32, 16)
        himask = jnp.full((16,), -65536, jnp.int32)

        def widen(bf, fb):
            def crow(i, carry):
                rows = jnp.full((16,), i, jnp.int32)
                for g in range(HID // 32):
                    iv = plsc.bitcast(bf[i, pl.ds(32 * g, 32)], jnp.int32)
                    lo = plsc.bitcast(iv << 16, jnp.float32)
                    hi = plsc.bitcast(iv & himask, jnp.float32)
                    cols = 32 * g + 2 * lanes
                    plsc.store_scatter(fb, [rows, cols], lo)
                    plsc.store_scatter(fb, [rows, cols + 1], hi)
                return carry
            lax.fori_loop(0, EB, crow, 0)

        for b in range(NBUF):
            pltpu.async_copy(y_sh.at[srcv.at[b]], bbufs[b], gsems[b])

        def outer(g, carry):
            for b in range(NBUF):
                c = g * NBUF + b

                @pl.when(c >= NBUF)
                def _():
                    pltpu.make_async_copy(
                        fbufs[b], acc_sh.at[dstv.at[c - NBUF]],
                        ssems[b]).wait()

                pltpu.make_async_copy(
                    y_sh.at[srcv.at[c]], bbufs[b], gsems[b]).wait()
                widen(bbufs[b], fbufs[b])

                @pl.when(c + NBUF < count)
                def _():
                    pltpu.async_copy(
                        y_sh.at[srcv.at[c + NBUF]], bbufs[b], gsems[b])

                pltpu.async_copy(
                    fbufs[b], acc_sh.at[dstv.at[c]], ssems[b], add=True)
            return carry

        lax.fori_loop(0, count // NBUF, outer, 0)
        for b in range(NBUF):
            pltpu.make_async_copy(
                fbufs[b], acc_sh.at[dstv.at[count - NBUF + b]],
                ssems[b]).wait()
        plsc.subcore_barrier()
        pltpu.sync_copy(acc_sh.at[pl.ds(sid * RPT, RPT)],
                        out_hbm.at[cid, pl.ds(sid * RPT, RPT)])

    return k(ybf, src_idx, dst_idx, zrows)


def _tc_prep(degs_t, x, w1):
    in_ch = x.shape[1]
    nb = NPAD // RB

    def body(deg_ref, x_ref, w_ref, dis_ref, y_ref, ybf_ref):
        d = deg_ref[:, 0:1] + deg_ref[:, 1:2] + 1.0
        dv = lax.rsqrt(d)
        dis_ref[...] = dv
        yv = jnp.dot(x_ref[...], w_ref[...],
                     preferred_element_type=jnp.float32) * dv
        y_ref[...] = yv
        ybf_ref[...] = yv.astype(jnp.bfloat16)

    return pl.pallas_call(
        body,
        grid=(nb,),
        in_specs=[
            pl.BlockSpec((RB, NC), lambda i: (i, 0)),
            pl.BlockSpec((RB, in_ch), lambda i: (i, 0)),
            pl.BlockSpec((in_ch, HID), lambda i: (0, 0)),
        ],
        out_specs=[
            pl.BlockSpec((RB, 1), lambda i: (i, 0)),
            pl.BlockSpec((RB, HID), lambda i: (i, 0)),
            pl.BlockSpec((RB, HID), lambda i: (i, 0)),
        ],
        out_shape=[
            jax.ShapeDtypeStruct((NPAD, 1), jnp.float32),
            jax.ShapeDtypeStruct((NPAD, HID), jnp.float32),
            jax.ShapeDtypeStruct((NPAD, HID), jnp.bfloat16),
        ],
        compiler_params=pltpu.CompilerParams(
            dimension_semantics=("parallel",)),
    )(degs_t, x, w1)


def _tc_mid(dis, a0, a1, y1, b1, w2):
    nb = NPAD // RB

    def body(dis_ref, a0_ref, a1_ref, y_ref, b_ref, w_ref, out_ref, obf_ref):
        i = pl.program_id(0)
        s = a0_ref[...] + a1_ref[...] + y_ref[...]
        h = jnp.maximum(s * dis_ref[...] + b_ref[...], 0.0)
        row = i * RB + lax.broadcasted_iota(jnp.int32, (RB, 1), 0)
        h = jnp.where(row < N_NODES, h, 0.0)
        yv = jnp.dot(h, w_ref[...],
                     preferred_element_type=jnp.float32) * dis_ref[...]
        out_ref[...] = yv
        obf_ref[...] = yv.astype(jnp.bfloat16)

    return pl.pallas_call(
        body,
        grid=(nb,),
        in_specs=[
            pl.BlockSpec((RB, 1), lambda i: (i, 0)),
            pl.BlockSpec((RB, HID), lambda i: (i, 0)),
            pl.BlockSpec((RB, HID), lambda i: (i, 0)),
            pl.BlockSpec((RB, HID), lambda i: (i, 0)),
            pl.BlockSpec((1, HID), lambda i: (0, 0)),
            pl.BlockSpec((HID, HID), lambda i: (0, 0)),
        ],
        out_specs=[
            pl.BlockSpec((RB, HID), lambda i: (i, 0)),
            pl.BlockSpec((RB, HID), lambda i: (i, 0)),
        ],
        out_shape=[
            jax.ShapeDtypeStruct((NPAD, HID), jnp.float32),
            jax.ShapeDtypeStruct((NPAD, HID), jnp.bfloat16),
        ],
        compiler_params=pltpu.CompilerParams(
            dimension_semantics=("parallel",)),
    )(dis, a0, a1, y1, b1, w2)


def _tc_final(dis, a0, a1, y2, b2):
    nb = NPAD // RB

    def body(dis_ref, a0_ref, a1_ref, y_ref, b_ref, out_ref):
        s = a0_ref[...] + a1_ref[...] + y_ref[...]
        out_ref[...] = s * dis_ref[...] + b_ref[...]

    return pl.pallas_call(
        body,
        grid=(nb,),
        in_specs=[
            pl.BlockSpec((RB, 1), lambda i: (i, 0)),
            pl.BlockSpec((RB, HID), lambda i: (i, 0)),
            pl.BlockSpec((RB, HID), lambda i: (i, 0)),
            pl.BlockSpec((RB, HID), lambda i: (i, 0)),
            pl.BlockSpec((1, HID), lambda i: (0, 0)),
        ],
        out_specs=pl.BlockSpec((RB, HID), lambda i: (i, 0)),
        out_shape=jax.ShapeDtypeStruct((N_NODES, HID), jnp.float32),
        compiler_params=pltpu.CompilerParams(
            dimension_semantics=("parallel",)),
    )(dis, a0, a1, y2, b2)


def kernel(x, edge_index, W1, b1, W2, b2):
    n, in_ch = x.shape
    e = edge_index.shape[1]
    cap = NS * (K0 + K1) + max(K0, K1)
    assert NS * (K0 + K1) * EB >= e

    src = edge_index[0].astype(jnp.int32)
    dst = edge_index[1].astype(jnp.int32)
    pad = jnp.full((cap * EB - e,), n, jnp.int32)
    srcp = jnp.concatenate([src, pad]).reshape(cap, EB)
    dstp = jnp.concatenate([dst, pad]).reshape(cap, EB)

    xp = jnp.zeros((NPAD, in_ch), jnp.float32).at[:n].set(x)
    ones_v = jnp.ones((EB,), jnp.float32)
    zcol = jnp.zeros((RPT,), jnp.float32)
    zrows = jnp.zeros((RPT, HID), jnp.float32)

    degs = _sc_degree(dstp, ones_v, zcol)
    dis, y1, y1bf = _tc_prep(degs.T, xp, W1)

    acc1 = _sc_aggregate(y1bf, srcp, dstp, zrows)
    y2, y2bf = _tc_mid(dis, acc1[0], acc1[1], y1, b1.reshape(1, HID), W2)

    acc2 = _sc_aggregate(y2bf, srcp, dstp, zrows)
    return _tc_final(dis, acc2[0], acc2[1], y2, b2.reshape(1, HID))

# --- scband reference (transcript-rebuilt; emitter-appended) ---
"""Pipeline reference for scband-encoder-36936718745769 (READ-ONLY COPY).

The authoritative reference and input builder live on the scoring server;
editing this copy changes nothing except your own understanding.
"""

import jax, jax.numpy as jnp
import numpy as np

N_NODES = 10000
N_EDGES = 320000
IN_CH = 128
HID = 64


def setup_inputs(seed: int = 0) -> dict:
    key = jax.random.key(seed)
    k1, k2, k3, k4, k5 = jax.random.split(key, 5)
    x = jax.random.normal(k1, (N_NODES, IN_CH), dtype=jnp.float32)
    edge_index = jax.random.randint(k2, (2, N_EDGES), 0, N_NODES, dtype=jnp.int64)
    # GCNConv weights (glorot-style scaling) and zero biases, per PyG defaults
    W1 = jax.random.normal(k3, (IN_CH, HID), dtype=jnp.float32) * (1.0 / np.sqrt(IN_CH))
    b1 = jnp.zeros((HID,), dtype=jnp.float32)
    W2 = jax.random.normal(k4, (HID, HID), dtype=jnp.float32) * (1.0 / np.sqrt(HID))
    b2 = jnp.zeros((HID,), dtype=jnp.float32)
    return {"x": x, "edge_index": edge_index, "W1": W1, "b1": b1, "W2": W2, "b2": b2}


def _gcn_conv(x, edge_index, W, b):
    # Faithful translation of pyg_nn.GCNConv with default settings:
    # add self-loops, symmetric normalization D^-1/2 (A+I) D^-1/2, then X W + b
    N = x.shape[0]
    loop = jnp.arange(N, dtype=edge_index.dtype)
    src = jnp.concatenate([edge_index[0], loop])
    dst = jnp.concatenate([edge_index[1], loop])
    ew = jnp.ones(src.shape[0], dtype=x.dtype)
    deg = jax.ops.segment_sum(ew, dst, num_segments=N)
    deg_inv_sqrt = jnp.where(deg > 0, jax.lax.rsqrt(jnp.maximum(deg, 1e-12)), 0.0)
    norm = deg_inv_sqrt[src] * deg_inv_sqrt[dst]
    xw = x @ W
    msg = jnp.take(xw, src, axis=0) * norm[:, None]
    out = jax.ops.segment_sum(msg, dst, num_segments=N)
    return out + b


def reference(x, edge_index, W1, b1, W2, b2):
    h = _gcn_conv(x, edge_index, W1, b1)
    h = jax.nn.relu(h)
    out = _gcn_conv(h, edge_index, W2, b2)
    return out

if __name__ == "__main__":
    import jax
    _d = setup_inputs()
    print(jax.jit(kernel)(*tuple(_d.values())))

</pallas_src>

<mosaic_0001>
#map = affine_map<(d0, d1) -> (0, 0)>
#map1 = affine_map<(d0, d1) -> (0)>
module attributes {stable_mosaic.version = 14 : i64} {
  func.func @k(%arg0: i32, %arg1: i32, %arg2: memref<2640x128xi32, #tpu.memory_space<hbm>>, %arg3: memref<128xf32, #tpu.memory_space<hbm>>, %arg4: memref<640xf32, #tpu.memory_space<hbm>>, %arg5: memref<2x10240xf32, #tpu.memory_space<hbm>>, %arg6: memref<80x128xi32, #tpu.memory_space<vmem>>, %arg7: memref<128xf32, #tpu.memory_space<vmem>>, %arg8: memref<10240xf32, #tpu.memory_space<vmem_shared>>) attributes {dimension_semantics = [#tpu.dimension_semantics<core_parallel>, #tpu.dimension_semantics<subcore_parallel>], iteration_bounds = array<i64: 2, 16>, scalar_prefetch = 0 : i64, scratch_operands = 3 : i64, tpu.core_type = #tpu.core_type<sc_vector_subcore>, window_params = [{transform_indices = #map}, {transform_indices = #map1}, {transform_indices = #map1}, {transform_indices = #map}]} {
    %eq3A = arith.constant 0 : i32
    %eq3A_0 = arith.cmpi eq, %arg0, %eq3A : i32
    %mul3A = arith.constant 80 : i32
    %mul3A_1 = arith.muli %arg1, %mul3A : i32
    %mul3A_2 = arith.constant 80 : i32
    %mul3A_3 = arith.muli %arg1, %mul3A_2 : i32
    %add3A = arith.constant 1280 : i32
    %add3A_4 = arith.addi %add3A, %mul3A_3 : i32
    %select_n3A = arith.select %eq3A_0, %mul3A_1, %add3A_4 : i32
    %eq3A_5 = arith.constant 0 : i32
    %eq3A_6 = arith.cmpi eq, %arg0, %eq3A_5 : i32
    %jit3A = arith.constant 80 : i32
    %jit3A_7 = arith.constant 80 : i32
    %select_n3A_8 = arith.select %eq3A_6, %jit3A, %jit3A_7 : i32
    "tpu.region"() ({
      %run_scoped3A = tpu.sem_alloc : memref<!tpu.dma_semaphore, #tpu.memory_space<semaphore_mem>>
      %dma_start3A = arith.constant 0 : i32
      %dma_start3A_25 = tpu.memref_slice %arg2[%select_n3A, %dma_start3A] : memref<2640x128xi32, #tpu.memory_space<hbm>> -> memref<80x128xi32, #tpu.memory_space<hbm>>
      %dma_start3A_26 = arith.constant 0 : i32
      %dma_start3A_27 = tpu.memref_slice %arg2[%select_n3A, %dma_start3A_26] : memref<2640x128xi32, #tpu.memory_space<hbm>> -> memref<80x128xi32, #tpu.memory_space<hbm>>
      tpu.enqueue_dma source(%dma_start3A_27 : memref<80x128xi32, #tpu.memory_space<hbm>>) target(%arg6 : memref<80x128xi32, #tpu.memory_space<vmem>>) target_semaphore(%run_scoped3A : memref<!tpu.dma_semaphore, #tpu.memory_space<semaphore_mem>>)
      %dma_wait3A = arith.constant 0 : i32
      %dma_wait3A_28 = tpu.memref_slice %arg2[%select_n3A, %dma_wait3A] : memref<2640x128xi32, #tpu.memory_space<hbm>> -> memref<80x128xi32, #tpu.memory_space<hbm>>
      %dma_wait3A_29 = arith.constant 0 : i32
      %dma_wait3A_30 = tpu.memref_slice %arg2[%select_n3A, %dma_wait3A_29] : memref<2640x128xi32, #tpu.memory_space<hbm>> -> memref<80x128xi32, #tpu.memory_space<hbm>>
      tpu.wait_dma2 semaphore(%run_scoped3A : memref<!tpu.dma_semaphore, #tpu.memory_space<semaphore_mem>>) src(%dma_wait3A_30 : memref<80x128xi32, #tpu.memory_space<hbm>>) dst(%arg6 : memref<80x128xi32, #tpu.memory_space<vmem>>)
      tpu.yield
    }) : () -> ()
    "tpu.region"() ({
      %run_scoped3A = tpu.sem_alloc : memref<!tpu.dma_semaphore, #tpu.memory_space<semaphore_mem>>
      tpu.enqueue_dma source(%arg3 : memref<128xf32, #tpu.memory_space<hbm>>) target(%arg7 : memref<128xf32, #tpu.memory_space<vmem>>) target_semaphore(%run_scoped3A : memref<!tpu.dma_semaphore, #tpu.memory_space<semaphore_mem>>)
      tpu.wait_dma2 semaphore(%run_scoped3A : memref<!tpu.dma_semaphore, #tpu.memory_space<semaphore_mem>>) src(%arg3 : memref<128xf32, #tpu.memory_space<hbm>>) dst(%arg7 : memref<128xf32, #tpu.memory_space<vmem>>)
      tpu.yield
    }) : () -> ()
    %mul3A_9 = arith.constant 640 : i32
    %mul3A_10 = arith.muli %arg1, %mul3A_9 : i32
    "tpu.region"() ({
      %run_scoped3A = tpu.sem_alloc : memref<!tpu.dma_semaphore, #tpu.memory_space<semaphore_mem>>
      %dma_start3A = tpu.memref_slice %arg8[%mul3A_10] : memref<10240xf32, #tpu.memory_space<vmem_shared>> -> memref<640xf32, #tpu.memory_space<vmem_shared>>
      tpu.enqueue_dma source(%arg4 : memref<640xf32, #tpu.memory_space<hbm>>) target(%dma_start3A : memref<640xf32, #tpu.memory_space<vmem_shared>>) target_semaphore(%run_scoped3A : memref<!tpu.dma_semaphore, #tpu.memory_space<semaphore_mem>>)
      %dma_wait3A = tpu.memref_slice %arg8[%mul3A_10] : memref<10240xf32, #tpu.memory_space<vmem_shared>> -> memref<640xf32, #tpu.memory_space<vmem_shared>>
      tpu.wait_dma2 semaphore(%run_scoped3A : memref<!tpu.dma_semaphore, #tpu.memory_space<semaphore_mem>>) src(%arg4 : memref<640xf32, #tpu.memory_space<hbm>>) dst(%dma_wait3A : memref<640xf32, #tpu.memory_space<vmem_shared>>)
      tpu.yield
    }) : () -> ()
    %barrier3A = arith.constant 0 : index
    tpu.barrier barrier_id(%barrier3A)
    %while3A = arith.constant 0 : i32
    %while3A_11 = arith.constant 0 : i32
    %while3A_12 = arith.subi %select_n3A_8, %while3A_11 : i32
    %while3A_13 = arith.addi %while3A_11, %while3A_12 : i32
    %while3A_14 = arith.constant 1 : i32
    %while3A_15 = arith.divsi %while3A_12, %while3A_14 : i32
    %while3A_16 = arith.muli %while3A_15, %while3A_14 : i32
    %while3A_17 = arith.addi %while3A_11, %while3A_16 : i32
    %while3A_18 = arith.constant 1 : i32
    scf.for %while3A_25 = %while3A_11 to %while3A_17 step %while3A_18  : i32 {
      "tpu.region"() ({
        %run_scoped3A = tpu.sem_alloc : memref<!tpu.dma_semaphore, #tpu.memory_space<semaphore_mem>>
        %dma_start3A = arith.constant 0 : i32
        %dma_start3A_26 = tpu.memref_slice %arg6[%while3A_25, %dma_start3A] : memref<80x128xi32, #tpu.memory_space<vmem>> -> memref<1x128xi32, #tpu.memory_space<vmem>>
        %dma_start3A_27 = tpu.memref_squeeze %dma_start3A_26 : memref<1x128xi32, #tpu.memory_space<vmem>> -> memref<128xi32, #tpu.memory_space<vmem>>
        %dma_start3A_28 = arith.constant 0 : i32
        %dma_start3A_29 = tpu.memref_slice %arg8[%dma_start3A_28] : memref<10240xf32, #tpu.memory_space<vmem_shared>> -> memref<10240xf32, #tpu.memory_space<vmem_shared>>
        tpu.enqueue_indirect_dma source(%arg7 : memref<128xf32, #tpu.memory_space<vmem>>) target(%dma_start3A_29 : memref<10240xf32, #tpu.memory_space<vmem_shared>>) offsets(%dma_start3A_27 : memref<128xi32, #tpu.memory_space<vmem>>) semaphore(%run_scoped3A : memref<!tpu.dma_semaphore, #tpu.memory_space<semaphore_mem>>) {add = true}
        %dma_wait3A = arith.constant 0 : i32
        %dma_wait3A_30 = tpu.memref_slice %arg6[%while3A_25, %dma_wait3A] : memref<80x128xi32, #tpu.memory_space<vmem>> -> memref<1x128xi32, #tpu.memory_space<vmem>>
        %dma_wait3A_31 = tpu.memref_squeeze %dma_wait3A_30 : memref<1x128xi32, #tpu.memory_space<vmem>> -> memref<128xi32, #tpu.memory_space<vmem>>
        %dma_wait3A_32 = arith.constant 0 : i32
        %dma_wait3A_33 = tpu.memref_slice %arg8[%dma_wait3A_32] : memref<10240xf32, #tpu.memory_space<vmem_shared>> -> memref<10240xf32, #tpu.memory_space<vmem_shared>>
        tpu.wait_indirect_dma semaphore(%run_scoped3A : memref<!tpu.dma_semaphore, #tpu.memory_space<semaphore_mem>>) src(%arg7 : memref<128xf32, #tpu.memory_space<vmem>>) dst(%dma_wait3A_33 : memref<10240xf32, #tpu.memory_space<vmem_shared>>)
        tpu.yield
      }) : () -> ()
    }
    %while3A_19 = arith.constant 1 : i32
    scf.for %while3A_25 = %while3A_17 to %while3A_13 step %while3A_19  : i32 {
      "tpu.region"() ({
        %run_scoped3A = tpu.sem_alloc : memref<!tpu.dma_semaphore, #tpu.memory_space<semaphore_mem>>
        %dma_start3A = arith.constant 0 : i32
        %dma_start3A_26 = tpu.memref_slice %arg6[%while3A_25, %dma_start3A] : memref<80x128xi32, #tpu.memory_space<vmem>> -> memref<1x128xi32, #tpu.memory_space<vmem>>
        %dma_start3A_27 = tpu.memref_squeeze %dma_start3A_26 : memref<1x128xi32, #tpu.memory_space<vmem>> -> memref<128xi32, #tpu.memory_space<vmem>>
        %dma_start3A_28 = arith.constant 0 : i32
        %dma_start3A_29 = tpu.memref_slice %arg8[%dma_start3A_28] : memref<10240xf32, #tpu.memory_space<vmem_shared>> -> memref<10240xf32, #tpu.memory_space<vmem_shared>>
        tpu.enqueue_indirect_dma source(%arg7 : memref<128xf32, #tpu.memory_space<vmem>>) target(%dma_start3A_29 : memref<10240xf32, #tpu.memory_space<vmem_shared>>) offsets(%dma_start3A_27 : memref<128xi32, #tpu.memory_space<vmem>>) semaphore(%run_scoped3A : memref<!tpu.dma_semaphore, #tpu.memory_space<semaphore_mem>>) {add = true}
        %dma_wait3A = arith.constant 0 : i32
        %dma_wait3A_30 = tpu.memref_slice %arg6[%while3A_25, %dma_wait3A] : memref<80x128xi32, #tpu.memory_space<vmem>> -> memref<1x128xi32, #tpu.memory_space<vmem>>
        %dma_wait3A_31 = tpu.memref_squeeze %dma_wait3A_30 : memref<1x128xi32, #tpu.memory_space<vmem>> -> memref<128xi32, #tpu.memory_space<vmem>>
        %dma_wait3A_32 = arith.constant 0 : i32
        %dma_wait3A_33 = tpu.memref_slice %arg8[%dma_wait3A_32] : memref<10240xf32, #tpu.memory_space<vmem_shared>> -> memref<10240xf32, #tpu.memory_space<vmem_shared>>
        tpu.wait_indirect_dma semaphore(%run_scoped3A : memref<!tpu.dma_semaphore, #tpu.memory_space<semaphore_mem>>) src(%arg7 : memref<128xf32, #tpu.memory_space<vmem>>) dst(%dma_wait3A_33 : memref<10240xf32, #tpu.memory_space<vmem_shared>>)
        tpu.yield
      }) : () -> ()
    }
    %barrier3A_20 = arith.constant 0 : index
    tpu.barrier barrier_id(%barrier3A_20)
    %mul3A_21 = arith.constant 640 : i32
    %mul3A_22 = arith.muli %arg1, %mul3A_21 : i32
    %mul3A_23 = arith.constant 640 : i32
    %mul3A_24 = arith.muli %arg1, %mul3A_23 : i32
    "tpu.region"() ({
      %run_scoped3A = tpu.sem_alloc : memref<!tpu.dma_semaphore, #tpu.memory_space<semaphore_mem>>
      %dma_start3A = tpu.memref_slice %arg5[%arg0, %mul3A_24] : memref<2x10240xf32, #tpu.memory_space<hbm>> -> memref<1x640xf32, #tpu.memory_space<hbm>>
      %dma_start3A_25 = tpu.memref_squeeze %dma_start3A : memref<1x640xf32, #tpu.memory_space<hbm>> -> memref<640xf32, #tpu.memory_space<hbm>>
      %dma_start3A_26 = tpu.memref_slice %arg8[%mul3A_22] : memref<10240xf32, #tpu.memory_space<vmem_shared>> -> memref<640xf32, #tpu.memory_space<vmem_shared>>
      tpu.enqueue_dma source(%dma_start3A_26 : memref<640xf32, #tpu.memory_space<vmem_shared>>) target(%dma_start3A_25 : memref<640xf32, #tpu.memory_space<hbm>>) target_semaphore(%run_scoped3A : memref<!tpu.dma_semaphore, #tpu.memory_space<semaphore_mem>>)
      %dma_wait3A = tpu.memref_slice %arg5[%arg0, %mul3A_24] : memref<2x10240xf32, #tpu.memory_space<hbm>> -> memref<1x640xf32, #tpu.memory_space<hbm>>
      %dma_wait3A_27 = tpu.memref_squeeze %dma_wait3A : memref<1x640xf32, #tpu.memory_space<hbm>> -> memref<640xf32, #tpu.memory_space<hbm>>
      %dma_wait3A_28 = tpu.memref_slice %arg8[%mul3A_22] : memref<10240xf32, #tpu.memory_space<vmem_shared>> -> memref<640xf32, #tpu.memory_space<vmem_shared>>
      tpu.wait_dma2 semaphore(%run_scoped3A : memref<!tpu.dma_semaphore, #tpu.memory_space<semaphore_mem>>) src(%dma_wait3A_28 : memref<640xf32, #tpu.memory_space<vmem_shared>>) dst(%dma_wait3A_27 : memref<640xf32, #tpu.memory_space<hbm>>)
      tpu.yield
    }) : () -> ()
    return
  }
}

#map = affine_map<(d0, d1) -> (0, 0)>
#map1 = affine_map<(d0, d1) -> (0, 0, 0)>
module attributes {stable_mosaic.version = 14 : i64} {
  func.func @k(%arg0: i32, %arg1: i32, %arg2: memref<10240x64xbf16, #tpu.memory_space<hbm>>, %arg3: memref<2640x128xi32, #tpu.memory_space<hbm>>, %arg4: memref<2640x128xi32, #tpu.memory_space<hbm>>, %arg5: memref<640x64xf32, #tpu.memory_space<hbm>>, %arg6: memref<2x10240x64xf32, #tpu.memory_space<hbm>>, %arg7: memref<80x128xi32, #tpu.memory_space<vmem>>, %arg8: memref<80x128xi32, #tpu.memory_space<vmem>>, %arg9: memref<128x64xbf16, #tpu.memory_space<vmem>>, %arg10: memref<128x64xbf16, #tpu.memory_space<vmem>>, %arg11: memref<128x64xbf16, #tpu.memory_space<vmem>>, %arg12: memref<128x64xbf16, #tpu.memory_space<vmem>>, %arg13: memref<128x64xf32, #tpu.memory_space<vmem>>, %arg14: memref<128x64xf32, #tpu.memory_space<vmem>>, %arg15: memref<128x64xf32, #tpu.memory_space<vmem>>, %arg16: memref<128x64xf32, #tpu.memory_space<vmem>>, %arg17: memref<10240x64xf32, #tpu.memory_space<vmem_shared>>, %arg18: memref<10016x64xbf16, #tpu.memory_space<vmem_shared>>, %arg19: memref<!tpu.dma_semaphore, #tpu.memory_space<semaphore_mem>>, %arg20: memref<!tpu.dma_semaphore, #tpu.memory_space<semaphore_mem>>, %arg21: memref<!tpu.dma_semaphore, #tpu.memory_space<semaphore_mem>>, %arg22: memref<!tpu.dma_semaphore, #tpu.memory_space<semaphore_mem>>, %arg23: memref<!tpu.dma_semaphore, #tpu.memory_space<semaphore_mem>>, %arg24: memref<!tpu.dma_semaphore, #tpu.memory_space<semaphore_mem>>, %arg25: memref<!tpu.dma_semaphore, #tpu.memory_space<semaphore_mem>>, %arg26: memref<!tpu.dma_semaphore, #tpu.memory_space<semaphore_mem>>) attributes {dimension_semantics = [#tpu.dimension_semantics<core_parallel>, #tpu.dimension_semantics<subcore_parallel>], iteration_bounds = array<i64: 2, 16>, scalar_prefetch = 0 : i64, scratch_operands = 20 : i64, tpu.core_type = #tpu.core_type<sc_vector_subcore>, window_params = [{transform_indices = #map}, {transform_indices = #map}, {transform_indices = #map}, {transform_indices = #map}, {transform_indices = #map1}]} {
    %eq3A = arith.constant 0 : i32
    %eq3A_0 = arith.cmpi eq, %arg0, %eq3A : i32
    %mul3A = arith.constant 80 : i32
    %mul3A_1 = arith.muli %arg1, %mul3A : i32
    %mul3A_2 = arith.constant 80 : i32
    %mul3A_3 = arith.muli %arg1, %mul3A_2 : i32
    %add3A = arith.constant 1280 : i32
    %add3A_4 = arith.addi %add3A, %mul3A_3 : i32
    %select_n3A = arith.select %eq3A_0, %mul3A_1, %add3A_4 : i32
    %eq3A_5 = arith.constant 0 : i32
    %eq3A_6 = arith.cmpi eq, %arg0, %eq3A_5 : i32
    %jit3A = arith.constant 80 : i32
    %jit3A_7 = arith.constant 80 : i32
    %select_n3A_8 = arith.select %eq3A_6, %jit3A, %jit3A_7 : i32
    "tpu.region"() ({
      %run_scoped3A = tpu.sem_alloc : memref<!tpu.dma_semaphore, #tpu.memory_space<semaphore_mem>>
      %dma_start3A_114 = arith.constant 0 : i32
      %dma_start3A_115 = tpu.memref_slice %arg3[%select_n3A, %dma_start3A_114] : memref<2640x128xi32, #tpu.memory_space<hbm>> -> memref<80x128xi32, #tpu.memory_space<hbm>>
      %dma_start3A_116 = arith.constant 0 : i32
      %dma_start3A_117 = tpu.memref_slice %arg3[%select_n3A, %dma_start3A_116] : memref<2640x128xi32, #tpu.memory_space<hbm>> -> memref<80x128xi32, #tpu.memory_space<hbm>>
      tpu.enqueue_dma source(%dma_start3A_117 : memref<80x128xi32, #tpu.memory_space<hbm>>) target(%arg7 : memref<80x128xi32, #tpu.memory_space<vmem>>) target_semaphore(%run_scoped3A : memref<!tpu.dma_semaphore, #tpu.memory_space<semaphore_mem>>)
      %dma_wait3A_118 = arith.constant 0 : i32
      %dma_wait3A_119 = tpu.memref_slice %arg3[%select_n3A, %dma_wait3A_118] : memref<2640x128xi32, #tpu.memory_space<hbm>> -> memref<80x128xi32, #tpu.memory_space<hbm>>
      %dma_wait3A_120 = arith.constant 0 : i32
      %dma_wait3A_121 = tpu.memref_slice %arg3[%select_n3A, %dma_wait3A_120] : memref<2640x128xi32, #tpu.memory_space<hbm>> -> memref<80x128xi32, #tpu.memory_space<hbm>>
      tpu.wait_dma2 semaphore(%run_scoped3A : memref<!tpu.dma_semaphore, #tpu.memory_space<semaphore_mem>>) src(%dma_wait3A_121 : memref<80x128xi32, #tpu.memory_space<hbm>>) dst(%arg7 : memref<80x128xi32, #tpu.memory_space<vmem>>)
      tpu.yield
    }) : () -> ()
    "tpu.region"() ({
      %run_scoped3A = tpu.sem_alloc : memref<!tpu.dma_semaphore, #tpu.memory_space<semaphore_mem>>
      %dma_start3A_114 = arith.constant 0 : i32
      %dma_start3A_115 = tpu.memref_slice %arg4[%select_n3A, %dma_start3A_114] : memref<2640x128xi32, #tpu.memory_space<hbm>> -> memref<80x128xi32, #tpu.memory_space<hbm>>
      %dma_start3A_116 = arith.constant 0 : i32
      %dma_start3A_117 = tpu.memref_slice %arg4[%select_n3A, %dma_start3A_116] : memref<2640x128xi32, #tpu.memory_space<hbm>> -> memref<80x128xi32, #tpu.memory_space<hbm>>
      tpu.enqueue_dma source(%dma_start3A_117 : memref<80x128xi32, #tpu.memory_space<hbm>>) target(%arg8 : memref<80x128xi32, #tpu.memory_space<vmem>>) target_semaphore(%run_scoped3A : memref<!tpu.dma_semaphore, #tpu.memory_space<semaphore_mem>>)
      %dma_wait3A_118 = arith.constant 0 : i32
      %dma_wait3A_119 = tpu.memref_slice %arg4[%select_n3A, %dma_wait3A_118] : memref<2640x128xi32, #tpu.memory_space<hbm>> -> memref<80x128xi32, #tpu.memory_space<hbm>>
      %dma_wait3A_120 = arith.constant 0 : i32
      %dma_wait3A_121 = tpu.memref_slice %arg4[%select_n3A, %dma_wait3A_120] : memref<2640x128xi32, #tpu.memory_space<hbm>> -> memref<80x128xi32, #tpu.memory_space<hbm>>
      tpu.wait_dma2 semaphore(%run_scoped3A : memref<!tpu.dma_semaphore, #tpu.memory_space<semaphore_mem>>) src(%dma_wait3A_121 : memref<80x128xi32, #tpu.memory_space<hbm>>) dst(%arg8 : memref<80x128xi32, #tpu.memory_space<vmem>>)
      tpu.yield
    }) : () -> ()
    %mul3A_9 = arith.constant 640 : i32
    %mul3A_10 = arith.muli %arg1, %mul3A_9 : i32
    "tpu.region"() ({
      %run_scoped3A = tpu.sem_alloc : memref<!tpu.dma_semaphore, #tpu.memory_space<semaphore_mem>>
      %dma_start3A_114 = arith.constant 0 : i32
      %dma_start3A_115 = tpu.memref_slice %arg17[%mul3A_10, %dma_start3A_114] : memref<10240x64xf32, #tpu.memory_space<vmem_shared>> -> memref<640x64xf32, #tpu.memory_space<vmem_shared>>
      tpu.enqueue_dma source(%arg5 : memref<640x64xf32, #tpu.memory_space<hbm>>) target(%dma_start3A_115 : memref<640x64xf32, #tpu.memory_space<vmem_shared>>) target_semaphore(%run_scoped3A : memref<!tpu.dma_semaphore, #tpu.memory_space<semaphore_mem>>)
      %dma_wait3A_116 = arith.constant 0 : i32
      %dma_wait3A_117 = tpu.memref_slice %arg17[%mul3A_10, %dma_wait3A_116] : memref<10240x64xf32, #tpu.memory_space<vmem_shared>> -> memref<640x64xf32, #tpu.memory_space<vmem_shared>>
      tpu.wait_dma2 semaphore(%run_scoped3A : memref<!tpu.dma_semaphore, #tpu.memory_space<semaphore_mem>>) src(%arg5 : memref<640x64xf32, #tpu.memory_space<hbm>>) dst(%dma_wait3A_117 : memref<640x64xf32, #tpu.memory_space<vmem_shared>>)
      tpu.yield
    }) : () -> ()
    %mul3A_11 = arith.constant 626 : i32
    %mul3A_12 = arith.muli %arg1, %mul3A_11 : i32
    %mul3A_13 = arith.constant 626 : i32
    %mul3A_14 = arith.muli %arg1, %mul3A_13 : i32
    "tpu.region"() ({
      %run_scoped3A = tpu.sem_alloc : memref<!tpu.dma_semaphore, #tpu.memory_space<semaphore_mem>>
      %dma_start3A_114 = arith.constant 0 : i32
      %dma_start3A_115 = tpu.memref_slice %arg18[%mul3A_14, %dma_start3A_114] : memref<10016x64xbf16, #tpu.memory_space<vmem_shared>> -> memref<626x64xbf16, #tpu.memory_space<vmem_shared>>
      %dma_start3A_116 = arith.constant 0 : i32
      %dma_start3A_117 = tpu.memref_slice %arg2[%mul3A_12, %dma_start3A_116] : memref<10240x64xbf16, #tpu.memory_space<hbm>> -> memref<626x64xbf16, #tpu.memory_space<hbm>>
      tpu.enqueue_dma source(%dma_start3A_117 : memref<626x64xbf16, #tpu.memory_space<hbm>>) target(%dma_start3A_115 : memref<626x64xbf16, #tpu.memory_space<vmem_shared>>) target_semaphore(%run_scoped3A : memref<!tpu.dma_semaphore, #tpu.memory_space<semaphore_mem>>)
      %dma_wait3A_118 = arith.constant 0 : i32
      %dma_wait3A_119 = tpu.memref_slice %arg18[%mul3A_14, %dma_wait3A_118] : memref<10016x64xbf16, #tpu.memory_space<vmem_shared>> -> memref<626x64xbf16, #tpu.memory_space<vmem_shared>>
      %dma_wait3A_120 = arith.constant 0 : i32
      %dma_wait3A_121 = tpu.memref_slice %arg2[%mul3A_12, %dma_wait3A_120] : memref<10240x64xbf16, #tpu.memory_space<hbm>> -> memref<626x64xbf16, #tpu.memory_space<hbm>>
      tpu.wait_dma2 semaphore(%run_scoped3A : memref<!tpu.dma_semaphore, #tpu.memory_space<semaphore_mem>>) src(%dma_wait3A_121 : memref<626x64xbf16, #tpu.memory_space<hbm>>) dst(%dma_wait3A_119 : memref<626x64xbf16, #tpu.memory_space<vmem_shared>>)
      tpu.yield
    }) : () -> ()
    %barrier3A = arith.constant 0 : index
    tpu.barrier barrier_id(%barrier3A)
    %iota3A = tpu.iota {dimensions = array<i32: 0>} : vector<16xi32>
    %broadcast_in_dim3A = arith.constant -65536 : i32
    %broadcast_in_dim3A_15 = vector.broadcast %broadcast_in_dim3A : i32 to vector<16xi32>
    %dma_start3A = arith.constant 0 : i32
    %dma_start3A_16 = arith.constant 0 : i32
    %dma_start3A_17 = tpu.memref_slice %arg7[%dma_start3A, %dma_start3A_16] : memref<80x128xi32, #tpu.memory_space<vmem>> -> memref<1x128xi32, #tpu.memory_space<vmem>>
    %dma_start3A_18 = tpu.memref_squeeze %dma_start3A_17 : memref<1x128xi32, #tpu.memory_space<vmem>> -> memref<128xi32, #tpu.memory_space<vmem>>
    %dma_start3A_19 = arith.constant 0 : i32
    %dma_start3A_20 = arith.constant 0 : i32
    %dma_start3A_21 = tpu.memref_slice %arg18[%dma_start3A_19, %dma_start3A_20] : memref<10016x64xbf16, #tpu.memory_space<vmem_shared>> -> memref<10016x64xbf16, #tpu.memory_space<vmem_shared>>
    tpu.enqueue_indirect_dma source(%dma_start3A_21 : memref<10016x64xbf16, #tpu.memory_space<vmem_shared>>) target(%arg9 : memref<128x64xbf16, #tpu.memory_space<vmem>>) offsets(%dma_start3A_18 : memref<128xi32, #tpu.memory_space<vmem>>) semaphore(%arg19 : memref<!tpu.dma_semaphore, #tpu.memory_space<semaphore_mem>>)
    %dma_start3A_22 = arith.constant 1 : i32
    %dma_start3A_23 = arith.constant 0 : i32
    %dma_start3A_24 = tpu.memref_slice %arg7[%dma_start3A_22, %dma_start3A_23] : memref<80x128xi32, #tpu.memory_space<vmem>> -> memref<1x128xi32, #tpu.memory_space<vmem>>
    %dma_start3A_25 = tpu.memref_squeeze %dma_start3A_24 : memref<1x128xi32, #tpu.memory_space<vmem>> -> memref<128xi32, #tpu.memory_space<vmem>>
    %dma_start3A_26 = arith.constant 0 : i32
    %dma_start3A_27 = arith.constant 0 : i32
    %dma_start3A_28 = tpu.memref_slice %arg18[%dma_start3A_26, %dma_start3A_27] : memref<10016x64xbf16, #tpu.memory_space<vmem_shared>> -> memref<10016x64xbf16, #tpu.memory_space<vmem_shared>>
    tpu.enqueue_indirect_dma source(%dma_start3A_28 : memref<10016x64xbf16, #tpu.memory_space<vmem_shared>>) target(%arg10 : memref<128x64xbf16, #tpu.memory_space<vmem>>) offsets(%dma_start3A_25 : memref<128xi32, #tpu.memory_space<vmem>>) semaphore(%arg20 : memref<!tpu.dma_semaphore, #tpu.memory_space<semaphore_mem>>)
    %dma_start3A_29 = arith.constant 2 : i32
    %dma_start3A_30 = arith.constant 0 : i32
    %dma_start3A_31 = tpu.memref_slice %arg7[%dma_start3A_29, %dma_start3A_30] : memref<80x128xi32, #tpu.memory_space<vmem>> -> memref<1x128xi32, #tpu.memory_space<vmem>>
    %dma_start3A_32 = tpu.memref_squeeze %dma_start3A_31 : memref<1x128xi32, #tpu.memory_space<vmem>> -> memref<128xi32, #tpu.memory_space<vmem>>
    %dma_start3A_33 = arith.constant 0 : i32
    %dma_start3A_34 = arith.constant 0 : i32
    %dma_start3A_35 = tpu.memref_slice %arg18[%dma_start3A_33, %dma_start3A_34] : memref<10016x64xbf16, #tpu.memory_space<vmem_shared>> -> memref<10016x64xbf16, #tpu.memory_space<vmem_shared>>
    tpu.enqueue_indirect_dma source(%dma_start3A_35 : memref<10016x64xbf16, #tpu.memory_space<vmem_shared>>) target(%arg11 : memref<128x64xbf16, #tpu.memory_space<vmem>>) offsets(%dma_start3A_32 : memref<128xi32, #tpu.memory_space<vmem>>) semaphore(%arg21 : memref<!tpu.dma_semaphore, #tpu.memory_space<semaphore_mem>>)
    %dma_start3A_36 = arith.constant 3 : i32
    %dma_start3A_37 = arith.constant 0 : i32
    %dma_start3A_38 = tpu.memref_slice %arg7[%dma_start3A_36, %dma_start3A_37] : memref<80x128xi32, #tpu.memory_space<vmem>> -> memref<1x128xi32, #tpu.memory_space<vmem>>
    %dma_start3A_39 = tpu.memref_squeeze %dma_start3A_38 : memref<1x128xi32, #tpu.memory_space<vmem>> -> memref<128xi32, #tpu.memory_space<vmem>>
    %dma_start3A_40 = arith.constant 0 : i32
    %dma_start3A_41 = arith.constant 0 : i32
    %dma_start3A_42 = tpu.memref_slice %arg18[%dma_start3A_40, %dma_start3A_41] : memref<10016x64xbf16, #tpu.memory_space<vmem_shared>> -> memref<10016x64xbf16, #tpu.memory_space<vmem_shared>>
    tpu.enqueue_indirect_dma source(%dma_start3A_42 : memref<10016x64xbf16, #tpu.memory_space<vmem_shared>>) target(%arg12 : memref<128x64xbf16, #tpu.memory_space<vmem>>) offsets(%dma_start3A_39 : memref<128xi32, #tpu.memory_space<vmem>>) semaphore(%arg22 : memref<!tpu.dma_semaphore, #tpu.memory_space<semaphore_mem>>)
    %jit3A_43 = arith.constant 4 : i32
    %div3A = arith.divsi %select_n3A_8, %jit3A_43 : i32
    %sign3A = arith.constant 0 : i32
    %sign3A_44 = arith.cmpi sgt, %select_n3A_8, %sign3A : i32
    %sign3A_45 = arith.extui %sign3A_44 : i1 to i32
    %sign3A_46 = arith.constant 0 : i32
    %sign3A_47 = arith.cmpi slt, %select_n3A_8, %sign3A_46 : i32
    %sign3A_48 = arith.extui %sign3A_47 : i1 to i32
    %sign3A_49 = arith.subi %sign3A_45, %sign3A_48 : i32
    %sign3A_50 = arith.constant 0 : i32
    %sign3A_51 = arith.cmpi sgt, %jit3A_43, %sign3A_50 : i32
    %sign3A_52 = arith.extui %sign3A_51 : i1 to i32
    %sign3A_53 = arith.constant 0 : i32
    %sign3A_54 = arith.cmpi slt, %jit3A_43, %sign3A_53 : i32
    %sign3A_55 = arith.extui %sign3A_54 : i1 to i32
    %sign3A_56 = arith.subi %sign3A_52, %sign3A_55 : i32
    %ne3A = arith.cmpi ne, %sign3A_49, %sign3A_56 : i32
    %rem3A = arith.remsi %select_n3A_8, %jit3A_43 : i32
    %ne3A_57 = arith.constant 0 : i32
    %ne3A_58 = arith.cmpi ne, %rem3A, %ne3A_57 : i32
    %and3A = arith.andi %ne3A, %ne3A_58 : i1
    %sub3A = arith.constant 1 : i32
    %sub3A_59 = arith.subi %div3A, %sub3A : i32
    %select_n3A_60 = arith.select %and3A, %sub3A_59, %div3A : i32
    %while3A = arith.constant 0 : i32
    %while3A_61 = arith.constant 0 : i32
    %while3A_62 = arith.subi %select_n3A_60, %while3A_61 : i32
    %while3A_63 = arith.addi %while3A_61, %while3A_62 : i32
    %while3A_64 = arith.constant 1 : i32
    %while3A_65 = arith.divsi %while3A_62, %while3A_64 : i32
    %while3A_66 = arith.muli %while3A_65, %while3A_64 : i32
    %while3A_67 = arith.addi %while3A_61, %while3A_66 : i32
    %while3A_68 = arith.constant 1 : i32
    scf.for %while3A_114 = %while3A_61 to %while3A_67 step %while3A_68  : i32 {
      %mul3A_115 = arith.constant 4 : i32
      %mul3A_116 = arith.muli %while3A_114, %mul3A_115 : i32
      %add3A_117 = arith.constant 0 : i32
      %add3A_118 = arith.addi %mul3A_116, %add3A_117 : i32
      %ge3A = arith.constant 4 : i32
      %ge3A_119 = arith.cmpi sge, %add3A_118, %ge3A : i32
      %convert_element_type3A = arith.extui %ge3A_119 : i1 to i32
      %cond3A = arith.constant 0 : i32
      %cond3A_120 = arith.cmpi ne, %convert_element_type3A, %cond3A : i32
      scf.if %cond3A_120 {
        %sub3A_242 = arith.constant 4 : i32
        %sub3A_243 = arith.subi %add3A_118, %sub3A_242 : i32
        %dma_wait3A_244 = arith.constant 0 : i32
        %dma_wait3A_245 = tpu.memref_slice %arg8[%sub3A_243, %dma_wait3A_244] : memref<80x128xi32, #tpu.memory_space<vmem>> -> memref<1x128xi32, #tpu.memory_space<vmem>>
        %dma_wait3A_246 = tpu.memref_squeeze %dma_wait3A_245 : memref<1x128xi32, #tpu.memory_space<vmem>> -> memref<128xi32, #tpu.memory_space<vmem>>
        %dma_wait3A_247 = arith.constant 0 : i32
        %dma_wait3A_248 = arith.constant 0 : i32
        %dma_wait3A_249 = tpu.memref_slice %arg17[%dma_wait3A_247, %dma_wait3A_248] : memref<10240x64xf32, #tpu.memory_space<vmem_shared>> -> memref<10240x64xf32, #tpu.memory_space<vmem_shared>>
        tpu.wait_indirect_dma semaphore(%arg23 : memref<!tpu.dma_semaphore, #tpu.memory_space<semaphore_mem>>) src(%arg13 : memref<128x64xf32, #tpu.memory_space<vmem>>) dst(%dma_wait3A_249 : memref<10240x64xf32, #tpu.memory_space<vmem_shared>>)
      } else {
      }
      %dma_wait3A_121 = arith.constant 0 : i32
      %dma_wait3A_122 = tpu.memref_slice %arg7[%add3A_118, %dma_wait3A_121] : memref<80x128xi32, #tpu.memory_space<vmem>> -> memref<1x128xi32, #tpu.memory_space<vmem>>
      %dma_wait3A_123 = tpu.memref_squeeze %dma_wait3A_122 : memref<1x128xi32, #tpu.memory_space<vmem>> -> memref<128xi32, #tpu.memory_space<vmem>>
      %dma_wait3A_124 = arith.constant 0 : i32
      %dma_wait3A_125 = arith.constant 0 : i32
      %dma_wait3A_126 = tpu.memref_slice %arg18[%dma_wait3A_124, %dma_wait3A_125] : memref<10016x64xbf16, #tpu.memory_space<vmem_shared>> -> memref<10016x64xbf16, #tpu.memory_space<vmem_shared>>
      tpu.wait_indirect_dma semaphore(%arg19 : memref<!tpu.dma_semaphore, #tpu.memory_space<semaphore_mem>>) src(%dma_wait3A_126 : memref<10016x64xbf16, #tpu.memory_space<vmem_shared>>) dst(%arg9 : memref<128x64xbf16, #tpu.memory_space<vmem>>)
      %scan3A = arith.constant 0 : i32
      %scan3A_127 = arith.constant 0 : i32
      %scan3A_128 = arith.constant 128 : i32
      %scan3A_129 = arith.addi %scan3A_127, %scan3A_128 : i32
      %scan3A_130 = arith.constant 1 : i32
      scf.for %scan3A_242 = %scan3A_127 to %scan3A_129 step %scan3A_130  : i32 {
        %broadcast_in_dim3A_243 = vector.broadcast %scan3A_242 : i32 to vector<16xi32>
        %get3A = arith.index_cast %scan3A_242 : i32 to index
        %get3A_244 = arith.constant 0 : index
        %get3A_245 = tpu.vector_load %arg9[%get3A, %get3A_244] {strides = array<i32>} : memref<128x64xbf16, #tpu.memory_space<vmem>>, vector<32xbf16>,
        %bitcast3A = vector.bitcast %get3A_245 : vector<32xbf16> to vector<16xi32>
        %shift_left3A = arith.constant 16 : i32
        %shift_left3A_246 = vector.broadcast %shift_left3A : i32 to vector<16xi32>
        %shift_left3A_247 = arith.shli %bitcast3A, %shift_left3A_246 : vector<16xi32>
        %bitcast3A_248 = vector.bitcast %shift_left3A_247 : vector<16xi32> to vector<16xf32>
        %and3A_249 = arith.andi %bitcast3A, %broadcast_in_dim3A_15 : vector<16xi32>
        %bitcast3A_250 = vector.bitcast %and3A_249 : vector<16xi32> to vector<16xf32>
        %mul3A_251 = arith.constant 2 : i32
        %mul3A_252 = vector.broadcast %mul3A_251 : i32 to vector<16xi32>
        %mul3A_253 = arith.muli %mul3A_252, %iota3A : vector<16xi32>
        %add3A_254 = arith.constant 0 : i32
        %add3A_255 = vector.broadcast %add3A_254 : i32 to vector<16xi32>
        %add3A_256 = arith.addi %add3A_255, %mul3A_253 : vector<16xi32>
        tpu.vector_store_idx %arg13[%broadcast_in_dim3A_243, %add3A_256], %bitcast3A_248 : memref<128x64xf32, #tpu.memory_space<vmem>>[vector<16xi32>, vector<16xi32>], vector<16xf32>,
        %add3A_257 = arith.constant 1 : i32
        %add3A_258 = vector.broadcast %add3A_257 : i32 to vector<16xi32>
        %add3A_259 = arith.addi %add3A_256, %add3A_258 : vector<16xi32>
        tpu.vector_store_idx %arg13[%broadcast_in_dim3A_243, %add3A_259], %bitcast3A_250 : memref<128x64xf32, #tpu.memory_space<vmem>>[vector<16xi32>, vector<16xi32>], vector<16xf32>,
        %get3A_260 = arith.index_cast %scan3A_242 : i32 to index
        %get3A_261 = arith.constant 32 : index
        %get3A_262 = tpu.vector_load %arg9[%get3A_260, %get3A_261] {strides = array<i32>} : memref<128x64xbf16, #tpu.memory_space<vmem>>, vector<32xbf16>,
        %bitcast3A_263 = vector.bitcast %get3A_262 : vector<32xbf16> to vector<16xi32>
        %shift_left3A_264 = arith.constant 16 : i32
        %shift_left3A_265 = vector.broadcast %shift_left3A_264 : i32 to vector<16xi32>
        %shift_left3A_266 = arith.shli %bitcast3A_263, %shift_left3A_265 : vector<16xi32>
        %bitcast3A_267 = vector.bitcast %shift_left3A_266 : vector<16xi32> to vector<16xf32>
        %and3A_268 = arith.andi %bitcast3A_263, %broadcast_in_dim3A_15 : vector<16xi32>
        %bitcast3A_269 = vector.bitcast %and3A_268 : vector<16xi32> to vector<16xf32>
        %mul3A_270 = arith.constant 2 : i32
        %mul3A_271 = vector.broadcast %mul3A_270 : i32 to vector<16xi32>
        %mul3A_272 = arith.muli %mul3A_271, %iota3A : vector<16xi32>
        %add3A_273 = arith.constant 32 : i32
        %add3A_274 = vector.broadcast %add3A_273 : i32 to vector<16xi32>
        %add3A_275 = arith.addi %add3A_274, %mul3A_272 : vector<16xi32>
        tpu.vector_store_idx %arg13[%broadcast_in_dim3A_243, %add3A_275], %bitcast3A_267 : memref<128x64xf32, #tpu.memory_space<vmem>>[vector<16xi32>, vector<16xi32>], vector<16xf32>,
        %add3A_276 = arith.constant 1 : i32
        %add3A_277 = vector.broadcast %add3A_276 : i32 to vector<16xi32>
        %add3A_278 = arith.addi %add3A_275, %add3A_277 : vector<16xi32>
        tpu.vector_store_idx %arg13[%broadcast_in_dim3A_243, %add3A_278], %bitcast3A_269 : memref<128x64xf32, #tpu.memory_space<vmem>>[vector<16xi32>, vector<16xi32>], vector<16xf32>,
      }
      %scan3A_131 = arith.constant 128 : i32
      %add3A_132 = arith.constant 4 : i32
      %add3A_133 = arith.addi %add3A_118, %add3A_132 : i32
      %lt3A = arith.cmpi slt, %add3A_133, %select_n3A_8 : i32
      %convert_element_type3A_134 = arith.extui %lt3A : i1 to i32
      %cond3A_135 = arith.constant 0 : i32
      %cond3A_136 = arith.cmpi ne, %convert_element_type3A_134, %cond3A_135 : i32
      scf.if %cond3A_136 {
        %add3A_242 = arith.constant 4 : i32
        %add3A_243 = arith.addi %add3A_118, %add3A_242 : i32
        %dma_start3A_244 = arith.constant 0 : i32
        %dma_start3A_245 = tpu.memref_slice %arg7[%add3A_243, %dma_start3A_244] : memref<80x128xi32, #tpu.memory_space<vmem>> -> memref<1x128xi32, #tpu.memory_space<vmem>>
        %dma_start3A_246 = tpu.memref_squeeze %dma_start3A_245 : memref<1x128xi32, #tpu.memory_space<vmem>> -> memref<128xi32, #tpu.memory_space<vmem>>
        %dma_start3A_247 = arith.constant 0 : i32
        %dma_start3A_248 = arith.constant 0 : i32
        %dma_start3A_249 = tpu.memref_slice %arg18[%dma_start3A_247, %dma_start3A_248] : memref<10016x64xbf16, #tpu.memory_space<vmem_shared>> -> memref<10016x64xbf16, #tpu.memory_space<vmem_shared>>
        tpu.enqueue_indirect_dma source(%dma_start3A_249 : memref<10016x64xbf16, #tpu.memory_space<vmem_shared>>) target(%arg9 : memref<128x64xbf16, #tpu.memory_space<vmem>>) offsets(%dma_start3A_246 : memref<128xi32, #tpu.memory_space<vmem>>) semaphore(%arg19 : memref<!tpu.dma_semaphore, #tpu.memory_space<semaphore_mem>>)
      } else {
      }
      %dma_start3A_137 = arith.constant 0 : i32
      %dma_start3A_138 = tpu.memref_slice %arg8[%add3A_118, %dma_start3A_137] : memref<80x128xi32, #tpu.memory_space<vmem>> -> memref<1x128xi32, #tpu.memory_space<vmem>>
      %dma_start3A_139 = tpu.memref_squeeze %dma_start3A_138 : memref<1x128xi32, #tpu.memory_space<vmem>> -> memref<128xi32, #tpu.memory_space<vmem>>
      %dma_start3A_140 = arith.constant 0 : i32
      %dma_start3A_141 = arith.constant 0 : i32
      %dma_start3A_142 = tpu.memref_slice %arg17[%dma_start3A_140, %dma_start3A_141] : memref<10240x64xf32, #tpu.memory_space<vmem_shared>> -> memref<10240x64xf32, #tpu.memory_space<vmem_shared>>
      tpu.enqueue_indirect_dma source(%arg13 : memref<128x64xf32, #tpu.memory_space<vmem>>) target(%dma_start3A_142 : memref<10240x64xf32, #tpu.memory_space<vmem_shared>>) offsets(%dma_start3A_139 : memref<128xi32, #tpu.memory_space<vmem>>) semaphore(%arg23 : memref<!tpu.dma_semaphore, #tpu.memory_space<semaphore_mem>>) {add = true}
      %mul3A_143 = arith.constant 4 : i32
      %mul3A_144 = arith.muli %while3A_114, %mul3A_143 : i32
      %add3A_145 = arith.constant 1 : i32
      %add3A_146 = arith.addi %mul3A_144, %add3A_145 : i32
      %ge3A_147 = arith.constant 4 : i32
      %ge3A_148 = arith.cmpi sge, %add3A_146, %ge3A_147 : i32
      %convert_element_type3A_149 = arith.extui %ge3A_148 : i1 to i32
      %cond3A_150 = arith.constant 0 : i32
      %cond3A_151 = arith.cmpi ne, %convert_element_type3A_149, %cond3A_150 : i32
      scf.if %cond3A_151 {
        %sub3A_242 = arith.constant 4 : i32
        %sub3A_243 = arith.subi %add3A_146, %sub3A_242 : i32
        %dma_wait3A_244 = arith.constant 0 : i32
        %dma_wait3A_245 = tpu.memref_slice %arg8[%sub3A_243, %dma_wait3A_244] : memref<80x128xi32, #tpu.memory_space<vmem>> -> memref<1x128xi32, #tpu.memory_space<vmem>>
        %dma_wait3A_246 = tpu.memref_squeeze %dma_wait3A_245 : memref<1x128xi32, #tpu.memory_space<vmem>> -> memref<128xi32, #tpu.memory_space<vmem>>
        %dma_wait3A_247 = arith.constant 0 : i32
        %dma_wait3A_248 = arith.constant 0 : i32
        %dma_wait3A_249 = tpu.memref_slice %arg17[%dma_wait3A_247, %dma_wait3A_248] : memref<10240x64xf32, #tpu.memory_space<vmem_shared>> -> memref<10240x64xf32, #tpu.memory_space<vmem_shared>>
        tpu.wait_indirect_dma semaphore(%arg24 : memref<!tpu.dma_semaphore, #tpu.memory_space<semaphore_mem>>) src(%arg14 : memref<128x64xf32, #tpu.memory_space<vmem>>) dst(%dma_wait3A_249 : memref<10240x64xf32, #tpu.memory_space<vmem_shared>>)
      } else {
      }
      %dma_wait3A_152 = arith.constant 0 : i32
      %dma_wait3A_153 = tpu.memref_slice %arg7[%add3A_146, %dma_wait3A_152] : memref<80x128xi32, #tpu.memory_space<vmem>> -> memref<1x128xi32, #tpu.memory_space<vmem>>
      %dma_wait3A_154 = tpu.memref_squeeze %dma_wait3A_153 : memref<1x128xi32, #tpu.memory_space<vmem>> -> memref<128xi32, #tpu.memory_space<vmem>>
      %dma_wait3A_155 = arith.constant 0 : i32
      %dma_wait3A_156 = arith.constant 0 : i32
      %dma_wait3A_157 = tpu.memref_slice %arg18[%dma_wait3A_155, %dma_wait3A_156] : memref<10016x64xbf16, #tpu.memory_space<vmem_shared>> -> memref<10016x64xbf16, #tpu.memory_space<vmem_shared>>
      tpu.wait_indirect_dma semaphore(%arg20 : memref<!tpu.dma_semaphore, #tpu.memory_space<semaphore_mem>>) src(%dma_wait3A_157 : memref<10016x64xbf16, #tpu.memory_space<vmem_shared>>) dst(%arg10 : memref<128x64xbf16, #tpu.memory_space<vmem>>)
      %scan3A_158 = arith.constant 0 : i32
      %scan3A_159 = arith.constant 0 : i32
      %scan3A_160 = arith.constant 128 : i32
      %scan3A_161 = arith.addi %scan3A_159, %scan3A_160 : i32
      %scan3A_162 = arith.constant 1 : i32
      scf.for %scan3A_242 = %scan3A_159 to %scan3A_161 step %scan3A_162  : i32 {
        %broadcast_in_dim3A_243 = vector.broadcast %scan3A_242 : i32 to vector<16xi32>
        %get3A = arith.index_cast %scan3A_242 : i32 to index
        %get3A_244 = arith.constant 0 : index
        %get3A_245 = tpu.vector_load %arg10[%get3A, %get3A_244] {strides = array<i32>} : memref<128x64xbf16, #tpu.memory_space<vmem>>, vector<32xbf16>,
        %bitcast3A = vector.bitcast %get3A_245 : vector<32xbf16> to vector<16xi32>
        %shift_left3A = arith.constant 16 : i32
        %shift_left3A_246 = vector.broadcast %shift_left3A : i32 to vector<16xi32>
        %shift_left3A_247 = arith.shli %bitcast3A, %shift_left3A_246 : vector<16xi32>
        %bitcast3A_248 = vector.bitcast %shift_left3A_247 : vector<16xi32> to vector<16xf32>
        %and3A_249 = arith.andi %bitcast3A, %broadcast_in_dim3A_15 : vector<16xi32>
        %bitcast3A_250 = vector.bitcast %and3A_249 : vector<16xi32> to vector<16xf32>
        %mul3A_251 = arith.constant 2 : i32
        %mul3A_252 = vector.broadcast %mul3A_251 : i32 to vector<16xi32>
        %mul3A_253 = arith.muli %mul3A_252, %iota3A : vector<16xi32>
        %add3A_254 = arith.constant 0 : i32
        %add3A_255 = vector.broadcast %add3A_254 : i32 to vector<16xi32>
        %add3A_256 = arith.addi %add3A_255, %mul3A_253 : vector<16xi32>
        tpu.vector_store_idx %arg14[%broadcast_in_dim3A_243, %add3A_256], %bitcast3A_248 : memref<128x64xf32, #tpu.memory_space<vmem>>[vector<16xi32>, vector<16xi32>], vector<16xf32>,
        %add3A_257 = arith.constant 1 : i32
        %add3A_258 = vector.broadcast %add3A_257 : i32 to vector<16xi32>
        %add3A_259 = arith.addi %add3A_256, %add3A_258 : vector<16xi32>
        tpu.vector_store_idx %arg14[%broadcast_in_dim3A_243, %add3A_259], %bitcast3A_250 : memref<128x64xf32, #tpu.memory_space<vmem>>[vector<16xi32>, vector<16xi32>], vector<16xf32>,
        %get3A_260 = arith.index_cast %scan3A_242 : i32 to index
        %get3A_261 = arith.constant 32 : index
        %get3A_262 = tpu.vector_load %arg10[%get3A_260, %get3A_261] {strides = array<i32>} : memref<128x64xbf16, #tpu.memory_space<vmem>>, vector<32xbf16>,
        %bitcast3A_263 = vector.bitcast %get3A_262 : vector<32xbf16> to vector<16xi32>
        %shift_left3A_264 = arith.constant 16 : i32
        %shift_left3A_265 = vector.broadcast %shift_left3A_264 : i32 to vector<16xi32>
        %shift_left3A_266 = arith.shli %bitcast3A_263, %shift_left3A_265 : vector<16xi32>
        %bitcast3A_267 = vector.bitcast %shift_left3A_266 : vector<16xi32> to vector<16xf32>
        %and3A_268 = arith.andi %bitcast3A_263, %broadcast_in_dim3A_15 : vector<16xi32>
        %bitcast3A_269 = vector.bitcast %and3A_268 : vector<16xi32> to vector<16xf32>
        %mul3A_270 = arith.constant 2 : i32
        %mul3A_271 = vector.broadcast %mul3A_270 : i32 to vector<16xi32>
        %mul3A_272 = arith.muli %mul3A_271, %iota3A : vector<16xi32>
        %add3A_273 = arith.constant 32 : i32
        %add3A_274 = vector.broadcast %add3A_273 : i32 to vector<16xi32>
        %add3A_275 = arith.addi %add3A_274, %mul3A_272 : vector<16xi32>
        tpu.vector_store_idx %arg14[%broadcast_in_dim3A_243, %add3A_275], %bitcast3A_267 : memref<128x64xf32, #tpu.memory_space<vmem>>[vector<16xi32>, vector<16xi32>], vector<16xf32>,
        %add3A_276 = arith.constant 1 : i32
        %add3A_277 = vector.broadcast %add3A_276 : i32 to vector<16xi32>
        %add3A_278 = arith.addi %add3A_275, %add3A_277 : vector<16xi32>
        tpu.vector_store_idx %arg14[%broadcast_in_dim3A_243, %add3A_278], %bitcast3A_269 : memref<128x64xf32, #tpu.memory_space<vmem>>[vector<16xi32>, vector<16xi32>], vector<16xf32>,
      }
      %scan3A_163 = arith.constant 128 : i32
      %add3A_164 = arith.constant 4 : i32
      %add3A_165 = arith.addi %add3A_146, %add3A_164 : i32
      %lt3A_166 = arith.cmpi slt, %add3A_165, %select_n3A_8 : i32
      %convert_element_type3A_167 = arith.extui %lt3A_166 : i1 to i32
      %cond3A_168 = arith.constant 0 : i32
      %cond3A_169 = arith.cmpi ne, %convert_element_type3A_167, %cond3A_168 : i32
      scf.if %cond3A_169 {
        %add3A_242 = arith.constant 4 : i32
        %add3A_243 = arith.addi %add3A_146, %add3A_242 : i32
        %dma_start3A_244 = arith.constant 0 : i32
        %dma_start3A_245 = tpu.memref_slice %arg7[%add3A_243, %dma_start3A_244] : memref<80x128xi32, #tpu.memory_space<vmem>> -> memref<1x128xi32, #tpu.memory_space<vmem>>
        %dma_start3A_246 = tpu.memref_squeeze %dma_start3A_245 : memref<1x128xi32, #tpu.memory_space<vmem>> -> memref<128xi32, #tpu.memory_space<vmem>>
        %dma_start3A_247 = arith.constant 0 : i32
        %dma_start3A_248 = arith.constant 0 : i32
        %dma_start3A_249 = tpu.memref_slice %arg18[%dma_start3A_247, %dma_start3A_248] : memref<10016x64xbf16, #tpu.memory_space<vmem_shared>> -> memref<10016x64xbf16, #tpu.memory_space<vmem_shared>>
        tpu.enqueue_indirect_dma source(%dma_start3A_249 : memref<10016x64xbf16, #tpu.memory_space<vmem_shared>>) target(%arg10 : memref<128x64xbf16, #tpu.memory_space<vmem>>) offsets(%dma_start3A_246 : memref<128xi32, #tpu.memory_space<vmem>>) semaphore(%arg20 : memref<!tpu.dma_semaphore, #tpu.memory_space<semaphore_mem>>)
      } else {
      }
      %dma_start3A_170 = arith.constant 0 : i32
      %dma_start3A_171 = tpu.memref_slice %arg8[%add3A_146, %dma_start3A_170] : memref<80x128xi32, #tpu.memory_space<vmem>> -> memref<1x128xi32, #tpu.memory_space<vmem>>
      %dma_start3A_172 = tpu.memref_squeeze %dma_start3A_171 : memref<1x128xi32, #tpu.memory_space<vmem>> -> memref<128xi32, #tpu.memory_space<vmem>>
      %dma_start3A_173 = arith.constant 0 : i32
      %dma_start3A_174 = arith.constant 0 : i32
      %dma_start3A_175 = tpu.memref_slice %arg17[%dma_start3A_173, %dma_start3A_174] : memref<10240x64xf32, #tpu.memory_space<vmem_shared>> -> memref<10240x64xf32, #tpu.memory_space<vmem_shared>>
      tpu.enqueue_indirect_dma source(%arg14 : memref<128x64xf32, #tpu.memory_space<vmem>>) target(%dma_start3A_175 : memref<10240x64xf32, #tpu.memory_space<vmem_shared>>) offsets(%dma_start3A_172 : memref<128xi32, #tpu.memory_space<vmem>>) semaphore(%arg24 : memref<!tpu.dma_semaphore, #tpu.memory_space<semaphore_mem>>) {add = true}
      %mul3A_176 = arith.constant 4 : i32
      %mul3A_177 = arith.muli %while3A_114, %mul3A_176 : i32
      %add3A_178 = arith.constant 2 : i32
      %add3A_179 = arith.addi %mul3A_177, %add3A_178 : i32
      %ge3A_180 = arith.constant 4 : i32
      %ge3A_181 = arith.cmpi sge, %add3A_179, %ge3A_180 : i32
      %convert_element_type3A_182 = arith.extui %ge3A_181 : i1 to i32
      %cond3A_183 = arith.constant 0 : i32
      %cond3A_184 = arith.cmpi ne, %convert_element_type3A_182, %cond3A_183 : i32
      scf.if %cond3A_184 {
        %sub3A_242 = arith.constant 4 : i32
        %sub3A_243 = arith.subi %add3A_179, %sub3A_242 : i32
        %dma_wait3A_244 = arith.constant 0 : i32
        %dma_wait3A_245 = tpu.memref_slice %arg8[%sub3A_243, %dma_wait3A_244] : memref<80x128xi32, #tpu.memory_space<vmem>> -> memref<1x128xi32, #tpu.memory_space<vmem>>
        %dma_wait3A_246 = tpu.memref_squeeze %dma_wait3A_245 : memref<1x128xi32, #tpu.memory_space<vmem>> -> memref<128xi32, #tpu.memory_space<vmem>>
        %dma_wait3A_247 = arith.constant 0 : i32
        %dma_wait3A_248 = arith.constant 0 : i32
        %dma_wait3A_249 = tpu.memref_slice %arg17[%dma_wait3A_247, %dma_wait3A_248] : memref<10240x64xf32, #tpu.memory_space<vmem_shared>> -> memref<10240x64xf32, #tpu.memory_space<vmem_shared>>
        tpu.wait_indirect_dma semaphore(%arg25 : memref<!tpu.dma_semaphore, #tpu.memory_space<semaphore_mem>>) src(%arg15 : memref<128x64xf32, #tpu.memory_space<vmem>>) dst(%dma_wait3A_249 : memref<10240x64xf32, #tpu.memory_space<vmem_shared>>)
      } else {
      }
      %dma_wait3A_185 = arith.constant 0 : i32
      %dma_wait3A_186 = tpu.memref_slice %arg7[%add3A_179, %dma_wait3A_185] : memref<80x128xi32, #tpu.memory_space<vmem>> -> memref<1x128xi32, #tpu.memory_space<vmem>>
      %dma_wait3A_187 = tpu.memref_squeeze %dma_wait3A_186 : memref<1x128xi32, #tpu.memory_space<vmem>> -> memref<128xi32, #tpu.memory_space<vmem>>
      %dma_wait3A_188 = arith.constant 0 : i32
      %dma_wait3A_189 = arith.constant 0 : i32
      %dma_wait3A_190 = tpu.memref_slice %arg18[%dma_wait3A_188, %dma_wait3A_189] : memref<10016x64xbf16, #tpu.memory_space<vmem_shared>> -> memref<10016x64xbf16, #tpu.memory_space<vmem_shared>>
      tpu.wait_indirect_dma semaphore(%arg21 : memref<!tpu.dma_semaphore, #tpu.memory_space<semaphore_mem>>) src(%dma_wait3A_190 : memref<10016x64xbf16, #tpu.memory_space<vmem_shared>>) dst(%arg11 : memref<128x64xbf16, #tpu.memory_space<vmem>>)
      %scan3A_191 = arith.constant 0 : i32
      %scan3A_192 = arith.constant 0 : i32
      %scan3A_193 = arith.constant 128 : i32
      %scan3A_194 = arith.addi %scan3A_192, %scan3A_193 : i32
      %scan3A_195 = arith.constant 1 : i32
      scf.for %scan3A_242 = %scan3A_192 to %scan3A_194 step %scan3A_195  : i32 {
        %broadcast_in_dim3A_243 = vector.broadcast %scan3A_242 : i32 to vector<16xi32>
        %get3A = arith.index_cast %scan3A_242 : i32 to index
        %get3A_244 = arith.constant 0 : index
        %get3A_245 = tpu.vector_load %arg11[%get3A, %get3A_244] {strides = array<i32>} : memref<128x64xbf16, #tpu.memory_space<vmem>>, vector<32xbf16>,
        %bitcast3A = vector.bitcast %get3A_245 : vector<32xbf16> to vector<16xi32>
        %shift_left3A = arith.constant 16 : i32
        %shift_left3A_246 = vector.broadcast %shift_left3A : i32 to vector<16xi32>
        %shift_left3A_247 = arith.shli %bitcast3A, %shift_left3A_246 : vector<16xi32>
        %bitcast3A_248 = vector.bitcast %shift_left3A_247 : vector<16xi32> to vector<16xf32>
        %and3A_249 = arith.andi %bitcast3A, %broadcast_in_dim3A_15 : vector<16xi32>
        %bitcast3A_250 = vector.bitcast %and3A_249 : vector<16xi32> to vector<16xf32>
        %mul3A_251 = arith.constant 2 : i32
        %mul3A_252 = vector.broadcast %mul3A_251 : i32 to vector<16xi32>
        %mul3A_253 = arith.muli %mul3A_252, %iota3A : vector<16xi32>
        %add3A_254 = arith.constant 0 : i32
        %add3A_255 = vector.broadcast %add3A_254 : i32 to vector<16xi32>
        %add3A_256 = arith.addi %add3A_255, %mul3A_253 : vector<16xi32>
        tpu.vector_store_idx %arg15[%broadcast_in_dim3A_243, %add3A_256], %bitcast3A_248 : memref<128x64xf32, #tpu.memory_space<vmem>>[vector<16xi32>, vector<16xi32>], vector<16xf32>,
        %add3A_257 = arith.constant 1 : i32
        %add3A_258 = vector.broadcast %add3A_257 : i32 to vector<16xi32>
        %add3A_259 = arith.addi %add3A_256, %add3A_258 : vector<16xi32>
        tpu.vector_store_idx %arg15[%broadcast_in_dim3A_243, %add3A_259], %bitcast3A_250 : memref<128x64xf32, #tpu.memory_space<vmem>>[vector<16xi32>, vector<16xi32>], vector<16xf32>,
        %get3A_260 = arith.index_cast %scan3A_242 : i32 to index
        %get3A_261 = arith.constant 32 : index
        %get3A_262 = tpu.vector_load %arg11[%get3A_260, %get3A_261] {strides = array<i32>} : memref<128x64xbf16, #tpu.memory_space<vmem>>, vector<32xbf16>,
        %bitcast3A_263 = vector.bitcast %get3A_262 : vector<32xbf16> to vector<16xi32>
        %shift_left3A_264 = arith.constant 16 : i32
        %shift_left3A_265 = vector.broadcast %shift_left3A_264 : i32 to vector<16xi32>
        %shift_left3A_266 = arith.shli %bitcast3A_263, %shift_left3A_265 : vector<16xi32>
        %bitcast3A_267 = vector.bitcast %shift_left3A_266 : vector<16xi32> to vector<16xf32>
        %and3A_268 = arith.andi %bitcast3A_263, %broadcast_in_dim3A_15 : vector<16xi32>
        %bitcast3A_269 = vector.bitcast %and3A_268 : vector<16xi32> to vector<16xf32>
        %mul3A_270 = arith.constant 2 : i32
        %mul3A_271 = vector.broadcast %mul3A_270 : i32 to vector<16xi32>
        %mul3A_272 = arith.muli %mul3A_271, %iota3A : vector<16xi32>
        %add3A_273 = arith.constant 32 : i32
        %add3A_274 = vector.broadcast %add3A_273 : i32 to vector<16xi32>
        %add3A_275 = arith.addi %add3A_274, %mul3A_272 : vector<16xi32>
        tpu.vector_store_idx %arg15[%broadcast_in_dim3A_243, %add3A_275], %bitcast3A_267 : memref<128x64xf32, #tpu.memory_space<vmem>>[vector<16xi32>, vector<16xi32>], vector<16xf32>,
        %add3A_276 = arith.constant 1 : i32
        %add3A_277 = vector.broadcast %add3A_276 : i32 to vector<16xi32>
        %add3A_278 = arith.addi %add3A_275, %add3A_277 : vector<16xi32>
        tpu.vector_store_idx %arg15[%broadcast_in_dim3A_243, %add3A_278], %bitcast3A_269 : memref<128x64xf32, #tpu.memory_space<vmem>>[vector<16xi32>, vector<16xi32>], vector<16xf32>,
      }
      %scan3A_196 = arith.constant 128 : i32
      %add3A_197 = arith.constant 4 : i32
      %add3A_198 = arith.addi %add3A_179, %add3A_197 : i32
      %lt3A_199 = arith.cmpi slt, %add3A_198, %select_n3A_8 : i32
      %convert_element_type3A_200 = arith.extui %lt3A_199 : i1 to i32
      %cond3A_201 = arith.constant 0 : i32
      %cond3A_202 = arith.cmpi ne, %convert_element_type3A_200, %cond3A_201 : i32
      scf.if %cond3A_202 {
        %add3A_242 = arith.constant 4 : i32
        %add3A_243 = arith.addi %add3A_179, %add3A_242 : i32
        %dma_start3A_244 = arith.constant 0 : i32
        %dma_start3A_245 = tpu.memref_slice %arg7[%add3A_243, %dma_start3A_244] : memref<80x128xi32, #tpu.memory_space<vmem>> -> memref<1x128xi32, #tpu.memory_space<vmem>>
        %dma_start3A_246 = tpu.memref_squeeze %dma_start3A_245 : memref<1x128xi32, #tpu.memory_space<vmem>> -> memref<128xi32, #tpu.memory_space<vmem>>
        %dma_start3A_247 = arith.constant 0 : i32
        %dma_start3A_248 = arith.constant 0 : i32
        %dma_start3A_249 = tpu.memref_slice %arg18[%dma_start3A_247, %dma_start3A_248] : memref<10016x64xbf16, #tpu.memory_space<vmem_shared>> -> memref<10016x64xbf16, #tpu.memory_space<vmem_shared>>
        tpu.enqueue_indirect_dma source(%dma_start3A_249 : memref<10016x64xbf16, #tpu.memory_space<vmem_shared>>) target(%arg11 : memref<128x64xbf16, #tpu.memory_space<vmem>>) offsets(%dma_start3A_246 : memref<128xi32, #tpu.memory_space<vmem>>) semaphore(%arg21 : memref<!tpu.dma_semaphore, #tpu.memory_space<semaphore_mem>>)
      } else {
      }
      %dma_start3A_203 = arith.constant 0 : i32
      %dma_start3A_204 = tpu.memref_slice %arg8[%add3A_179, %dma_start3A_203] : memref<80x128xi32, #tpu.memory_space<vmem>> -> memref<1x128xi32, #tpu.memory_space<vmem>>
      %dma_start3A_205 = tpu.memref_squeeze %dma_start3A_204 : memref<1x128xi32, #tpu.memory_space<vmem>> -> memref<128xi32, #tpu.memory_space<vmem>>
      %dma_start3A_206 = arith.constant 0 : i32
      %dma_start3A_207 = arith.constant 0 : i32
      %dma_start3A_208 = tpu.memref_slice %arg17[%dma_start3A_206, %dma_start3A_207] : memref<10240x64xf32, #tpu.memory_space<vmem_shared>> -> memref<10240x64xf32, #tpu.memory_space<vmem_shared>>
      tpu.enqueue_indirect_dma source(%arg15 : memref<128x64xf32, #tpu.memory_space<vmem>>) target(%dma_start3A_208 : memref<10240x64xf32, #tpu.memory_space<vmem_shared>>) offsets(%dma_start3A_205 : memref<128xi32, #tpu.memory_space<vmem>>) semaphore(%arg25 : memref<!tpu.dma_semaphore, #tpu.memory_space<semaphore_mem>>) {add = true}
      %mul3A_209 = arith.constant 4 : i32
      %mul3A_210 = arith.muli %while3A_114, %mul3A_209 : i32
      %add3A_211 = arith.constant 3 : i32
      %add3A_212 = arith.addi %mul3A_210, %add3A_211 : i32
      %ge3A_213 = arith.constant 4 : i32
      %ge3A_214 = arith.cmpi sge, %add3A_212, %ge3A_213 : i32
      %convert_element_type3A_215 = arith.extui %ge3A_214 : i1 to i32
      %cond3A_216 = arith.constant 0 : i32
      %cond3A_217 = arith.cmpi ne, %convert_element_type3A_215, %cond3A_216 : i32
      scf.if %cond3A_217 {
        %sub3A_242 = arith.constant 4 : i32
        %sub3A_243 = arith.subi %add3A_212, %sub3A_242 : i32
        %dma_wait3A_244 = arith.constant 0 : i32
        %dma_wait3A_245 = tpu.memref_slice %arg8[%sub3A_243, %dma_wait3A_244] : memref<80x128xi32, #tpu.memory_space<vmem>> -> memref<1x128xi32, #tpu.memory_space<vmem>>
        %dma_wait3A_246 = tpu.memref_squeeze %dma_wait3A_245 : memref<1x128xi32, #tpu.memory_space<vmem>> -> memref<128xi32, #tpu.memory_space<vmem>>
        %dma_wait3A_247 = arith.constant 0 : i32
        %dma_wait3A_248 = arith.constant 0 : i32
        %dma_wait3A_249 = tpu.memref_slice %arg17[%dma_wait3A_247, %dma_wait3A_248] : memref<10240x64xf32, #tpu.memory_space<vmem_shared>> -> memref<10240x64xf32, #tpu.memory_space<vmem_shared>>
        tpu.wait_indirect_dma semaphore(%arg26 : memref<!tpu.dma_semaphore, #tpu.memory_space<semaphore_mem>>) src(%arg16 : memref<128x64xf32, #tpu.memory_space<vmem>>) dst(%dma_wait3A_249 : memref<10240x64xf32, #tpu.memory_space<vmem_shared>>)
      } else {
      }
      %dma_wait3A_218 = arith.constant 0 : i32
      %dma_wait3A_219 = tpu.memref_slice %arg7[%add3A_212, %dma_wait3A_218] : memref<80x128xi32, #tpu.memory_space<vmem>> -> memref<1x128xi32, #tpu.memory_space<vmem>>
      %dma_wait3A_220 = tpu.memref_squeeze %dma_wait3A_219 : memref<1x128xi32, #tpu.memory_space<vmem>> -> memref<128xi32, #tpu.memory_space<vmem>>
      %dma_wait3A_221 = arith.constant 0 : i32
      %dma_wait3A_222 = arith.constant 0 : i32
      %dma_wait3A_223 = tpu.memref_slice %arg18[%dma_wait3A_221, %dma_wait3A_222] : memref<10016x64xbf16, #tpu.memory_space<vmem_shared>> -> memref<10016x64xbf16, #tpu.memory_space<vmem_shared>>
      tpu.wait_indirect_dma semaphore(%arg22 : memref<!tpu.dma_semaphore, #tpu.memory_space<semaphore_mem>>) src(%dma_wait3A_223 : memref<10016x64xbf16, #tpu.memory_space<vmem_shared>>) dst(%arg12 : memref<128x64xbf16, #tpu.memory_space<vmem>>)
      %scan3A_224 = arith.constant 0 : i32
      %scan3A_225 = arith.constant 0 : i32
      %scan3A_226 = arith.constant 128 : i32
      %scan3A_227 = arith.addi %scan3A_225, %scan3A_226 : i32
      %scan3A_228 = arith.constant 1 : i32
      scf.for %scan3A_242 = %scan3A_225 to %scan3A_227 step %scan3A_228  : i32 {
        %broadcast_in_dim3A_243 = vector.broadcast %scan3A_242 : i32 to vector<16xi32>
        %get3A = arith.index_cast %scan3A_242 : i32 to index
        %get3A_244 = arith.constant 0 : index
        %get3A_245 = tpu.vector_load %arg12[%get3A, %get3A_244] {strides = array<i32>} : memref<128x64xbf16, #tpu.memory_space<vmem>>, vector<32xbf16>,
        %bitcast3A = vector.bitcast %get3A_245 : vector<32xbf16> to vector<16xi32>
        %shift_left3A = arith.constant 16 : i32
        %shift_left3A_246 = vector.broadcast %shift_left3A : i32 to vector<16xi32>
        %shift_left3A_247 = arith.shli %bitcast3A, %shift_left3A_246 : vector<16xi32>
        %bitcast3A_248 = vector.bitcast %shift_left3A_247 : vector<16xi32> to vector<16xf32>
        %and3A_249 = arith.andi %bitcast3A, %broadcast_in_dim3A_15 : vector<16xi32>
        %bitcast3A_250 = vector.bitcast %and3A_249 : vector<16xi32> to vector<16xf32>
        %mul3A_251 = arith.constant 2 : i32
        %mul3A_252 = vector.broadcast %mul3A_251 : i32 to vector<16xi32>
        %mul3A_253 = arith.muli %mul3A_252, %iota3A : vector<16xi32>
        %add3A_254 = arith.constant 0 : i32
        %add3A_255 = vector.broadcast %add3A_254 : i32 to vector<16xi32>
        %add3A_256 = arith.addi %add3A_255, %mul3A_253 : vector<16xi32>
        tpu.vector_store_idx %arg16[%broadcast_in_dim3A_243, %add3A_256], %bitcast3A_248 : memref<128x64xf32, #tpu.memory_space<vmem>>[vector<16xi32>, vector<16xi32>], vector<16xf32>,
        %add3A_257 = arith.constant 1 : i32
        %add3A_258 = vector.broadcast %add3A_257 : i32 to vector<16xi32>
        %add3A_259 = arith.addi %add3A_256, %add3A_258 : vector<16xi32>
        tpu.vector_store_idx %arg16[%broadcast_in_dim3A_243, %add3A_259], %bitcast3A_250 : memref<128x64xf32, #tpu.memory_space<vmem>>[vector<16xi32>, vector<16xi32>], vector<16xf32>,
        %get3A_260 = arith.index_cast %scan3A_242 : i32 to index
        %get3A_261 = arith.constant 32 : index
        %get3A_262 = tpu.vector_load %arg12[%get3A_260, %get3A_261] {strides = array<i32>} : memref<128x64xbf16, #tpu.memory_space<vmem>>, vector<32xbf16>,
        %bitcast3A_263 = vector.bitcast %get3A_262 : vector<32xbf16> to vector<16xi32>
        %shift_left3A_264 = arith.constant 16 : i32
        %shift_left3A_265 = vector.broadcast %shift_left3A_264 : i32 to vector<16xi32>
        %shift_left3A_266 = arith.shli %bitcast3A_263, %shift_left3A_265 : vector<16xi32>
        %bitcast3A_267 = vector.bitcast %shift_left3A_266 : vector<16xi32> to vector<16xf32>
        %and3A_268 = arith.andi %bitcast3A_263, %broadcast_in_dim3A_15 : vector<16xi32>
        %bitcast3A_269 = vector.bitcast %and3A_268 : vector<16xi32> to vector<16xf32>
        %mul3A_270 = arith.constant 2 : i32
        %mul3A_271 = vector.broadcast %mul3A_270 : i32 to vector<16xi32>
        %mul3A_272 = arith.muli %mul3A_271, %iota3A : vector<16xi32>
        %add3A_273 = arith.constant 32 : i32
        %add3A_274 = vector.broadcast %add3A_273 : i32 to vector<16xi32>
        %add3A_275 = arith.addi %add3A_274, %mul3A_272 : vector<16xi32>
        tpu.vector_store_idx %arg16[%broadcast_in_dim3A_243, %add3A_275], %bitcast3A_267 : memref<128x64xf32, #tpu.memory_space<vmem>>[vector<16xi32>, vector<16xi32>], vector<16xf32>,
        %add3A_276 = arith.constant 1 : i32
        %add3A_277 = vector.broadcast %add3A_276 : i32 to vector<16xi32>
        %add3A_278 = arith.addi %add3A_275, %add3A_277 : vector<16xi32>
        tpu.vector_store_idx %arg16[%broadcast_in_dim3A_243, %add3A_278], %bitcast3A_269 : memref<128x64xf32, #tpu.memory_space<vmem>>[vector<16xi32>, vector<16xi32>], vector<16xf32>,
      }
      %scan3A_229 = arith.constant 128 : i32
      %add3A_230 = arith.constant 4 : i32
      %add3A_231 = arith.addi %add3A_212, %add3A_230 : i32
      %lt3A_232 = arith.cmpi slt, %add3A_231, %select_n3A_8 : i32
      %convert_element_type3A_233 = arith.extui %lt3A_232 : i1 to i32
      %cond3A_234 = arith.constant 0 : i32
      %cond3A_235 = arith.cmpi ne, %convert_element_type3A_233, %cond3A_234 : i32
      scf.if %cond3A_235 {
        %add3A_242 = arith.constant 4 : i32
        %add3A_243 = arith.addi %add3A_212, %add3A_242 : i32
        %dma_start3A_244 = arith.constant 0 : i32
        %dma_start3A_245 = tpu.memref_slice %arg7[%add3A_243, %dma_start3A_244] : memref<80x128xi32, #tpu.memory_space<vmem>> -> memref<1x128xi32, #tpu.memory_space<vmem>>
        %dma_start3A_246 = tpu.memref_squeeze %dma_start3A_245 : memref<1x128xi32, #tpu.memory_space<vmem>> -> memref<128xi32, #tpu.memory_space<vmem>>
        %dma_start3A_247 = arith.constant 0 : i32
        %dma_start3A_248 = arith.constant 0 : i32
        %dma_start3A_249 = tpu.memref_slice %arg18[%dma_start3A_247, %dma_start3A_248] : memref<10016x64xbf16, #tpu.memory_space<vmem_shared>> -> memref<10016x64xbf16, #tpu.memory_space<vmem_shared>>
        tpu.enqueue_indirect_dma source(%dma_start3A_249 : memref<10016x64xbf16, #tpu.memory_space<vmem_shared>>) target(%arg12 : memref<128x64xbf16, #tpu.memory_space<vmem>>) offsets(%dma_start3A_246 : memref<128xi32, #tpu.memory_space<vmem>>) semaphore(%arg22 : memref<!tpu.dma_semaphore, #tpu.memory_space<semaphore_mem>>)
      } else {
      }
      %dma_start3A_236 = arith.constant 0 : i32
      %dma_start3A_237 = tpu.memref_slice %arg8[%add3A_212, %dma_start3A_236] : memref<80x128xi32, #tpu.memory_space<vmem>> -> memref<1x128xi32, #tpu.memory_space<vmem>>
      %dma_start3A_238 = tpu.memref_squeeze %dma_start3A_237 : memref<1x128xi32, #tpu.memory_space<vmem>> -> memref<128xi32, #tpu.memory_space<vmem>>
      %dma_start3A_239 = arith.constant 0 : i32
      %dma_start3A_240 = arith.constant 0 : i32
      %dma_start3A_241 = tpu.memref_slice %arg17[%dma_start3A_239, %dma_start3A_240] : memref<10240x64xf32, #tpu.memory_space<vmem_shared>> -> memref<10240x64xf32, #tpu.memory_space<vmem_shared>>
      tpu.enqueue_indirect_dma source(%arg16 : memref<128x64xf32, #tpu.memory_space<vmem>>) target(%dma_start3A_241 : memref<10240x64xf32, #tpu.memory_space<vmem_shared>>) offsets(%dma_start3A_238 : memref<128xi32, #tpu.memory_space<vmem>>) semaphore(%arg26 : memref<!tpu.dma_semaphore, #tpu.memory_space<semaphore_mem>>) {add = true}
    }
    %while3A_69 = arith.constant 1 : i32
    scf.for %while3A_114 = %while3A_67 to %while3A_63 step %while3A_69  : i32 {
      %mul3A_115 = arith.constant 4 : i32
      %mul3A_116 = arith.muli %while3A_114, %mul3A_115 : i32
      %add3A_117 = arith.constant 0 : i32
      %add3A_118 = arith.addi %mul3A_116, %add3A_117 : i32
      %ge3A = arith.constant 4 : i32
      %ge3A_119 = arith.cmpi sge, %add3A_118, %ge3A : i32
      %convert_element_type3A = arith.extui %ge3A_119 : i1 to i32
      %cond3A = arith.constant 0 : i32
      %cond3A_120 = arith.cmpi ne, %convert_element_type3A, %cond3A : i32
      scf.if %cond3A_120 {
        %sub3A_242 = arith.constant 4 : i32
        %sub3A_243 = arith.subi %add3A_118, %sub3A_242 : i32
        %dma_wait3A_244 = arith.constant 0 : i32
        %dma_wait3A_245 = tpu.memref_slice %arg8[%sub3A_243, %dma_wait3A_244] : memref<80x128xi32, #tpu.memory_space<vmem>> -> memref<1x128xi32, #tpu.memory_space<vmem>>
        %dma_wait3A_246 = tpu.memref_squeeze %dma_wait3A_245 : memref<1x128xi32, #tpu.memory_space<vmem>> -> memref<128xi32, #tpu.memory_space<vmem>>
        %dma_wait3A_247 = arith.constant 0 : i32
        %dma_wait3A_248 = arith.constant 0 : i32
        %dma_wait3A_249 = tpu.memref_slice %arg17[%dma_wait3A_247, %dma_wait3A_248] : memref<10240x64xf32, #tpu.memory_space<vmem_shared>> -> memref<10240x64xf32, #tpu.memory_space<vmem_shared>>
        tpu.wait_indirect_dma semaphore(%arg23 : memref<!tpu.dma_semaphore, #tpu.memory_space<semaphore_mem>>) src(%arg13 : memref<128x64xf32, #tpu.memory_space<vmem>>) dst(%dma_wait3A_249 : memref<10240x64xf32, #tpu.memory_space<vmem_shared>>)
      } else {
      }
      %dma_wait3A_121 = arith.constant 0 : i32
      %dma_wait3A_122 = tpu.memref_slice %arg7[%add3A_118, %dma_wait3A_121] : memref<80x128xi32, #tpu.memory_space<vmem>> -> memref<1x128xi32, #tpu.memory_space<vmem>>
      %dma_wait3A_123 = tpu.memref_squeeze %dma_wait3A_122 : memref<1x128xi32, #tpu.memory_space<vmem>> -> memref<128xi32, #tpu.memory_space<vmem>>
      %dma_wait3A_124 = arith.constant 0 : i32
      %dma_wait3A_125 = arith.constant 0 : i32
      %dma_wait3A_126 = tpu.memref_slice %arg18[%dma_wait3A_124, %dma_wait3A_125] : memref<10016x64xbf16, #tpu.memory_space<vmem_shared>> -> memref<10016x64xbf16, #tpu.memory_space<vmem_shared>>
      tpu.wait_indirect_dma semaphore(%arg19 : memref<!tpu.dma_semaphore, #tpu.memory_space<semaphore_mem>>) src(%dma_wait3A_126 : memref<10016x64xbf16, #tpu.memory_space<vmem_shared>>) dst(%arg9 : memref<128x64xbf16, #tpu.memory_space<vmem>>)
      %scan3A = arith.constant 0 : i32
      %scan3A_127 = arith.constant 0 : i32
      %scan3A_128 = arith.constant 128 : i32
      %scan3A_129 = arith.addi %scan3A_127, %scan3A_128 : i32
      %scan3A_130 = arith.constant 1 : i32
      scf.for %scan3A_242 = %scan3A_127 to %scan3A_129 step %scan3A_130  : i32 {
        %broadcast_in_dim3A_243 = vector.broadcast %scan3A_242 : i32 to vector<16xi32>
        %get3A = arith.index_cast %scan3A_242 : i32 to index
        %get3A_244 = arith.constant 0 : index
        %get3A_245 = tpu.vector_load %arg9[%get3A, %get3A_244] {strides = array<i32>} : memref<128x64xbf16, #tpu.memory_space<vmem>>, vector<32xbf16>,
        %bitcast3A = vector.bitcast %get3A_245 : vector<32xbf16> to vector<16xi32>
        %shift_left3A = arith.constant 16 : i32
        %shift_left3A_246 = vector.broadcast %shift_left3A : i32 to vector<16xi32>
        %shift_left3A_247 = arith.shli %bitcast3A, %shift_left3A_246 : vector<16xi32>
        %bitcast3A_248 = vector.bitcast %shift_left3A_247 : vector<16xi32> to vector<16xf32>
        %and3A_249 = arith.andi %bitcast3A, %broadcast_in_dim3A_15 : vector<16xi32>
        %bitcast3A_250 = vector.bitcast %and3A_249 : vector<16xi32> to vector<16xf32>
        %mul3A_251 = arith.constant 2 : i32
        %mul3A_252 = vector.broadcast %mul3A_251 : i32 to vector<16xi32>
        %mul3A_253 = arith.muli %mul3A_252, %iota3A : vector<16xi32>
        %add3A_254 = arith.constant 0 : i32
        %add3A_255 = vector.broadcast %add3A_254 : i32 to vector<16xi32>
        %add3A_256 = arith.addi %add3A_255, %mul3A_253 : vector<16xi32>
        tpu.vector_store_idx %arg13[%broadcast_in_dim3A_243, %add3A_256], %bitcast3A_248 : memref<128x64xf32, #tpu.memory_space<vmem>>[vector<16xi32>, vector<16xi32>], vector<16xf32>,
        %add3A_257 = arith.constant 1 : i32
        %add3A_258 = vector.broadcast %add3A_257 : i32 to vector<16xi32>
        %add3A_259 = arith.addi %add3A_256, %add3A_258 : vector<16xi32>
        tpu.vector_store_idx %arg13[%broadcast_in_dim3A_243, %add3A_259], %bitcast3A_250 : memref<128x64xf32, #tpu.memory_space<vmem>>[vector<16xi32>, vector<16xi32>], vector<16xf32>,
        %get3A_260 = arith.index_cast %scan3A_242 : i32 to index
        %get3A_261 = arith.constant 32 : index
        %get3A_262 = tpu.vector_load %arg9[%get3A_260, %get3A_261] {strides = array<i32>} : memref<128x64xbf16, #tpu.memory_space<vmem>>, vector<32xbf16>,
        %bitcast3A_263 = vector.bitcast %get3A_262 : vector<32xbf16> to vector<16xi32>
        %shift_left3A_264 = arith.constant 16 : i32
        %shift_left3A_265 = vector.broadcast %shift_left3A_264 : i32 to vector<16xi32>
        %shift_left3A_266 = arith.shli %bitcast3A_263, %shift_left3A_265 : vector<16xi32>
        %bitcast3A_267 = vector.bitcast %shift_left3A_266 : vector<16xi32> to vector<16xf32>
        %and3A_268 = arith.andi %bitcast3A_263, %broadcast_in_dim3A_15 : vector<16xi32>
        %bitcast3A_269 = vector.bitcast %and3A_268 : vector<16xi32> to vector<16xf32>
        %mul3A_270 = arith.constant 2 : i32
        %mul3A_271 = vector.broadcast %mul3A_270 : i32 to vector<16xi32>
        %mul3A_272 = arith.muli %mul3A_271, %iota3A : vector<16xi32>
        %add3A_273 = arith.constant 32 : i32
        %add3A_274 = vector.broadcast %add3A_273 : i32 to vector<16xi32>
        %add3A_275 = arith.addi %add3A_274, %mul3A_272 : vector<16xi32>
        tpu.vector_store_idx %arg13[%broadcast_in_dim3A_243, %add3A_275], %bitcast3A_267 : memref<128x64xf32, #tpu.memory_space<vmem>>[vector<16xi32>, vector<16xi32>], vector<16xf32>,
        %add3A_276 = arith.constant 1 : i32
        %add3A_277 = vector.broadcast %add3A_276 : i32 to vector<16xi32>
        %add3A_278 = arith.addi %add3A_275, %add3A_277 : vector<16xi32>
        tpu.vector_store_idx %arg13[%broadcast_in_dim3A_243, %add3A_278], %bitcast3A_269 : memref<128x64xf32, #tpu.memory_space<vmem>>[vector<16xi32>, vector<16xi32>], vector<16xf32>,
      }
      %scan3A_131 = arith.constant 128 : i32
      %add3A_132 = arith.constant 4 : i32
      %add3A_133 = arith.addi %add3A_118, %add3A_132 : i32
      %lt3A = arith.cmpi slt, %add3A_133, %select_n3A_8 : i32
      %convert_element_type3A_134 = arith.extui %lt3A : i1 to i32
      %cond3A_135 = arith.constant 0 : i32
      %cond3A_136 = arith.cmpi ne, %convert_element_type3A_134, %cond3A_135 : i32
      scf.if %cond3A_136 {
        %add3A_242 = arith.constant 4 : i32
        %add3A_243 = arith.addi %add3A_118, %add3A_242 : i32
        %dma_start3A_244 = arith.constant 0 : i32
        %dma_start3A_245 = tpu.memref_slice %arg7[%add3A_243, %dma_start3A_244] : memref<80x128xi32, #tpu.memory_space<vmem>> -> memref<1x128xi32, #tpu.memory_space<vmem>>
        %dma_start3A_246 = tpu.memref_squeeze %dma_start3A_245 : memref<1x128xi32, #tpu.memory_space<vmem>> -> memref<128xi32, #tpu.memory_space<vmem>>
        %dma_start3A_247 = arith.constant 0 : i32
        %dma_start3A_248 = arith.constant 0 : i32
        %dma_start3A_249 = tpu.memref_slice %arg18[%dma_start3A_247, %dma_start3A_248] : memref<10016x64xbf16, #tpu.memory_space<vmem_shared>> -> memref<10016x64xbf16, #tpu.memory_space<vmem_shared>>
        tpu.enqueue_indirect_dma source(%dma_start3A_249 : memref<10016x64xbf16, #tpu.memory_space<vmem_shared>>) target(%arg9 : memref<128x64xbf16, #tpu.memory_space<vmem>>) offsets(%dma_start3A_246 : memref<128xi32, #tpu.memory_space<vmem>>) semaphore(%arg19 : memref<!tpu.dma_semaphore, #tpu.memory_space<semaphore_mem>>)
      } else {
      }
      %dma_start3A_137 = arith.constant 0 : i32
      %dma_start3A_138 = tpu.memref_slice %arg8[%add3A_118, %dma_start3A_137] : memref<80x128xi32, #tpu.memory_space<vmem>> -> memref<1x128xi32, #tpu.memory_space<vmem>>
      %dma_start3A_139 = tpu.memref_squeeze %dma_start3A_138 : memref<1x128xi32, #tpu.memory_space<vmem>> -> memref<128xi32, #tpu.memory_space<vmem>>
      %dma_start3A_140 = arith.constant 0 : i32
      %dma_start3A_141 = arith.constant 0 : i32
      %dma_start3A_142 = tpu.memref_slice %arg17[%dma_start3A_140, %dma_start3A_141] : memref<10240x64xf32, #tpu.memory_space<vmem_shared>> -> memref<10240x64xf32, #tpu.memory_space<vmem_shared>>
      tpu.enqueue_indirect_dma source(%arg13 : memref<128x64xf32, #tpu.memory_space<vmem>>) target(%dma_start3A_142 : memref<10240x64xf32, #tpu.memory_space<vmem_shared>>) offsets(%dma_start3A_139 : memref<128xi32, #tpu.memory_space<vmem>>) semaphore(%arg23 : memref<!tpu.dma_semaphore, #tpu.memory_space<semaphore_mem>>) {add = true}
      %mul3A_143 = arith.constant 4 : i32
      %mul3A_144 = arith.muli %while3A_114, %mul3A_143 : i32
      %add3A_145 = arith.constant 1 : i32
      %add3A_146 = arith.addi %mul3A_144, %add3A_145 : i32
      %ge3A_147 = arith.constant 4 : i32
      %ge3A_148 = arith.cmpi sge, %add3A_146, %ge3A_147 : i32
      %convert_element_type3A_149 = arith.extui %ge3A_148 : i1 to i32
      %cond3A_150 = arith.constant 0 : i32
      %cond3A_151 = arith.cmpi ne, %convert_element_type3A_149, %cond3A_150 : i32
      scf.if %cond3A_151 {
        %sub3A_242 = arith.constant 4 : i32
        %sub3A_243 = arith.subi %add3A_146, %sub3A_242 : i32
        %dma_wait3A_244 = arith.constant 0 : i32
        %dma_wait3A_245 = tpu.memref_slice %arg8[%sub3A_243, %dma_wait3A_244] : memref<80x128xi32, #tpu.memory_space<vmem>> -> memref<1x128xi32, #tpu.memory_space<vmem>>
        %dma_wait3A_246 = tpu.memref_squeeze %dma_wait3A_245 : memref<1x128xi32, #tpu.memory_space<vmem>> -> memref<128xi32, #tpu.memory_space<vmem>>
        %dma_wait3A_247 = arith.constant 0 : i32
        %dma_wait3A_248 = arith.constant 0 : i32
        %dma_wait3A_249 = tpu.memref_slice %arg17[%dma_wait3A_247, %dma_wait3A_248] : memref<10240x64xf32, #tpu.memory_space<vmem_shared>> -> memref<10240x64xf32, #tpu.memory_space<vmem_shared>>
        tpu.wait_indirect_dma semaphore(%arg24 : memref<!tpu.dma_semaphore, #tpu.memory_space<semaphore_mem>>) src(%arg14 : memref<128x64xf32, #tpu.memory_space<vmem>>) dst(%dma_wait3A_249 : memref<10240x64xf32, #tpu.memory_space<vmem_shared>>)
      } else {
      }
      %dma_wait3A_152 = arith.constant 0 : i32
      %dma_wait3A_153 = tpu.memref_slice %arg7[%add3A_146, %dma_wait3A_152] : memref<80x128xi32, #tpu.memory_space<vmem>> -> memref<1x128xi32, #tpu.memory_space<vmem>>
      %dma_wait3A_154 = tpu.memref_squeeze %dma_wait3A_153 : memref<1x128xi32, #tpu.memory_space<vmem>> -> memref<128xi32, #tpu.memory_space<vmem>>
      %dma_wait3A_155 = arith.constant 0 : i32
      %dma_wait3A_156 = arith.constant 0 : i32
      %dma_wait3A_157 = tpu.memref_slice %arg18[%dma_wait3A_155, %dma_wait3A_156] : memref<10016x64xbf16, #tpu.memory_space<vmem_shared>> -> memref<10016x64xbf16, #tpu.memory_space<vmem_shared>>
      tpu.wait_indirect_dma semaphore(%arg20 : memref<!tpu.dma_semaphore, #tpu.memory_space<semaphore_mem>>) src(%dma_wait3A_157 : memref<10016x64xbf16, #tpu.memory_space<vmem_shared>>) dst(%arg10 : memref<128x64xbf16, #tpu.memory_space<vmem>>)
      %scan3A_158 = arith.constant 0 : i32
      %scan3A_159 = arith.constant 0 : i32
      %scan3A_160 = arith.constant 128 : i32
      %scan3A_161 = arith.addi %scan3A_159, %scan3A_160 : i32
      %scan3A_162 = arith.constant 1 : i32
      scf.for %scan3A_242 = %scan3A_159 to %scan3A_161 step %scan3A_162  : i32 {
        %broadcast_in_dim3A_243 = vector.broadcast %scan3A_242 : i32 to vector<16xi32>
        %get3A = arith.index_cast %scan3A_242 : i32 to index
        %get3A_244 = arith.constant 0 : index
        %get3A_245 = tpu.vector_load %arg10[%get3A, %get3A_244] {strides = array<i32>} : memref<128x64xbf16, #tpu.memory_space<vmem>>, vector<32xbf16>,
        %bitcast3A = vector.bitcast %get3A_245 : vector<32xbf16> to vector<16xi32>
        %shift_left3A = arith.constant 16 : i32
        %shift_left3A_246 = vector.broadcast %shift_left3A : i32 to vector<16xi32>
        %shift_left3A_247 = arith.shli %bitcast3A, %shift_left3A_246 : vector<16xi32>
        %bitcast3A_248 = vector.bitcast %shift_left3A_247 : vector<16xi32> to vector<16xf32>
        %and3A_249 = arith.andi %bitcast3A, %broadcast_in_dim3A_15 : vector<16xi32>
        %bitcast3A_250 = vector.bitcast %and3A_249 : vector<16xi32> to vector<16xf32>
        %mul3A_251 = arith.constant 2 : i32
        %mul3A_252 = vector.broadcast %mul3A_251 : i32 to vector<16xi32>
        %mul3A_253 = arith.muli %mul3A_252, %iota3A : vector<16xi32>
        %add3A_254 = arith.constant 0 : i32
        %add3A_255 = vector.broadcast %add3A_254 : i32 to vector<16xi32>
        %add3A_256 = arith.addi %add3A_255, %mul3A_253 : vector<16xi32>
        tpu.vector_store_idx %arg14[%broadcast_in_dim3A_243, %add3A_256], %bitcast3A_248 : memref<128x64xf32, #tpu.memory_space<vmem>>[vector<16xi32>, vector<16xi32>], vector<16xf32>,
        %add3A_257 = arith.constant 1 : i32
        %add3A_258 = vector.broadcast %add3A_257 : i32 to vector<16xi32>
        %add3A_259 = arith.addi %add3A_256, %add3A_258 : vector<16xi32>
        tpu.vector_store_idx %arg14[%broadcast_in_dim3A_243, %add3A_259], %bitcast3A_250 : memref<128x64xf32, #tpu.memory_space<vmem>>[vector<16xi32>, vector<16xi32>], vector<16xf32>,
        %get3A_260 = arith.index_cast %scan3A_242 : i32 to index
        %get3A_261 = arith.constant 32 : index
        %get3A_262 = tpu.vector_load %arg10[%get3A_260, %get3A_261] {strides = array<i32>} : memref<128x64xbf16, #tpu.memory_space<vmem>>, vector<32xbf16>,
        %bitcast3A_263 = vector.bitcast %get3A_262 : vector<32xbf16> to vector<16xi32>
        %shift_left3A_264 = arith.constant 16 : i32
        %shift_left3A_265 = vector.broadcast %shift_left3A_264 : i32 to vector<16xi32>
        %shift_left3A_266 = arith.shli %bitcast3A_263, %shift_left3A_265 : vector<16xi32>
        %bitcast3A_267 = vector.bitcast %shift_left3A_266 : vector<16xi32> to vector<16xf32>
        %and3A_268 = arith.andi %bitcast3A_263, %broadcast_in_dim3A_15 : vector<16xi32>
        %bitcast3A_269 = vector.bitcast %and3A_268 : vector<16xi32> to vector<16xf32>
        %mul3A_270 = arith.constant 2 : i32
        %mul3A_271 = vector.broadcast %mul3A_270 : i32 to vector<16xi32>
        %mul3A_272 = arith.muli %mul3A_271, %iota3A : vector<16xi32>
        %add3A_273 = arith.constant 32 : i32
        %add3A_274 = vector.broadcast %add3A_273 : i32 to vector<16xi32>
        %add3A_275 = arith.addi %add3A_274, %mul3A_272 : vector<16xi32>
        tpu.vector_store_idx %arg14[%broadcast_in_dim3A_243, %add3A_275], %bitcast3A_267 : memref<128x64xf32, #tpu.memory_space<vmem>>[vector<16xi32>, vector<16xi32>], vector<16xf32>,
        %add3A_276 = arith.constant 1 : i32
        %add3A_277 = vector.broadcast %add3A_276 : i32 to vector<16xi32>
        %add3A_278 = arith.addi %add3A_275, %add3A_277 : vector<16xi32>
        tpu.vector_store_idx %arg14[%broadcast_in_dim3A_243, %add3A_278], %bitcast3A_269 : memref<128x64xf32, #tpu.memory_space<vmem>>[vector<16xi32>, vector<16xi32>], vector<16xf32>,
      }
      %scan3A_163 = arith.constant 128 : i32
      %add3A_164 = arith.constant 4 : i32
      %add3A_165 = arith.addi %add3A_146, %add3A_164 : i32
      %lt3A_166 = arith.cmpi slt, %add3A_165, %select_n3A_8 : i32
      %convert_element_type3A_167 = arith.extui %lt3A_166 : i1 to i32
      %cond3A_168 = arith.constant 0 : i32
      %cond3A_169 = arith.cmpi ne, %convert_element_type3A_167, %cond3A_168 : i32
      scf.if %cond3A_169 {
        %add3A_242 = arith.constant 4 : i32
        %add3A_243 = arith.addi %add3A_146, %add3A_242 : i32
        %dma_start3A_244 = arith.constant 0 : i32
        %dma_start3A_245 = tpu.memref_slice %arg7[%add3A_243, %dma_start3A_244] : memref<80x128xi32, #tpu.memory_space<vmem>> -> memref<1x128xi32, #tpu.memory_space<vmem>>
        %dma_start3A_246 = tpu.memref_squeeze %dma_start3A_245 : memref<1x128xi32, #tpu.memory_space<vmem>> -> memref<128xi32, #tpu.memory_space<vmem>>
        %dma_start3A_247 = arith.constant 0 : i32
        %dma_start3A_248 = arith.constant 0 : i32
        %dma_start3A_249 = tpu.memref_slice %arg18[%dma_start3A_247, %dma_start3A_248] : memref<10016x64xbf16, #tpu.memory_space<vmem_shared>> -> memref<10016x64xbf16, #tpu.memory_space<vmem_shared>>
        tpu.enqueue_indirect_dma source(%dma_start3A_249 : memref<10016x64xbf16, #tpu.memory_space<vmem_shared>>) target(%arg10 : memref<128x64xbf16, #tpu.memory_space<vmem>>) offsets(%dma_start3A_246 : memref<128xi32, #tpu.memory_space<vmem>>) semaphore(%arg20 : memref<!tpu.dma_semaphore, #tpu.memory_space<semaphore_mem>>)
      } else {
      }
      %dma_start3A_170 = arith.constant 0 : i32
      %dma_start3A_171 = tpu.memref_slice %arg8[%add3A_146, %dma_start3A_170] : memref<80x128xi32, #tpu.memory_space<vmem>> -> memref<1x128xi32, #tpu.memory_space<vmem>>
      %dma_start3A_172 = tpu.memref_squeeze %dma_start3A_171 : memref<1x128xi32, #tpu.memory_space<vmem>> -> memref<128xi32, #tpu.memory_space<vmem>>
      %dma_start3A_173 = arith.constant 0 : i32
      %dma_start3A_174 = arith.constant 0 : i32
      %dma_start3A_175 = tpu.memref_slice %arg17[%dma_start3A_173, %dma_start3A_174] : memref<10240x64xf32, #tpu.memory_space<vmem_shared>> -> memref<10240x64xf32, #tpu.memory_space<vmem_shared>>
      tpu.enqueue_indirect_dma source(%arg14 : memref<128x64xf32, #tpu.memory_space<vmem>>) target(%dma_start3A_175 : memref<10240x64xf32, #tpu.memory_space<vmem_shared>>) offsets(%dma_start3A_172 : memref<128xi32, #tpu.memory_space<vmem>>) semaphore(%arg24 : memref<!tpu.dma_semaphore, #tpu.memory_space<semaphore_mem>>) {add = true}
      %mul3A_176 = arith.constant 4 : i32
      %mul3A_177 = arith.muli %while3A_114, %mul3A_176 : i32
      %add3A_178 = arith.constant 2 : i32
      %add3A_179 = arith.addi %mul3A_177, %add3A_178 : i32
      %ge3A_180 = arith.constant 4 : i32
      %ge3A_181 = arith.cmpi sge, %add3A_179, %ge3A_180 : i32
      %convert_element_type3A_182 = arith.extui %ge3A_181 : i1 to i32
      %cond3A_183 = arith.constant 0 : i32
      %cond3A_184 = arith.cmpi ne, %convert_element_type3A_182, %cond3A_183 : i32
      scf.if %cond3A_184 {
        %sub3A_242 = arith.constant 4 : i32
        %sub3A_243 = arith.subi %add3A_179, %sub3A_242 : i32
        %dma_wait3A_244 = arith.constant 0 : i32
        %dma_wait3A_245 = tpu.memref_slice %arg8[%sub3A_243, %dma_wait3A_244] : memref<80x128xi32, #tpu.memory_space<vmem>> -> memref<1x128xi32, #tpu.memory_space<vmem>>
        %dma_wait3A_246 = tpu.memref_squeeze %dma_wait3A_245 : memref<1x128xi32, #tpu.memory_space<vmem>> -> memref<128xi32, #tpu.memory_space<vmem>>
        %dma_wait3A_247 = arith.constant 0 : i32
        %dma_wait3A_248 = arith.constant 0 : i32
        %dma_wait3A_249 = tpu.memref_slice %arg17[%dma_wait3A_247, %dma_wait3A_248] : memref<10240x64xf32, #tpu.memory_space<vmem_shared>> -> memref<10240x64xf32, #tpu.memory_space<vmem_shared>>
        tpu.wait_indirect_dma semaphore(%arg25 : memref<!tpu.dma_semaphore, #tpu.memory_space<semaphore_mem>>) src(%arg15 : memref<128x64xf32, #tpu.memory_space<vmem>>) dst(%dma_wait3A_249 : memref<10240x64xf32, #tpu.memory_space<vmem_shared>>)
      } else {
      }
      %dma_wait3A_185 = arith.constant 0 : i32
      %dma_wait3A_186 = tpu.memref_slice %arg7[%add3A_179, %dma_wait3A_185] : memref<80x128xi32, #tpu.memory_space<vmem>> -> memref<1x128xi32, #tpu.memory_space<vmem>>
      %dma_wait3A_187 = tpu.memref_squeeze %dma_wait3A_186 : memref<1x128xi32, #tpu.memory_space<vmem>> -> memref<128xi32, #tpu.memory_space<vmem>>
      %dma_wait3A_188 = arith.constant 0 : i32
      %dma_wait3A_189 = arith.constant 0 : i32
      %dma_wait3A_190 = tpu.memref_slice %arg18[%dma_wait3A_188, %dma_wait3A_189] : memref<10016x64xbf16, #tpu.memory_space<vmem_shared>> -> memref<10016x64xbf16, #tpu.memory_space<vmem_shared>>
      tpu.wait_indirect_dma semaphore(%arg21 : memref<!tpu.dma_semaphore, #tpu.memory_space<semaphore_mem>>) src(%dma_wait3A_190 : memref<10016x64xbf16, #tpu.memory_space<vmem_shared>>) dst(%arg11 : memref<128x64xbf16, #tpu.memory_space<vmem>>)
      %scan3A_191 = arith.constant 0 : i32
      %scan3A_192 = arith.constant 0 : i32
      %scan3A_193 = arith.constant 128 : i32
      %scan3A_194 = arith.addi %scan3A_192, %scan3A_193 : i32
      %scan3A_195 = arith.constant 1 : i32
      scf.for %scan3A_242 = %scan3A_192 to %scan3A_194 step %scan3A_195  : i32 {
        %broadcast_in_dim3A_243 = vector.broadcast %scan3A_242 : i32 to vector<16xi32>
        %get3A = arith.index_cast %scan3A_242 : i32 to index
        %get3A_244 = arith.constant 0 : index
        %get3A_245 = tpu.vector_load %arg11[%get3A, %get3A_244] {strides = array<i32>} : memref<128x64xbf16, #tpu.memory_space<vmem>>, vector<32xbf16>,
        %bitcast3A = vector.bitcast %get3A_245 : vector<32xbf16> to vector<16xi32>
        %shift_left3A = arith.constant 16 : i32
        %shift_left3A_246 = vector.broadcast %shift_left3A : i32 to vector<16xi32>
        %shift_left3A_247 = arith.shli %bitcast3A, %shift_left3A_246 : vector<16xi32>
        %bitcast3A_248 = vector.bitcast %shift_left3A_247 : vector<16xi32> to vector<16xf32>
        %and3A_249 = arith.andi %bitcast3A, %broadcast_in_dim3A_15 : vector<16xi32>
        %bitcast3A_250 = vector.bitcast %and3A_249 : vector<16xi32> to vector<16xf32>
        %mul3A_251 = arith.constant 2 : i32
        %mul3A_252 = vector.broadcast %mul3A_251 : i32 to vector<16xi32>
        %mul3A_253 = arith.muli %mul3A_252, %iota3A : vector<16xi32>
        %add3A_254 = arith.constant 0 : i32
        %add3A_255 = vector.broadcast %add3A_254 : i32 to vector<16xi32>
        %add3A_256 = arith.addi %add3A_255, %mul3A_253 : vector<16xi32>
        tpu.vector_store_idx %arg15[%broadcast_in_dim3A_243, %add3A_256], %bitcast3A_248 : memref<128x64xf32, #tpu.memory_space<vmem>>[vector<16xi32>, vector<16xi32>], vector<16xf32>,
        %add3A_257 = arith.constant 1 : i32
        %add3A_258 = vector.broadcast %add3A_257 : i32 to vector<16xi32>
        %add3A_259 = arith.addi %add3A_256, %add3A_258 : vector<16xi32>
        tpu.vector_store_idx %arg15[%broadcast_in_dim3A_243, %add3A_259], %bitcast3A_250 : memref<128x64xf32, #tpu.memory_space<vmem>>[vector<16xi32>, vector<16xi32>], vector<16xf32>,
        %get3A_260 = arith.index_cast %scan3A_242 : i32 to index
        %get3A_261 = arith.constant 32 : index
        %get3A_262 = tpu.vector_load %arg11[%get3A_260, %get3A_261] {strides = array<i32>} : memref<128x64xbf16, #tpu.memory_space<vmem>>, vector<32xbf16>,
        %bitcast3A_263 = vector.bitcast %get3A_262 : vector<32xbf16> to vector<16xi32>
        %shift_left3A_264 = arith.constant 16 : i32
        %shift_left3A_265 = vector.broadcast %shift_left3A_264 : i32 to vector<16xi32>
        %shift_left3A_266 = arith.shli %bitcast3A_263, %shift_left3A_265 : vector<16xi32>
        %bitcast3A_267 = vector.bitcast %shift_left3A_266 : vector<16xi32> to vector<16xf32>
        %and3A_268 = arith.andi %bitcast3A_263, %broadcast_in_dim3A_15 : vector<16xi32>
        %bitcast3A_269 = vector.bitcast %and3A_268 : vector<16xi32> to vector<16xf32>
        %mul3A_270 = arith.constant 2 : i32
        %mul3A_271 = vector.broadcast %mul3A_270 : i32 to vector<16xi32>
        %mul3A_272 = arith.muli %mul3A_271, %iota3A : vector<16xi32>
        %add3A_273 = arith.constant 32 : i32
        %add3A_274 = vector.broadcast %add3A_273 : i32 to vector<16xi32>
        %add3A_275 = arith.addi %add3A_274, %mul3A_272 : vector<16xi32>
        tpu.vector_store_idx %arg15[%broadcast_in_dim3A_243, %add3A_275], %bitcast3A_267 : memref<128x64xf32, #tpu.memory_space<vmem>>[vector<16xi32>, vector<16xi32>], vector<16xf32>,
        %add3A_276 = arith.constant 1 : i32
        %add3A_277 = vector.broadcast %add3A_276 : i32 to vector<16xi32>
        %add3A_278 = arith.addi %add3A_275, %add3A_277 : vector<16xi32>
        tpu.vector_store_idx %arg15[%broadcast_in_dim3A_243, %add3A_278], %bitcast3A_269 : memref<128x64xf32, #tpu.memory_space<vmem>>[vector<16xi32>, vector<16xi32>], vector<16xf32>,
      }
      %scan3A_196 = arith.constant 128 : i32
      %add3A_197 = arith.constant 4 : i32
      %add3A_198 = arith.addi %add3A_179, %add3A_197 : i32
      %lt3A_199 = arith.cmpi slt, %add3A_198, %select_n3A_8 : i32
      %convert_element_type3A_200 = arith.extui %lt3A_199 : i1 to i32
      %cond3A_201 = arith.constant 0 : i32
      %cond3A_202 = arith.cmpi ne, %convert_element_type3A_200, %cond3A_201 : i32
      scf.if %cond3A_202 {
        %add3A_242 = arith.constant 4 : i32
        %add3A_243 = arith.addi %add3A_179, %add3A_242 : i32
        %dma_start3A_244 = arith.constant 0 : i32
        %dma_start3A_245 = tpu.memref_slice %arg7[%add3A_243, %dma_start3A_244] : memref<80x128xi32, #tpu.memory_space<vmem>> -> memref<1x128xi32, #tpu.memory_space<vmem>>
        %dma_start3A_246 = tpu.memref_squeeze %dma_start3A_245 : memref<1x128xi32, #tpu.memory_space<vmem>> -> memref<128xi32, #tpu.memory_space<vmem>>
        %dma_start3A_247 = arith.constant 0 : i32
        %dma_start3A_248 = arith.constant 0 : i32
        %dma_start3A_249 = tpu.memref_slice %arg18[%dma_start3A_247, %dma_start3A_248] : memref<10016x64xbf16, #tpu.memory_space<vmem_shared>> -> memref<10016x64xbf16, #tpu.memory_space<vmem_shared>>
        tpu.enqueue_indirect_dma source(%dma_start3A_249 : memref<10016x64xbf16, #tpu.memory_space<vmem_shared>>) target(%arg11 : memref<128x64xbf16, #tpu.memory_space<vmem>>) offsets(%dma_start3A_246 : memref<128xi32, #tpu.memory_space<vmem>>) semaphore(%arg21 : memref<!tpu.dma_semaphore, #tpu.memory_space<semaphore_mem>>)
      } else {
      }
      %dma_start3A_203 = arith.constant 0 : i32
      %dma_start3A_204 = tpu.memref_slice %arg8[%add3A_179, %dma_start3A_203] : memref<80x128xi32, #tpu.memory_space<vmem>> -> memref<1x128xi32, #tpu.memory_space<vmem>>
      %dma_start3A_205 = tpu.memref_squeeze %dma_start3A_204 : memref<1x128xi32, #tpu.memory_space<vmem>> -> memref<128xi32, #tpu.memory_space<vmem>>
      %dma_start3A_206 = arith.constant 0 : i32
      %dma_start3A_207 = arith.constant 0 : i32
      %dma_start3A_208 = tpu.memref_slice %arg17[%dma_start3A_206, %dma_start3A_207] : memref<10240x64xf32, #tpu.memory_space<vmem_shared>> -> memref<10240x64xf32, #tpu.memory_space<vmem_shared>>
      tpu.enqueue_indirect_dma source(%arg15 : memref<128x64xf32, #tpu.memory_space<vmem>>) target(%dma_start3A_208 : memref<10240x64xf32, #tpu.memory_space<vmem_shared>>) offsets(%dma_start3A_205 : memref<128xi32, #tpu.memory_space<vmem>>) semaphore(%arg25 : memref<!tpu.dma_semaphore, #tpu.memory_space<semaphore_mem>>) {add = true}
      %mul3A_209 = arith.constant 4 : i32
      %mul3A_210 = arith.muli %while3A_114, %mul3A_209 : i32
      %add3A_211 = arith.constant 3 : i32
      %add3A_212 = arith.addi %mul3A_210, %add3A_211 : i32
      %ge3A_213 = arith.constant 4 : i32
      %ge3A_214 = arith.cmpi sge, %add3A_212, %ge3A_213 : i32
      %convert_element_type3A_215 = arith.extui %ge3A_214 : i1 to i32
      %cond3A_216 = arith.constant 0 : i32
      %cond3A_217 = arith.cmpi ne, %convert_element_type3A_215, %cond3A_216 : i32
      scf.if %cond3A_217 {
        %sub3A_242 = arith.constant 4 : i32
        %sub3A_243 = arith.subi %add3A_212, %sub3A_242 : i32
        %dma_wait3A_244 = arith.constant 0 : i32
        %dma_wait3A_245 = tpu.memref_slice %arg8[%sub3A_243, %dma_wait3A_244] : memref<80x128xi32, #tpu.memory_space<vmem>> -> memref<1x128xi32, #tpu.memory_space<vmem>>
        %dma_wait3A_246 = tpu.memref_squeeze %dma_wait3A_245 : memref<1x128xi32, #tpu.memory_space<vmem>> -> memref<128xi32, #tpu.memory_space<vmem>>
        %dma_wait3A_247 = arith.constant 0 : i32
        %dma_wait3A_248 = arith.constant 0 : i32
        %dma_wait3A_249 = tpu.memref_slice %arg17[%dma_wait3A_247, %dma_wait3A_248] : memref<10240x64xf32, #tpu.memory_space<vmem_shared>> -> memref<10240x64xf32, #tpu.memory_space<vmem_shared>>
        tpu.wait_indirect_dma semaphore(%arg26 : memref<!tpu.dma_semaphore, #tpu.memory_space<semaphore_mem>>) src(%arg16 : memref<128x64xf32, #tpu.memory_space<vmem>>) dst(%dma_wait3A_249 : memref<10240x64xf32, #tpu.memory_space<vmem_shared>>)
      } else {
      }
      %dma_wait3A_218 = arith.constant 0 : i32
      %dma_wait3A_219 = tpu.memref_slice %arg7[%add3A_212, %dma_wait3A_218] : memref<80x128xi32, #tpu.memory_space<vmem>> -> memref<1x128xi32, #tpu.memory_space<vmem>>
      %dma_wait3A_220 = tpu.memref_squeeze %dma_wait3A_219 : memref<1x128xi32, #tpu.memory_space<vmem>> -> memref<128xi32, #tpu.memory_space<vmem>>
      %dma_wait3A_221 = arith.constant 0 : i32
      %dma_wait3A_222 = arith.constant 0 : i32
      %dma_wait3A_223 = tpu.memref_slice %arg18[%dma_wait3A_221, %dma_wait3A_222] : memref<10016x64xbf16, #tpu.memory_space<vmem_shared>> -> memref<10016x64xbf16, #tpu.memory_space<vmem_shared>>
      tpu.wait_indirect_dma semaphore(%arg22 : memref<!tpu.dma_semaphore, #tpu.memory_space<semaphore_mem>>) src(%dma_wait3A_223 : memref<10016x64xbf16, #tpu.memory_space<vmem_shared>>) dst(%arg12 : memref<128x64xbf16, #tpu.memory_space<vmem>>)
      %scan3A_224 = arith.constant 0 : i32
      %scan3A_225 = arith.constant 0 : i32
      %scan3A_226 = arith.constant 128 : i32
      %scan3A_227 = arith.addi %scan3A_225, %scan3A_226 : i32
      %scan3A_228 = arith.constant 1 : i32
      scf.for %scan3A_242 = %scan3A_225 to %scan3A_227 step %scan3A_228  : i32 {
        %broadcast_in_dim3A_243 = vector.broadcast %scan3A_242 : i32 to vector<16xi32>
        %get3A = arith.index_cast %scan3A_242 : i32 to index
        %get3A_244 = arith.constant 0 : index
        %get3A_245 = tpu.vector_load %arg12[%get3A, %get3A_244] {strides = array<i32>} : memref<128x64xbf16, #tpu.memory_space<vmem>>, vector<32xbf16>,
        %bitcast3A = vector.bitcast %get3A_245 : vector<32xbf16> to vector<16xi32>
        %shift_left3A = arith.constant 16 : i32
        %shift_left3A_246 = vector.broadcast %shift_left3A : i32 to vector<16xi32>
        %shift_left3A_247 = arith.shli %bitcast3A, %shift_left3A_246 : vector<16xi32>
        %bitcast3A_248 = vector.bitcast %shift_left3A_247 : vector<16xi32> to vector<16xf32>
        %and3A_249 = arith.andi %bitcast3A, %broadcast_in_dim3A_15 : vector<16xi32>
        %bitcast3A_250 = vector.bitcast %and3A_249 : vector<16xi32> to vector<16xf32>
        %mul3A_251 = arith.constant 2 : i32
        %mul3A_252 = vector.broadcast %mul3A_251 : i32 to vector<16xi32>
        %mul3A_253 = arith.muli %mul3A_252, %iota3A : vector<16xi32>
        %add3A_254 = arith.constant 0 : i32
        %add3A_255 = vector.broadcast %add3A_254 : i32 to vector<16xi32>
        %add3A_256 = arith.addi %add3A_255, %mul3A_253 : vector<16xi32>
        tpu.vector_store_idx %arg16[%broadcast_in_dim3A_243, %add3A_256], %bitcast3A_248 : memref<128x64xf32, #tpu.memory_space<vmem>>[vector<16xi32>, vector<16xi32>], vector<16xf32>,
        %add3A_257 = arith.constant 1 : i32
        %add3A_258 = vector.broadcast %add3A_257 : i32 to vector<16xi32>
        %add3A_259 = arith.addi %add3A_256, %add3A_258 : vector<16xi32>
        tpu.vector_store_idx %arg16[%broadcast_in_dim3A_243, %add3A_259], %bitcast3A_250 : memref<128x64xf32, #tpu.memory_space<vmem>>[vector<16xi32>, vector<16xi32>], vector<16xf32>,
        %get3A_260 = arith.index_cast %scan3A_242 : i32 to index
        %get3A_261 = arith.constant 32 : index
        %get3A_262 = tpu.vector_load %arg12[%get3A_260, %get3A_261] {strides = array<i32>} : memref<128x64xbf16, #tpu.memory_space<vmem>>, vector<32xbf16>,
        %bitcast3A_263 = vector.bitcast %get3A_262 : vector<32xbf16> to vector<16xi32>
        %shift_left3A_264 = arith.constant 16 : i32
        %shift_left3A_265 = vector.broadcast %shift_left3A_264 : i32 to vector<16xi32>
        %shift_left3A_266 = arith.shli %bitcast3A_263, %shift_left3A_265 : vector<16xi32>
        %bitcast3A_267 = vector.bitcast %shift_left3A_266 : vector<16xi32> to vector<16xf32>
        %and3A_268 = arith.andi %bitcast3A_263, %broadcast_in_dim3A_15 : vector<16xi32>
        %bitcast3A_269 = vector.bitcast %and3A_268 : vector<16xi32> to vector<16xf32>
        %mul3A_270 = arith.constant 2 : i32
        %mul3A_271 = vector.broadcast %mul3A_270 : i32 to vector<16xi32>
        %mul3A_272 = arith.muli %mul3A_271, %iota3A : vector<16xi32>
        %add3A_273 = arith.constant 32 : i32
        %add3A_274 = vector.broadcast %add3A_273 : i32 to vector<16xi32>
        %add3A_275 = arith.addi %add3A_274, %mul3A_272 : vector<16xi32>
        tpu.vector_store_idx %arg16[%broadcast_in_dim3A_243, %add3A_275], %bitcast3A_267 : memref<128x64xf32, #tpu.memory_space<vmem>>[vector<16xi32>, vector<16xi32>], vector<16xf32>,
        %add3A_276 = arith.constant 1 : i32
        %add3A_277 = vector.broadcast %add3A_276 : i32 to vector<16xi32>
        %add3A_278 = arith.addi %add3A_275, %add3A_277 : vector<16xi32>
        tpu.vector_store_idx %arg16[%broadcast_in_dim3A_243, %add3A_278], %bitcast3A_269 : memref<128x64xf32, #tpu.memory_space<vmem>>[vector<16xi32>, vector<16xi32>], vector<16xf32>,
      }
      %scan3A_229 = arith.constant 128 : i32
      %add3A_230 = arith.constant 4 : i32
      %add3A_231 = arith.addi %add3A_212, %add3A_230 : i32
      %lt3A_232 = arith.cmpi slt, %add3A_231, %select_n3A_8 : i32
      %convert_element_type3A_233 = arith.extui %lt3A_232 : i1 to i32
      %cond3A_234 = arith.constant 0 : i32
      %cond3A_235 = arith.cmpi ne, %convert_element_type3A_233, %cond3A_234 : i32
      scf.if %cond3A_235 {
        %add3A_242 = arith.constant 4 : i32
        %add3A_243 = arith.addi %add3A_212, %add3A_242 : i32
        %dma_start3A_244 = arith.constant 0 : i32
        %dma_start3A_245 = tpu.memref_slice %arg7[%add3A_243, %dma_start3A_244] : memref<80x128xi32, #tpu.memory_space<vmem>> -> memref<1x128xi32, #tpu.memory_space<vmem>>
        %dma_start3A_246 = tpu.memref_squeeze %dma_start3A_245 : memref<1x128xi32, #tpu.memory_space<vmem>> -> memref<128xi32, #tpu.memory_space<vmem>>
        %dma_start3A_247 = arith.constant 0 : i32
        %dma_start3A_248 = arith.constant 0 : i32
        %dma_start3A_249 = tpu.memref_slice %arg18[%dma_start3A_247, %dma_start3A_248] : memref<10016x64xbf16, #tpu.memory_space<vmem_shared>> -> memref<10016x64xbf16, #tpu.memory_space<vmem_shared>>
        tpu.enqueue_indirect_dma source(%dma_start3A_249 : memref<10016x64xbf16, #tpu.memory_space<vmem_shared>>) target(%arg12 : memref<128x64xbf16, #tpu.memory_space<vmem>>) offsets(%dma_start3A_246 : memref<128xi32, #tpu.memory_space<vmem>>) semaphore(%arg22 : memref<!tpu.dma_semaphore, #tpu.memory_space<semaphore_mem>>)
      } else {
      }
      %dma_start3A_236 = arith.constant 0 : i32
      %dma_start3A_237 = tpu.memref_slice %arg8[%add3A_212, %dma_start3A_236] : memref<80x128xi32, #tpu.memory_space<vmem>> -> memref<1x128xi32, #tpu.memory_space<vmem>>
      %dma_start3A_238 = tpu.memref_squeeze %dma_start3A_237 : memref<1x128xi32, #tpu.memory_space<vmem>> -> memref<128xi32, #tpu.memory_space<vmem>>
      %dma_start3A_239 = arith.constant 0 : i32
      %dma_start3A_240 = arith.constant 0 : i32
      %dma_start3A_241 = tpu.memref_slice %arg17[%dma_start3A_239, %dma_start3A_240] : memref<10240x64xf32, #tpu.memory_space<vmem_shared>> -> memref<10240x64xf32, #tpu.memory_space<vmem_shared>>
      tpu.enqueue_indirect_dma source(%arg16 : memref<128x64xf32, #tpu.memory_space<vmem>>) target(%dma_start3A_241 : memref<10240x64xf32, #tpu.memory_space<vmem_shared>>) offsets(%dma_start3A_238 : memref<128xi32, #tpu.memory_space<vmem>>) semaphore(%arg26 : memref<!tpu.dma_semaphore, #tpu.memory_space<semaphore_mem>>) {add = true}
    }
    %sub3A_70 = arith.constant 4 : i32
    %sub3A_71 = arith.subi %select_n3A_8, %sub3A_70 : i32
    %add3A_72 = arith.constant 0 : i32
    %add3A_73 = arith.addi %sub3A_71, %add3A_72 : i32
    %dma_wait3A = arith.constant 0 : i32
    %dma_wait3A_74 = tpu.memref_slice %arg8[%add3A_73, %dma_wait3A] : memref<80x128xi32, #tpu.memory_space<vmem>> -> memref<1x128xi32, #tpu.memory_space<vmem>>
    %dma_wait3A_75 = tpu.memref_squeeze %dma_wait3A_74 : memref<1x128xi32, #tpu.memory_space<vmem>> -> memref<128xi32, #tpu.memory_space<vmem>>
    %dma_wait3A_76 = arith.constant 0 : i32
    %dma_wait3A_77 = arith.constant 0 : i32
    %dma_wait3A_78 = tpu.memref_slice %arg17[%dma_wait3A_76, %dma_wait3A_77] : memref<10240x64xf32, #tpu.memory_space<vmem_shared>> -> memref<10240x64xf32, #tpu.memory_space<vmem_shared>>
    tpu.wait_indirect_dma semaphore(%arg23 : memref<!tpu.dma_semaphore, #tpu.memory_space<semaphore_mem>>) src(%arg13 : memref<128x64xf32, #tpu.memory_space<vmem>>) dst(%dma_wait3A_78 : memref<10240x64xf32, #tpu.memory_space<vmem_shared>>)
    %sub3A_79 = arith.constant 4 : i32
    %sub3A_80 = arith.subi %select_n3A_8, %sub3A_79 : i32
    %add3A_81 = arith.constant 1 : i32
    %add3A_82 = arith.addi %sub3A_80, %add3A_81 : i32
    %dma_wait3A_83 = arith.constant 0 : i32
    %dma_wait3A_84 = tpu.memref_slice %arg8[%add3A_82, %dma_wait3A_83] : memref<80x128xi32, #tpu.memory_space<vmem>> -> memref<1x128xi32, #tpu.memory_space<vmem>>
    %dma_wait3A_85 = tpu.memref_squeeze %dma_wait3A_84 : memref<1x128xi32, #tpu.memory_space<vmem>> -> memref<128xi32, #tpu.memory_space<vmem>>
    %dma_wait3A_86 = arith.constant 0 : i32
    %dma_wait3A_87 = arith.constant 0 : i32
    %dma_wait3A_88 = tpu.memref_slice %arg17[%dma_wait3A_86, %dma_wait3A_87] : memref<10240x64xf32, #tpu.memory_space<vmem_shared>> -> memref<10240x64xf32, #tpu.memory_space<vmem_shared>>
    tpu.wait_indirect_dma semaphore(%arg24 : memref<!tpu.dma_semaphore, #tpu.memory_space<semaphore_mem>>) src(%arg14 : memref<128x64xf32, #tpu.memory_space<vmem>>) dst(%dma_wait3A_88 : memref<10240x64xf32, #tpu.memory_space<vmem_shared>>)
    %sub3A_89 = arith.constant 4 : i32
    %sub3A_90 = arith.subi %select_n3A_8, %sub3A_89 : i32
    %add3A_91 = arith.constant 2 : i32
    %add3A_92 = arith.addi %sub3A_90, %add3A_91 : i32
    %dma_wait3A_93 = arith.constant 0 : i32
    %dma_wait3A_94 = tpu.memref_slice %arg8[%add3A_92, %dma_wait3A_93] : memref<80x128xi32, #tpu.memory_space<vmem>> -> memref<1x128xi32, #tpu.memory_space<vmem>>
    %dma_wait3A_95 = tpu.memref_squeeze %dma_wait3A_94 : memref<1x128xi32, #tpu.memory_space<vmem>> -> memref<128xi32, #tpu.memory_space<vmem>>
    %dma_wait3A_96 = arith.constant 0 : i32
    %dma_wait3A_97 = arith.constant 0 : i32
    %dma_wait3A_98 = tpu.memref_slice %arg17[%dma_wait3A_96, %dma_wait3A_97] : memref<10240x64xf32, #tpu.memory_space<vmem_shared>> -> memref<10240x64xf32, #tpu.memory_space<vmem_shared>>
    tpu.wait_indirect_dma semaphore(%arg25 : memref<!tpu.dma_semaphore, #tpu.memory_space<semaphore_mem>>) src(%arg15 : memref<128x64xf32, #tpu.memory_space<vmem>>) dst(%dma_wait3A_98 : memref<10240x64xf32, #tpu.memory_space<vmem_shared>>)
    %sub3A_99 = arith.constant 4 : i32
    %sub3A_100 = arith.subi %select_n3A_8, %sub3A_99 : i32
    %add3A_101 = arith.constant 3 : i32
    %add3A_102 = arith.addi %sub3A_100, %add3A_101 : i32
    %dma_wait3A_103 = arith.constant 0 : i32
    %dma_wait3A_104 = tpu.memref_slice %arg8[%add3A_102, %dma_wait3A_103] : memref<80x128xi32, #tpu.memory_space<vmem>> -> memref<1x128xi32, #tpu.memory_space<vmem>>
    %dma_wait3A_105 = tpu.memref_squeeze %dma_wait3A_104 : memref<1x128xi32, #tpu.memory_space<vmem>> -> memref<128xi32, #tpu.memory_space<vmem>>
    %dma_wait3A_106 = arith.constant 0 : i32
    %dma_wait3A_107 = arith.constant 0 : i32
    %dma_wait3A_108 = tpu.memref_slice %arg17[%dma_wait3A_106, %dma_wait3A_107] : memref<10240x64xf32, #tpu.memory_space<vmem_shared>> -> memref<10240x64xf32, #tpu.memory_space<vmem_shared>>
    tpu.wait_indirect_dma semaphore(%arg26 : memref<!tpu.dma_semaphore, #tpu.memory_space<semaphore_mem>>) src(%arg16 : memref<128x64xf32, #tpu.memory_space<vmem>>) dst(%dma_wait3A_108 : memref<10240x64xf32, #tpu.memory_space<vmem_shared>>)
    %barrier3A_109 = arith.constant 0 : index
    tpu.barrier barrier_id(%barrier3A_109)
    %mul3A_110 = arith.constant 640 : i32
    %mul3A_111 = arith.muli %arg1, %mul3A_110 : i32
    %mul3A_112 = arith.constant 640 : i32
    %mul3A_113 = arith.muli %arg1, %mul3A_112 : i32
    "tpu.region"() ({
      %run_scoped3A = tpu.sem_alloc : memref<!tpu.dma_semaphore, #tpu.memory_space<semaphore_mem>>
      %dma_start3A_114 = arith.constant 0 : i32
      %dma_start3A_115 = tpu.memref_slice %arg6[%arg0, %mul3A_113, %dma_start3A_114] : memref<2x10240x64xf32, #tpu.memory_space<hbm>> -> memref<1x640x64xf32, #tpu.memory_space<hbm>>
      %dma_start3A_116 = tpu.memref_squeeze %dma_start3A_115 : memref<1x640x64xf32, #tpu.memory_space<hbm>> -> memref<640x64xf32, #tpu.memory_space<hbm>>
      %dma_start3A_117 = arith.constant 0 : i32
      %dma_start3A_118 = tpu.memref_slice %arg17[%mul3A_111, %dma_start3A_117] : memref<10240x64xf32, #tpu.memory_space<vmem_shared>> -> memref<640x64xf32, #tpu.memory_space<vmem_shared>>
      tpu.enqueue_dma source(%dma_start3A_118 : memref<640x64xf32, #tpu.memory_space<vmem_shared>>) target(%dma_start3A_116 : memref<640x64xf32, #tpu.memory_space<hbm>>) target_semaphore(%run_scoped3A : memref<!tpu.dma_semaphore, #tpu.memory_space<semaphore_mem>>)
      %dma_wait3A_119 = arith.constant 0 : i32
      %dma_wait3A_120 = tpu.memref_slice %arg6[%arg0, %mul3A_113, %dma_wait3A_119] : memref<2x10240x64xf32, #tpu.memory_space<hbm>> -> memref<1x640x64xf32, #tpu.memory_space<hbm>>
      %dma_wait3A_121 = tpu.memref_squeeze %dma_wait3A_120 : memref<1x640x64xf32, #tpu.memory_space<hbm>> -> memref<640x64xf32, #tpu.memory_space<hbm>>
      %dma_wait3A_122 = arith.constant 0 : i32
      %dma_wait3A_123 = tpu.memref_slice %arg17[%mul3A_111, %dma_wait3A_122] : memref<10240x64xf32, #tpu.memory_space<vmem_shared>> -> memref<640x64xf32, #tpu.memory_space<vmem_shared>>
      tpu.wait_dma2 semaphore(%run_scoped3A : memref<!tpu.dma_semaphore, #tpu.memory_space<semaphore_mem>>) src(%dma_wait3A_123 : memref<640x64xf32, #tpu.memory_space<vmem_shared>>) dst(%dma_wait3A_121 : memref<640x64xf32, #tpu.memory_space<hbm>>)
      tpu.yield
    }) : () -> ()
    return
  }
}

#map = affine_map<(d0, d1) -> (0, 0)>
#map1 = affine_map<(d0, d1) -> (0, 0, 0)>
module attributes {stable_mosaic.version = 14 : i64} {
  func.func @k(%arg0: i32, %arg1: i32, %arg2: memref<10240x64xbf16, #tpu.memory_space<hbm>>, %arg3: memref<2640x128xi32, #tpu.memory_space<hbm>>, %arg4: memref<2640x128xi32, #tpu.memory_space<hbm>>, %arg5: memref<640x64xf32, #tpu.memory_space<hbm>>, %arg6: memref<2x10240x64xf32, #tpu.memory_space<hbm>>, %arg7: memref<80x128xi32, #tpu.memory_space<vmem>>, %arg8: memref<80x128xi32, #tpu.memory_space<vmem>>, %arg9: memref<128x64xbf16, #tpu.memory_space<vmem>>, %arg10: memref<128x64xbf16, #tpu.memory_space<vmem>>, %arg11: memref<128x64xbf16, #tpu.memory_space<vmem>>, %arg12: memref<128x64xbf16, #tpu.memory_space<vmem>>, %arg13: memref<128x64xf32, #tpu.memory_space<vmem>>, %arg14: memref<128x64xf32, #tpu.memory_space<vmem>>, %arg15: memref<128x64xf32, #tpu.memory_space<vmem>>, %arg16: memref<128x64xf32, #tpu.memory_space<vmem>>, %arg17: memref<10240x64xf32, #tpu.memory_space<vmem_shared>>, %arg18: memref<10016x64xbf16, #tpu.memory_space<vmem_shared>>, %arg19: memref<!tpu.dma_semaphore, #tpu.memory_space<semaphore_mem>>, %arg20: memref<!tpu.dma_semaphore, #tpu.memory_space<semaphore_mem>>, %arg21: memref<!tpu.dma_semaphore, #tpu.memory_space<semaphore_mem>>, %arg22: memref<!tpu.dma_semaphore, #tpu.memory_space<semaphore_mem>>, %arg23: memref<!tpu.dma_semaphore, #tpu.memory_space<semaphore_mem>>, %arg24: memref<!tpu.dma_semaphore, #tpu.memory_space<semaphore_mem>>, %arg25: memref<!tpu.dma_semaphore, #tpu.memory_space<semaphore_mem>>, %arg26: memref<!tpu.dma_semaphore, #tpu.memory_space<semaphore_mem>>) attributes {dimension_semantics = [#tpu.dimension_semantics<core_parallel>, #tpu.dimension_semantics<subcore_parallel>], iteration_bounds = array<i64: 2, 16>, scalar_prefetch = 0 : i64, scratch_operands = 20 : i64, tpu.core_type = #tpu.core_type<sc_vector_subcore>, window_params = [{transform_indices = #map}, {transform_indices = #map}, {transform_indices = #map}, {transform_indices = #map}, {transform_indices = #map1}]} {
    %eq3A = arith.constant 0 : i32
    %eq3A_0 = arith.cmpi eq, %arg0, %eq3A : i32
    %mul3A = arith.constant 80 : i32
    %mul3A_1 = arith.muli %arg1, %mul3A : i32
    %mul3A_2 = arith.constant 80 : i32
    %mul3A_3 = arith.muli %arg1, %mul3A_2 : i32
    %add3A = arith.constant 1280 : i32
    %add3A_4 = arith.addi %add3A, %mul3A_3 : i32
    %select_n3A = arith.select %eq3A_0, %mul3A_1, %add3A_4 : i32
    %eq3A_5 = arith.constant 0 : i32
    %eq3A_6 = arith.cmpi eq, %arg0, %eq3A_5 : i32
    %jit3A = arith.constant 80 : i32
    %jit3A_7 = arith.constant 80 : i32
    %select_n3A_8 = arith.select %eq3A_6, %jit3A, %jit3A_7 : i32
    "tpu.region"() ({
      %run_scoped3A = tpu.sem_alloc : memref<!tpu.dma_semaphore, #tpu.memory_space<semaphore_mem>>
      %dma_start3A_114 = arith.constant 0 : i32
      %dma_start3A_115 = tpu.memref_slice %arg3[%select_n3A, %dma_start3A_114] : memref<2640x128xi32, #tpu.memory_space<hbm>> -> memref<80x128xi32, #tpu.memory_space<hbm>>
      %dma_start3A_116 = arith.constant 0 : i32
      %dma_start3A_117 = tpu.memref_slice %arg3[%select_n3A, %dma_start3A_116] : memref<2640x128xi32, #tpu.memory_space<hbm>> -> memref<80x128xi32, #tpu.memory_space<hbm>>
      tpu.enqueue_dma source(%dma_start3A_117 : memref<80x128xi32, #tpu.memory_space<hbm>>) target(%arg7 : memref<80x128xi32, #tpu.memory_space<vmem>>) target_semaphore(%run_scoped3A : memref<!tpu.dma_semaphore, #tpu.memory_space<semaphore_mem>>)
      %dma_wait3A_118 = arith.constant 0 : i32
      %dma_wait3A_119 = tpu.memref_slice %arg3[%select_n3A, %dma_wait3A_118] : memref<2640x128xi32, #tpu.memory_space<hbm>> -> memref<80x128xi32, #tpu.memory_space<hbm>>
      %dma_wait3A_120 = arith.constant 0 : i32
      %dma_wait3A_121 = tpu.memref_slice %arg3[%select_n3A, %dma_wait3A_120] : memref<2640x128xi32, #tpu.memory_space<hbm>> -> memref<80x128xi32, #tpu.memory_space<hbm>>
      tpu.wait_dma2 semaphore(%run_scoped3A : memref<!tpu.dma_semaphore, #tpu.memory_space<semaphore_mem>>) src(%dma_wait3A_121 : memref<80x128xi32, #tpu.memory_space<hbm>>) dst(%arg7 : memref<80x128xi32, #tpu.memory_space<vmem>>)
      tpu.yield
    }) : () -> ()
    "tpu.region"() ({
      %run_scoped3A = tpu.sem_alloc : memref<!tpu.dma_semaphore, #tpu.memory_space<semaphore_mem>>
      %dma_start3A_114 = arith.constant 0 : i32
      %dma_start3A_115 = tpu.memref_slice %arg4[%select_n3A, %dma_start3A_114] : memref<2640x128xi32, #tpu.memory_space<hbm>> -> memref<80x128xi32, #tpu.memory_space<hbm>>
      %dma_start3A_116 = arith.constant 0 : i32
      %dma_start3A_117 = tpu.memref_slice %arg4[%select_n3A, %dma_start3A_116] : memref<2640x128xi32, #tpu.memory_space<hbm>> -> memref<80x128xi32, #tpu.memory_space<hbm>>
      tpu.enqueue_dma source(%dma_start3A_117 : memref<80x128xi32, #tpu.memory_space<hbm>>) target(%arg8 : memref<80x128xi32, #tpu.memory_space<vmem>>) target_semaphore(%run_scoped3A : memref<!tpu.dma_semaphore, #tpu.memory_space<semaphore_mem>>)
      %dma_wait3A_118 = arith.constant 0 : i32
      %dma_wait3A_119 = tpu.memref_slice %arg4[%select_n3A, %dma_wait3A_118] : memref<2640x128xi32, #tpu.memory_space<hbm>> -> memref<80x128xi32, #tpu.memory_space<hbm>>
      %dma_wait3A_120 = arith.constant 0 : i32
      %dma_wait3A_121 = tpu.memref_slice %arg4[%select_n3A, %dma_wait3A_120] : memref<2640x128xi32, #tpu.memory_space<hbm>> -> memref<80x128xi32, #tpu.memory_space<hbm>>
      tpu.wait_dma2 semaphore(%run_scoped3A : memref<!tpu.dma_semaphore, #tpu.memory_space<semaphore_mem>>) src(%dma_wait3A_121 : memref<80x128xi32, #tpu.memory_space<hbm>>) dst(%arg8 : memref<80x128xi32, #tpu.memory_space<vmem>>)
      tpu.yield
    }) : () -> ()
    %mul3A_9 = arith.constant 640 : i32
    %mul3A_10 = arith.muli %arg1, %mul3A_9 : i32
    "tpu.region"() ({
      %run_scoped3A = tpu.sem_alloc : memref<!tpu.dma_semaphore, #tpu.memory_space<semaphore_mem>>
      %dma_start3A_114 = arith.constant 0 : i32
      %dma_start3A_115 = tpu.memref_slice %arg17[%mul3A_10, %dma_start3A_114] : memref<10240x64xf32, #tpu.memory_space<vmem_shared>> -> memref<640x64xf32, #tpu.memory_space<vmem_shared>>
      tpu.enqueue_dma source(%arg5 : memref<640x64xf32, #tpu.memory_space<hbm>>) target(%dma_start3A_115 : memref<640x64xf32, #tpu.memory_space<vmem_shared>>) target_semaphore(%run_scoped3A : memref<!tpu.dma_semaphore, #tpu.memory_space<semaphore_mem>>)
      %dma_wait3A_116 = arith.constant 0 : i32
      %dma_wait3A_117 = tpu.memref_slice %arg17[%mul3A_10, %dma_wait3A_116] : memref<10240x64xf32, #tpu.memory_space<vmem_shared>> -> memref<640x64xf32, #tpu.memory_space<vmem_shared>>
      tpu.wait_dma2 semaphore(%run_scoped3A : memref<!tpu.dma_semaphore, #tpu.memory_space<semaphore_mem>>) src(%arg5 : memref<640x64xf32, #tpu.memory_space<hbm>>) dst(%dma_wait3A_117 : memref<640x64xf32, #tpu.memory_space<vmem_shared>>)
      tpu.yield
    }) : () -> ()
    %mul3A_11 = arith.constant 626 : i32
    %mul3A_12 = arith.muli %arg1, %mul3A_11 : i32
    %mul3A_13 = arith.constant 626 : i32
    %mul3A_14 = arith.muli %arg1, %mul3A_13 : i32
    "tpu.region"() ({
      %run_scoped3A = tpu.sem_alloc : memref<!tpu.dma_semaphore, #tpu.memory_space<semaphore_mem>>
      %dma_start3A_114 = arith.constant 0 : i32
      %dma_start3A_115 = tpu.memref_slice %arg18[%mul3A_14, %dma_start3A_114] : memref<10016x64xbf16, #tpu.memory_space<vmem_shared>> -> memref<626x64xbf16, #tpu.memory_space<vmem_shared>>
      %dma_start3A_116 = arith.constant 0 : i32
      %dma_start3A_117 = tpu.memref_slice %arg2[%mul3A_12, %dma_start3A_116] : memref<10240x64xbf16, #tpu.memory_space<hbm>> -> memref<626x64xbf16, #tpu.memory_space<hbm>>
      tpu.enqueue_dma source(%dma_start3A_117 : memref<626x64xbf16, #tpu.memory_space<hbm>>) target(%dma_start3A_115 : memref<626x64xbf16, #tpu.memory_space<vmem_shared>>) target_semaphore(%run_scoped3A : memref<!tpu.dma_semaphore, #tpu.memory_space<semaphore_mem>>)
      %dma_wait3A_118 = arith.constant 0 : i32
      %dma_wait3A_119 = tpu.memref_slice %arg18[%mul3A_14, %dma_wait3A_118] : memref<10016x64xbf16, #tpu.memory_space<vmem_shared>> -> memref<626x64xbf16, #tpu.memory_space<vmem_shared>>
      %dma_wait3A_120 = arith.constant 0 : i32
      %dma_wait3A_121 = tpu.memref_slice %arg2[%mul3A_12, %dma_wait3A_120] : memref<10240x64xbf16, #tpu.memory_space<hbm>> -> memref<626x64xbf16, #tpu.memory_space<hbm>>
      tpu.wait_dma2 semaphore(%run_scoped3A : memref<!tpu.dma_semaphore, #tpu.memory_space<semaphore_mem>>) src(%dma_wait3A_121 : memref<626x64xbf16, #tpu.memory_space<hbm>>) dst(%dma_wait3A_119 : memref<626x64xbf16, #tpu.memory_space<vmem_shared>>)
      tpu.yield
    }) : () -> ()
    %barrier3A = arith.constant 0 : index
    tpu.barrier barrier_id(%barrier3A)
    %iota3A = tpu.iota {dimensions = array<i32: 0>} : vector<16xi32>
    %broadcast_in_dim3A = arith.constant -65536 : i32
    %broadcast_in_dim3A_15 = vector.broadcast %broadcast_in_dim3A : i32 to vector<16xi32>
    %dma_start3A = arith.constant 0 : i32
    %dma_start3A_16 = arith.constant 0 : i32
    %dma_start3A_17 = tpu.memref_slice %arg7[%dma_start3A, %dma_start3A_16] : memref<80x128xi32, #tpu.memory_space<vmem>> -> memref<1x128xi32, #tpu.memory_space<vmem>>
    %dma_start3A_18 = tpu.memref_squeeze %dma_start3A_17 : memref<1x128xi32, #tpu.memory_space<vmem>> -> memref<128xi32, #tpu.memory_space<vmem>>
    %dma_start3A_19 = arith.constant 0 : i32
    %dma_start3A_20 = arith.constant 0 : i32
    %dma_start3A_21 = tpu.memref_slice %arg18[%dma_start3A_19, %dma_start3A_20] : memref<10016x64xbf16, #tpu.memory_space<vmem_shared>> -> memref<10016x64xbf16, #tpu.memory_space<vmem_shared>>
    tpu.enqueue_indirect_dma source(%dma_start3A_21 : memref<10016x64xbf16, #tpu.memory_space<vmem_shared>>) target(%arg9 : memref<128x64xbf16, #tpu.memory_space<vmem>>) offsets(%dma_start3A_18 : memref<128xi32, #tpu.memory_space<vmem>>) semaphore(%arg19 : memref<!tpu.dma_semaphore, #tpu.memory_space<semaphore_mem>>)
    %dma_start3A_22 = arith.constant 1 : i32
    %dma_start3A_23 = arith.constant 0 : i32
    %dma_start3A_24 = tpu.memref_slice %arg7[%dma_start3A_22, %dma_start3A_23] : memref<80x128xi32, #tpu.memory_space<vmem>> -> memref<1x128xi32, #tpu.memory_space<vmem>>
    %dma_start3A_25 = tpu.memref_squeeze %dma_start3A_24 : memref<1x128xi32, #tpu.memory_space<vmem>> -> memref<128xi32, #tpu.memory_space<vmem>>
    %dma_start3A_26 = arith.constant 0 : i32
    %dma_start3A_27 = arith.constant 0 : i32
    %dma_start3A_28 = tpu.memref_slice %arg18[%dma_start3A_26, %dma_start3A_27] : memref<10016x64xbf16, #tpu.memory_space<vmem_shared>> -> memref<10016x64xbf16, #tpu.memory_space<vmem_shared>>
    tpu.enqueue_indirect_dma source(%dma_start3A_28 : memref<10016x64xbf16, #tpu.memory_space<vmem_shared>>) target(%arg10 : memref<128x64xbf16, #tpu.memory_space<vmem>>) offsets(%dma_start3A_25 : memref<128xi32, #tpu.memory_space<vmem>>) semaphore(%arg20 : memref<!tpu.dma_semaphore, #tpu.memory_space<semaphore_mem>>)
    %dma_start3A_29 = arith.constant 2 : i32
    %dma_start3A_30 = arith.constant 0 : i32
    %dma_start3A_31 = tpu.memref_slice %arg7[%dma_start3A_29, %dma_start3A_30] : memref<80x128xi32, #tpu.memory_space<vmem>> -> memref<1x128xi32, #tpu.memory_space<vmem>>
    %dma_start3A_32 = tpu.memref_squeeze %dma_start3A_31 : memref<1x128xi32, #tpu.memory_space<vmem>> -> memref<128xi32, #tpu.memory_space<vmem>>
    %dma_start3A_33 = arith.constant 0 : i32
    %dma_start3A_34 = arith.constant 0 : i32
    %dma_start3A_35 = tpu.memref_slice %arg18[%dma_start3A_33, %dma_start3A_34] : memref<10016x64xbf16, #tpu.memory_space<vmem_shared>> -> memref<10016x64xbf16, #tpu.memory_space<vmem_shared>>
    tpu.enqueue_indirect_dma source(%dma_start3A_35 : memref<10016x64xbf16, #tpu.memory_space<vmem_shared>>) target(%arg11 : memref<128x64xbf16, #tpu.memory_space<vmem>>) offsets(%dma_start3A_32 : memref<128xi32, #tpu.memory_space<vmem>>) semaphore(%arg21 : memref<!tpu.dma_semaphore, #tpu.memory_space<semaphore_mem>>)
    %dma_start3A_36 = arith.constant 3 : i32
    %dma_start3A_37 = arith.constant 0 : i32
    %dma_start3A_38 = tpu.memref_slice %arg7[%dma_start3A_36, %dma_start3A_37] : memref<80x128xi32, #tpu.memory_space<vmem>> -> memref<1x128xi32, #tpu.memory_space<vmem>>
    %dma_start3A_39 = tpu.memref_squeeze %dma_start3A_38 : memref<1x128xi32, #tpu.memory_space<vmem>> -> memref<128xi32, #tpu.memory_space<vmem>>
    %dma_start3A_40 = arith.constant 0 : i32
    %dma_start3A_41 = arith.constant 0 : i32
    %dma_start3A_42 = tpu.memref_slice %arg18[%dma_start3A_40, %dma_start3A_41] : memref<10016x64xbf16, #tpu.memory_space<vmem_shared>> -> memref<10016x64xbf16, #tpu.memory_space<vmem_shared>>
    tpu.enqueue_indirect_dma source(%dma_start3A_42 : memref<10016x64xbf16, #tpu.memory_space<vmem_shared>>) target(%arg12 : memref<128x64xbf16, #tpu.memory_space<vmem>>) offsets(%dma_start3A_39 : memref<128xi32, #tpu.memory_space<vmem>>) semaphore(%arg22 : memref<!tpu.dma_semaphore, #tpu.memory_space<semaphore_mem>>)
    %jit3A_43 = arith.constant 4 : i32
    %div3A = arith.divsi %select_n3A_8, %jit3A_43 : i32
    %sign3A = arith.constant 0 : i32
    %sign3A_44 = arith.cmpi sgt, %select_n3A_8, %sign3A : i32
    %sign3A_45 = arith.extui %sign3A_44 : i1 to i32
    %sign3A_46 = arith.constant 0 : i32
    %sign3A_47 = arith.cmpi slt, %select_n3A_8, %sign3A_46 : i32
    %sign3A_48 = arith.extui %sign3A_47 : i1 to i32
    %sign3A_49 = arith.subi %sign3A_45, %sign3A_48 : i32
    %sign3A_50 = arith.constant 0 : i32
    %sign3A_51 = arith.cmpi sgt, %jit3A_43, %sign3A_50 : i32
    %sign3A_52 = arith.extui %sign3A_51 : i1 to i32
    %sign3A_53 = arith.constant 0 : i32
    %sign3A_54 = arith.cmpi slt, %jit3A_43, %sign3A_53 : i32
    %sign3A_55 = arith.extui %sign3A_54 : i1 to i32
    %sign3A_56 = arith.subi %sign3A_52, %sign3A_55 : i32
    %ne3A = arith.cmpi ne, %sign3A_49, %sign3A_56 : i32
    %rem3A = arith.remsi %select_n3A_8, %jit3A_43 : i32
    %ne3A_57 = arith.constant 0 : i32
    %ne3A_58 = arith.cmpi ne, %rem3A, %ne3A_57 : i32
    %and3A = arith.andi %ne3A, %ne3A_58 : i1
    %sub3A = arith.constant 1 : i32
    %sub3A_59 = arith.subi %div3A, %sub3A : i32
    %select_n3A_60 = arith.select %and3A, %sub3A_59, %div3A : i32
    %while3A = arith.constant 0 : i32
    %while3A_61 = arith.constant 0 : i32
    %while3A_62 = arith.subi %select_n3A_60, %while3A_61 : i32
    %while3A_63 = arith.addi %while3A_61, %while3A_62 : i32
    %while3A_64 = arith.constant 1 : i32
    %while3A_65 = arith.divsi %while3A_62, %while3A_64 : i32
    %while3A_66 = arith.muli %while3A_65, %while3A_64 : i32
    %while3A_67 = arith.addi %while3A_61, %while3A_66 : i32
    %while3A_68 = arith.constant 1 : i32
    scf.for %while3A_114 = %while3A_61 to %while3A_67 step %while3A_68  : i32 {
      %mul3A_115 = arith.constant 4 : i32
      %mul3A_116 = arith.muli %while3A_114, %mul3A_115 : i32
      %add3A_117 = arith.constant 0 : i32
      %add3A_118 = arith.addi %mul3A_116, %add3A_117 : i32
      %ge3A = arith.constant 4 : i32
      %ge3A_119 = arith.cmpi sge, %add3A_118, %ge3A : i32
      %convert_element_type3A = arith.extui %ge3A_119 : i1 to i32
      %cond3A = arith.constant 0 : i32
      %cond3A_120 = arith.cmpi ne, %convert_element_type3A, %cond3A : i32
      scf.if %cond3A_120 {
        %sub3A_242 = arith.constant 4 : i32
        %sub3A_243 = arith.subi %add3A_118, %sub3A_242 : i32
        %dma_wait3A_244 = arith.constant 0 : i32
        %dma_wait3A_245 = tpu.memref_slice %arg8[%sub3A_243, %dma_wait3A_244] : memref<80x128xi32, #tpu.memory_space<vmem>> -> memref<1x128xi32, #tpu.memory_space<vmem>>
        %dma_wait3A_246 = tpu.memref_squeeze %dma_wait3A_245 : memref<1x128xi32, #tpu.memory_space<vmem>> -> memref<128xi32, #tpu.memory_space<vmem>>
        %dma_wait3A_247 = arith.constant 0 : i32
        %dma_wait3A_248 = arith.constant 0 : i32
        %dma_wait3A_249 = tpu.memref_slice %arg17[%dma_wait3A_247, %dma_wait3A_248] : memref<10240x64xf32, #tpu.memory_space<vmem_shared>> -> memref<10240x64xf32, #tpu.memory_space<vmem_shared>>
        tpu.wait_indirect_dma semaphore(%arg23 : memref<!tpu.dma_semaphore, #tpu.memory_space<semaphore_mem>>) src(%arg13 : memref<128x64xf32, #tpu.memory_space<vmem>>) dst(%dma_wait3A_249 : memref<10240x64xf32, #tpu.memory_space<vmem_shared>>)
      } else {
      }
      %dma_wait3A_121 = arith.constant 0 : i32
      %dma_wait3A_122 = tpu.memref_slice %arg7[%add3A_118, %dma_wait3A_121] : memref<80x128xi32, #tpu.memory_space<vmem>> -> memref<1x128xi32, #tpu.memory_space<vmem>>
      %dma_wait3A_123 = tpu.memref_squeeze %dma_wait3A_122 : memref<1x128xi32, #tpu.memory_space<vmem>> -> memref<128xi32, #tpu.memory_space<vmem>>
      %dma_wait3A_124 = arith.constant 0 : i32
      %dma_wait3A_125 = arith.constant 0 : i32
      %dma_wait3A_126 = tpu.memref_slice %arg18[%dma_wait3A_124, %dma_wait3A_125] : memref<10016x64xbf16, #tpu.memory_space<vmem_shared>> -> memref<10016x64xbf16, #tpu.memory_space<vmem_shared>>
      tpu.wait_indirect_dma semaphore(%arg19 : memref<!tpu.dma_semaphore, #tpu.memory_space<semaphore_mem>>) src(%dma_wait3A_126 : memref<10016x64xbf16, #tpu.memory_space<vmem_shared>>) dst(%arg9 : memref<128x64xbf16, #tpu.memory_space<vmem>>)
      %scan3A = arith.constant 0 : i32
      %scan3A_127 = arith.constant 0 : i32
      %scan3A_128 = arith.constant 128 : i32
      %scan3A_129 = arith.addi %scan3A_127, %scan3A_128 : i32
      %scan3A_130 = arith.constant 1 : i32
      scf.for %scan3A_242 = %scan3A_127 to %scan3A_129 step %scan3A_130  : i32 {
        %broadcast_in_dim3A_243 = vector.broadcast %scan3A_242 : i32 to vector<16xi32>
        %get3A = arith.index_cast %scan3A_242 : i32 to index
        %get3A_244 = arith.constant 0 : index
        %get3A_245 = tpu.vector_load %arg9[%get3A, %get3A_244] {strides = array<i32>} : memref<128x64xbf16, #tpu.memory_space<vmem>>, vector<32xbf16>,
        %bitcast3A = vector.bitcast %get3A_245 : vector<32xbf16> to vector<16xi32>
        %shift_left3A = arith.constant 16 : i32
        %shift_left3A_246 = vector.broadcast %shift_left3A : i32 to vector<16xi32>
        %shift_left3A_247 = arith.shli %bitcast3A, %shift_left3A_246 : vector<16xi32>
        %bitcast3A_248 = vector.bitcast %shift_left3A_247 : vector<16xi32> to vector<16xf32>
        %and3A_249 = arith.andi %bitcast3A, %broadcast_in_dim3A_15 : vector<16xi32>
        %bitcast3A_250 = vector.bitcast %and3A_249 : vector<16xi32> to vector<16xf32>
        %mul3A_251 = arith.constant 2 : i32
        %mul3A_252 = vector.broadcast %mul3A_251 : i32 to vector<16xi32>
        %mul3A_253 = arith.muli %mul3A_252, %iota3A : vector<16xi32>
        %add3A_254 = arith.constant 0 : i32
        %add3A_255 = vector.broadcast %add3A_254 : i32 to vector<16xi32>
        %add3A_256 = arith.addi %add3A_255, %mul3A_253 : vector<16xi32>
        tpu.vector_store_idx %arg13[%broadcast_in_dim3A_243, %add3A_256], %bitcast3A_248 : memref<128x64xf32, #tpu.memory_space<vmem>>[vector<16xi32>, vector<16xi32>], vector<16xf32>,
        %add3A_257 = arith.constant 1 : i32
        %add3A_258 = vector.broadcast %add3A_257 : i32 to vector<16xi32>
        %add3A_259 = arith.addi %add3A_256, %add3A_258 : vector<16xi32>
        tpu.vector_store_idx %arg13[%broadcast_in_dim3A_243, %add3A_259], %bitcast3A_250 : memref<128x64xf32, #tpu.memory_space<vmem>>[vector<16xi32>, vector<16xi32>], vector<16xf32>,
        %get3A_260 = arith.index_cast %scan3A_242 : i32 to index
        %get3A_261 = arith.constant 32 : index
        %get3A_262 = tpu.vector_load %arg9[%get3A_260, %get3A_261] {strides = array<i32>} : memref<128x64xbf16, #tpu.memory_space<vmem>>, vector<32xbf16>,
        %bitcast3A_263 = vector.bitcast %get3A_262 : vector<32xbf16> to vector<16xi32>
        %shift_left3A_264 = arith.constant 16 : i32
        %shift_left3A_265 = vector.broadcast %shift_left3A_264 : i32 to vector<16xi32>
        %shift_left3A_266 = arith.shli %bitcast3A_263, %shift_left3A_265 : vector<16xi32>
        %bitcast3A_267 = vector.bitcast %shift_left3A_266 : vector<16xi32> to vector<16xf32>
        %and3A_268 = arith.andi %bitcast3A_263, %broadcast_in_dim3A_15 : vector<16xi32>
        %bitcast3A_269 = vector.bitcast %and3A_268 : vector<16xi32> to vector<16xf32>
        %mul3A_270 = arith.constant 2 : i32
        %mul3A_271 = vector.broadcast %mul3A_270 : i32 to vector<16xi32>
        %mul3A_272 = arith.muli %mul3A_271, %iota3A : vector<16xi32>
        %add3A_273 = arith.constant 32 : i32
        %add3A_274 = vector.broadcast %add3A_273 : i32 to vector<16xi32>
        %add3A_275 = arith.addi %add3A_274, %mul3A_272 : vector<16xi32>
        tpu.vector_store_idx %arg13[%broadcast_in_dim3A_243, %add3A_275], %bitcast3A_267 : memref<128x64xf32, #tpu.memory_space<vmem>>[vector<16xi32>, vector<16xi32>], vector<16xf32>,
        %add3A_276 = arith.constant 1 : i32
        %add3A_277 = vector.broadcast %add3A_276 : i32 to vector<16xi32>
        %add3A_278 = arith.addi %add3A_275, %add3A_277 : vector<16xi32>
        tpu.vector_store_idx %arg13[%broadcast_in_dim3A_243, %add3A_278], %bitcast3A_269 : memref<128x64xf32, #tpu.memory_space<vmem>>[vector<16xi32>, vector<16xi32>], vector<16xf32>,
      }
      %scan3A_131 = arith.constant 128 : i32
      %add3A_132 = arith.constant 4 : i32
      %add3A_133 = arith.addi %add3A_118, %add3A_132 : i32
      %lt3A = arith.cmpi slt, %add3A_133, %select_n3A_8 : i32
      %convert_element_type3A_134 = arith.extui %lt3A : i1 to i32
      %cond3A_135 = arith.constant 0 : i32
      %cond3A_136 = arith.cmpi ne, %convert_element_type3A_134, %cond3A_135 : i32
      scf.if %cond3A_136 {
        %add3A_242 = arith.constant 4 : i32
        %add3A_243 = arith.addi %add3A_118, %add3A_242 : i32
        %dma_start3A_244 = arith.constant 0 : i32
        %dma_start3A_245 = tpu.memref_slice %arg7[%add3A_243, %dma_start3A_244] : memref<80x128xi32, #tpu.memory_space<vmem>> -> memref<1x128xi32, #tpu.memory_space<vmem>>
        %dma_start3A_246 = tpu.memref_squeeze %dma_start3A_245 : memref<1x128xi32, #tpu.memory_space<vmem>> -> memref<128xi32, #tpu.memory_space<vmem>>
        %dma_start3A_247 = arith.constant 0 : i32
        %dma_start3A_248 = arith.constant 0 : i32
        %dma_start3A_249 = tpu.memref_slice %arg18[%dma_start3A_247, %dma_start3A_248] : memref<10016x64xbf16, #tpu.memory_space<vmem_shared>> -> memref<10016x64xbf16, #tpu.memory_space<vmem_shared>>
        tpu.enqueue_indirect_dma source(%dma_start3A_249 : memref<10016x64xbf16, #tpu.memory_space<vmem_shared>>) target(%arg9 : memref<128x64xbf16, #tpu.memory_space<vmem>>) offsets(%dma_start3A_246 : memref<128xi32, #tpu.memory_space<vmem>>) semaphore(%arg19 : memref<!tpu.dma_semaphore, #tpu.memory_space<semaphore_mem>>)
      } else {
      }
      %dma_start3A_137 = arith.constant 0 : i32
      %dma_start3A_138 = tpu.memref_slice %arg8[%add3A_118, %dma_start3A_137] : memref<80x128xi32, #tpu.memory_space<vmem>> -> memref<1x128xi32, #tpu.memory_space<vmem>>
      %dma_start3A_139 = tpu.memref_squeeze %dma_start3A_138 : memref<1x128xi32, #tpu.memory_space<vmem>> -> memref<128xi32, #tpu.memory_space<vmem>>
      %dma_start3A_140 = arith.constant 0 : i32
      %dma_start3A_141 = arith.constant 0 : i32
      %dma_start3A_142 = tpu.memref_slice %arg17[%dma_start3A_140, %dma_start3A_141] : memref<10240x64xf32, #tpu.memory_space<vmem_shared>> -> memref<10240x64xf32, #tpu.memory_space<vmem_shared>>
      tpu.enqueue_indirect_dma source(%arg13 : memref<128x64xf32, #tpu.memory_space<vmem>>) target(%dma_start3A_142 : memref<10240x64xf32, #tpu.memory_space<vmem_shared>>) offsets(%dma_start3A_139 : memref<128xi32, #tpu.memory_space<vmem>>) semaphore(%arg23 : memref<!tpu.dma_semaphore, #tpu.memory_space<semaphore_mem>>) {add = true}
      %mul3A_143 = arith.constant 4 : i32
      %mul3A_144 = arith.muli %while3A_114, %mul3A_143 : i32
      %add3A_145 = arith.constant 1 : i32
      %add3A_146 = arith.addi %mul3A_144, %add3A_145 : i32
      %ge3A_147 = arith.constant 4 : i32
      %ge3A_148 = arith.cmpi sge, %add3A_146, %ge3A_147 : i32
      %convert_element_type3A_149 = arith.extui %ge3A_148 : i1 to i32
      %cond3A_150 = arith.constant 0 : i32
      %cond3A_151 = arith.cmpi ne, %convert_element_type3A_149, %cond3A_150 : i32
      scf.if %cond3A_151 {
        %sub3A_242 = arith.constant 4 : i32
        %sub3A_243 = arith.subi %add3A_146, %sub3A_242 : i32
        %dma_wait3A_244 = arith.constant 0 : i32
        %dma_wait3A_245 = tpu.memref_slice %arg8[%sub3A_243, %dma_wait3A_244] : memref<80x128xi32, #tpu.memory_space<vmem>> -> memref<1x128xi32, #tpu.memory_space<vmem>>
        %dma_wait3A_246 = tpu.memref_squeeze %dma_wait3A_245 : memref<1x128xi32, #tpu.memory_space<vmem>> -> memref<128xi32, #tpu.memory_space<vmem>>
        %dma_wait3A_247 = arith.constant 0 : i32
        %dma_wait3A_248 = arith.constant 0 : i32
        %dma_wait3A_249 = tpu.memref_slice %arg17[%dma_wait3A_247, %dma_wait3A_248] : memref<10240x64xf32, #tpu.memory_space<vmem_shared>> -> memref<10240x64xf32, #tpu.memory_space<vmem_shared>>
        tpu.wait_indirect_dma semaphore(%arg24 : memref<!tpu.dma_semaphore, #tpu.memory_space<semaphore_mem>>) src(%arg14 : memref<128x64xf32, #tpu.memory_space<vmem>>) dst(%dma_wait3A_249 : memref<10240x64xf32, #tpu.memory_space<vmem_shared>>)
      } else {
      }
      %dma_wait3A_152 = arith.constant 0 : i32
      %dma_wait3A_153 = tpu.memref_slice %arg7[%add3A_146, %dma_wait3A_152] : memref<80x128xi32, #tpu.memory_space<vmem>> -> memref<1x128xi32, #tpu.memory_space<vmem>>
      %dma_wait3A_154 = tpu.memref_squeeze %dma_wait3A_153 : memref<1x128xi32, #tpu.memory_space<vmem>> -> memref<128xi32, #tpu.memory_space<vmem>>
      %dma_wait3A_155 = arith.constant 0 : i32
      %dma_wait3A_156 = arith.constant 0 : i32
      %dma_wait3A_157 = tpu.memref_slice %arg18[%dma_wait3A_155, %dma_wait3A_156] : memref<10016x64xbf16, #tpu.memory_space<vmem_shared>> -> memref<10016x64xbf16, #tpu.memory_space<vmem_shared>>
      tpu.wait_indirect_dma semaphore(%arg20 : memref<!tpu.dma_semaphore, #tpu.memory_space<semaphore_mem>>) src(%dma_wait3A_157 : memref<10016x64xbf16, #tpu.memory_space<vmem_shared>>) dst(%arg10 : memref<128x64xbf16, #tpu.memory_space<vmem>>)
      %scan3A_158 = arith.constant 0 : i32
      %scan3A_159 = arith.constant 0 : i32
      %scan3A_160 = arith.constant 128 : i32
      %scan3A_161 = arith.addi %scan3A_159, %scan3A_160 : i32
      %scan3A_162 = arith.constant 1 : i32
      scf.for %scan3A_242 = %scan3A_159 to %scan3A_161 step %scan3A_162  : i32 {
        %broadcast_in_dim3A_243 = vector.broadcast %scan3A_242 : i32 to vector<16xi32>
        %get3A = arith.index_cast %scan3A_242 : i32 to index
        %get3A_244 = arith.constant 0 : index
        %get3A_245 = tpu.vector_load %arg10[%get3A, %get3A_244] {strides = array<i32>} : memref<128x64xbf16, #tpu.memory_space<vmem>>, vector<32xbf16>,
        %bitcast3A = vector.bitcast %get3A_245 : vector<32xbf16> to vector<16xi32>
        %shift_left3A = arith.constant 16 : i32
        %shift_left3A_246 = vector.broadcast %shift_left3A : i32 to vector<16xi32>
        %shift_left3A_247 = arith.shli %bitcast3A, %shift_left3A_246 : vector<16xi32>
        %bitcast3A_248 = vector.bitcast %shift_left3A_247 : vector<16xi32> to vector<16xf32>
        %and3A_249 = arith.andi %bitcast3A, %broadcast_in_dim3A_15 : vector<16xi32>
        %bitcast3A_250 = vector.bitcast %and3A_249 : vector<16xi32> to vector<16xf32>
        %mul3A_251 = arith.constant 2 : i32
        %mul3A_252 = vector.broadcast %mul3A_251 : i32 to vector<16xi32>
        %mul3A_253 = arith.muli %mul3A_252, %iota3A : vector<16xi32>
        %add3A_254 = arith.constant 0 : i32
        %add3A_255 = vector.broadcast %add3A_254 : i32 to vector<16xi32>
        %add3A_256 = arith.addi %add3A_255, %mul3A_253 : vector<16xi32>
        tpu.vector_store_idx %arg14[%broadcast_in_dim3A_243, %add3A_256], %bitcast3A_248 : memref<128x64xf32, #tpu.memory_space<vmem>>[vector<16xi32>, vector<16xi32>], vector<16xf32>,
        %add3A_257 = arith.constant 1 : i32
        %add3A_258 = vector.broadcast %add3A_257 : i32 to vector<16xi32>
        %add3A_259 = arith.addi %add3A_256, %add3A_258 : vector<16xi32>
        tpu.vector_store_idx %arg14[%broadcast_in_dim3A_243, %add3A_259], %bitcast3A_250 : memref<128x64xf32, #tpu.memory_space<vmem>>[vector<16xi32>, vector<16xi32>], vector<16xf32>,
        %get3A_260 = arith.index_cast %scan3A_242 : i32 to index
        %get3A_261 = arith.constant 32 : index
        %get3A_262 = tpu.vector_load %arg10[%get3A_260, %get3A_261] {strides = array<i32>} : memref<128x64xbf16, #tpu.memory_space<vmem>>, vector<32xbf16>,
        %bitcast3A_263 = vector.bitcast %get3A_262 : vector<32xbf16> to vector<16xi32>
        %shift_left3A_264 = arith.constant 16 : i32
        %shift_left3A_265 = vector.broadcast %shift_left3A_264 : i32 to vector<16xi32>
        %shift_left3A_266 = arith.shli %bitcast3A_263, %shift_left3A_265 : vector<16xi32>
        %bitcast3A_267 = vector.bitcast %shift_left3A_266 : vector<16xi32> to vector<16xf32>
        %and3A_268 = arith.andi %bitcast3A_263, %broadcast_in_dim3A_15 : vector<16xi32>
        %bitcast3A_269 = vector.bitcast %and3A_268 : vector<16xi32> to vector<16xf32>
        %mul3A_270 = arith.constant 2 : i32
        %mul3A_271 = vector.broadcast %mul3A_270 : i32 to vector<16xi32>
        %mul3A_272 = arith.muli %mul3A_271, %iota3A : vector<16xi32>
        %add3A_273 = arith.constant 32 : i32
        %add3A_274 = vector.broadcast %add3A_273 : i32 to vector<16xi32>
        %add3A_275 = arith.addi %add3A_274, %mul3A_272 : vector<16xi32>
        tpu.vector_store_idx %arg14[%broadcast_in_dim3A_243, %add3A_275], %bitcast3A_267 : memref<128x64xf32, #tpu.memory_space<vmem>>[vector<16xi32>, vector<16xi32>], vector<16xf32>,
        %add3A_276 = arith.constant 1 : i32
        %add3A_277 = vector.broadcast %add3A_276 : i32 to vector<16xi32>
        %add3A_278 = arith.addi %add3A_275, %add3A_277 : vector<16xi32>
        tpu.vector_store_idx %arg14[%broadcast_in_dim3A_243, %add3A_278], %bitcast3A_269 : memref<128x64xf32, #tpu.memory_space<vmem>>[vector<16xi32>, vector<16xi32>], vector<16xf32>,
      }
      %scan3A_163 = arith.constant 128 : i32
      %add3A_164 = arith.constant 4 : i32
      %add3A_165 = arith.addi %add3A_146, %add3A_164 : i32
      %lt3A_166 = arith.cmpi slt, %add3A_165, %select_n3A_8 : i32
      %convert_element_type3A_167 = arith.extui %lt3A_166 : i1 to i32
      %cond3A_168 = arith.constant 0 : i32
      %cond3A_169 = arith.cmpi ne, %convert_element_type3A_167, %cond3A_168 : i32
      scf.if %cond3A_169 {
        %add3A_242 = arith.constant 4 : i32
        %add3A_243 = arith.addi %add3A_146, %add3A_242 : i32
        %dma_start3A_244 = arith.constant 0 : i32
        %dma_start3A_245 = tpu.memref_slice %arg7[%add3A_243, %dma_start3A_244] : memref<80x128xi32, #tpu.memory_space<vmem>> -> memref<1x128xi32, #tpu.memory_space<vmem>>
        %dma_start3A_246 = tpu.memref_squeeze %dma_start3A_245 : memref<1x128xi32, #tpu.memory_space<vmem>> -> memref<128xi32, #tpu.memory_space<vmem>>
        %dma_start3A_247 = arith.constant 0 : i32
        %dma_start3A_248 = arith.constant 0 : i32
        %dma_start3A_249 = tpu.memref_slice %arg18[%dma_start3A_247, %dma_start3A_248] : memref<10016x64xbf16, #tpu.memory_space<vmem_shared>> -> memref<10016x64xbf16, #tpu.memory_space<vmem_shared>>
        tpu.enqueue_indirect_dma source(%dma_start3A_249 : memref<10016x64xbf16, #tpu.memory_space<vmem_shared>>) target(%arg10 : memref<128x64xbf16, #tpu.memory_space<vmem>>) offsets(%dma_start3A_246 : memref<128xi32, #tpu.memory_space<vmem>>) semaphore(%arg20 : memref<!tpu.dma_semaphore, #tpu.memory_space<semaphore_mem>>)
      } else {
      }
      %dma_start3A_170 = arith.constant 0 : i32
      %dma_start3A_171 = tpu.memref_slice %arg8[%add3A_146, %dma_start3A_170] : memref<80x128xi32, #tpu.memory_space<vmem>> -> memref<1x128xi32, #tpu.memory_space<vmem>>
      %dma_start3A_172 = tpu.memref_squeeze %dma_start3A_171 : memref<1x128xi32, #tpu.memory_space<vmem>> -> memref<128xi32, #tpu.memory_space<vmem>>
      %dma_start3A_173 = arith.constant 0 : i32
      %dma_start3A_174 = arith.constant 0 : i32
      %dma_start3A_175 = tpu.memref_slice %arg17[%dma_start3A_173, %dma_start3A_174] : memref<10240x64xf32, #tpu.memory_space<vmem_shared>> -> memref<10240x64xf32, #tpu.memory_space<vmem_shared>>
      tpu.enqueue_indirect_dma source(%arg14 : memref<128x64xf32, #tpu.memory_space<vmem>>) target(%dma_start3A_175 : memref<10240x64xf32, #tpu.memory_space<vmem_shared>>) offsets(%dma_start3A_172 : memref<128xi32, #tpu.memory_space<vmem>>) semaphore(%arg24 : memref<!tpu.dma_semaphore, #tpu.memory_space<semaphore_mem>>) {add = true}
      %mul3A_176 = arith.constant 4 : i32
      %mul3A_177 = arith.muli %while3A_114, %mul3A_176 : i32
      %add3A_178 = arith.constant 2 : i32
      %add3A_179 = arith.addi %mul3A_177, %add3A_178 : i32
      %ge3A_180 = arith.constant 4 : i32
      %ge3A_181 = arith.cmpi sge, %add3A_179, %ge3A_180 : i32
      %convert_element_type3A_182 = arith.extui %ge3A_181 : i1 to i32
      %cond3A_183 = arith.constant 0 : i32
      %cond3A_184 = arith.cmpi ne, %convert_element_type3A_182, %cond3A_183 : i32
      scf.if %cond3A_184 {
        %sub3A_242 = arith.constant 4 : i32
        %sub3A_243 = arith.subi %add3A_179, %sub3A_242 : i32
        %dma_wait3A_244 = arith.constant 0 : i32
        %dma_wait3A_245 = tpu.memref_slice %arg8[%sub3A_243, %dma_wait3A_244] : memref<80x128xi32, #tpu.memory_space<vmem>> -> memref<1x128xi32, #tpu.memory_space<vmem>>
        %dma_wait3A_246 = tpu.memref_squeeze %dma_wait3A_245 : memref<1x128xi32, #tpu.memory_space<vmem>> -> memref<128xi32, #tpu.memory_space<vmem>>
        %dma_wait3A_247 = arith.constant 0 : i32
        %dma_wait3A_248 = arith.constant 0 : i32
        %dma_wait3A_249 = tpu.memref_slice %arg17[%dma_wait3A_247, %dma_wait3A_248] : memref<10240x64xf32, #tpu.memory_space<vmem_shared>> -> memref<10240x64xf32, #tpu.memory_space<vmem_shared>>
        tpu.wait_indirect_dma semaphore(%arg25 : memref<!tpu.dma_semaphore, #tpu.memory_space<semaphore_mem>>) src(%arg15 : memref<128x64xf32, #tpu.memory_space<vmem>>) dst(%dma_wait3A_249 : memref<10240x64xf32, #tpu.memory_space<vmem_shared>>)
      } else {
      }
      %dma_wait3A_185 = arith.constant 0 : i32
      %dma_wait3A_186 = tpu.memref_slice %arg7[%add3A_179, %dma_wait3A_185] : memref<80x128xi32, #tpu.memory_space<vmem>> -> memref<1x128xi32, #tpu.memory_space<vmem>>
      %dma_wait3A_187 = tpu.memref_squeeze %dma_wait3A_186 : memref<1x128xi32, #tpu.memory_space<vmem>> -> memref<128xi32, #tpu.memory_space<vmem>>
      %dma_wait3A_188 = arith.constant 0 : i32
      %dma_wait3A_189 = arith.constant 0 : i32
      %dma_wait3A_190 = tpu.memref_slice %arg18[%dma_wait3A_188, %dma_wait3A_189] : memref<10016x64xbf16, #tpu.memory_space<vmem_shared>> -> memref<10016x64xbf16, #tpu.memory_space<vmem_shared>>
      tpu.wait_indirect_dma semaphore(%arg21 : memref<!tpu.dma_semaphore, #tpu.memory_space<semaphore_mem>>) src(%dma_wait3A_190 : memref<10016x64xbf16, #tpu.memory_space<vmem_shared>>) dst(%arg11 : memref<128x64xbf16, #tpu.memory_space<vmem>>)
      %scan3A_191 = arith.constant 0 : i32
      %scan3A_192 = arith.constant 0 : i32
      %scan3A_193 = arith.constant 128 : i32
      %scan3A_194 = arith.addi %scan3A_192, %scan3A_193 : i32
      %scan3A_195 = arith.constant 1 : i32
      scf.for %scan3A_242 = %scan3A_192 to %scan3A_194 step %scan3A_195  : i32 {
        %broadcast_in_dim3A_243 = vector.broadcast %scan3A_242 : i32 to vector<16xi32>
        %get3A = arith.index_cast %scan3A_242 : i32 to index
        %get3A_244 = arith.constant 0 : index
        %get3A_245 = tpu.vector_load %arg11[%get3A, %get3A_244] {strides = array<i32>} : memref<128x64xbf16, #tpu.memory_space<vmem>>, vector<32xbf16>,
        %bitcast3A = vector.bitcast %get3A_245 : vector<32xbf16> to vector<16xi32>
        %shift_left3A = arith.constant 16 : i32
        %shift_left3A_246 = vector.broadcast %shift_left3A : i32 to vector<16xi32>
        %shift_left3A_247 = arith.shli %bitcast3A, %shift_left3A_246 : vector<16xi32>
        %bitcast3A_248 = vector.bitcast %shift_left3A_247 : vector<16xi32> to vector<16xf32>
        %and3A_249 = arith.andi %bitcast3A, %broadcast_in_dim3A_15 : vector<16xi32>
        %bitcast3A_250 = vector.bitcast %and3A_249 : vector<16xi32> to vector<16xf32>
        %mul3A_251 = arith.constant 2 : i32
        %mul3A_252 = vector.broadcast %mul3A_251 : i32 to vector<16xi32>
        %mul3A_253 = arith.muli %mul3A_252, %iota3A : vector<16xi32>
        %add3A_254 = arith.constant 0 : i32
        %add3A_255 = vector.broadcast %add3A_254 : i32 to vector<16xi32>
        %add3A_256 = arith.addi %add3A_255, %mul3A_253 : vector<16xi32>
        tpu.vector_store_idx %arg15[%broadcast_in_dim3A_243, %add3A_256], %bitcast3A_248 : memref<128x64xf32, #tpu.memory_space<vmem>>[vector<16xi32>, vector<16xi32>], vector<16xf32>,
        %add3A_257 = arith.constant 1 : i32
        %add3A_258 = vector.broadcast %add3A_257 : i32 to vector<16xi32>
        %add3A_259 = arith.addi %add3A_256, %add3A_258 : vector<16xi32>
        tpu.vector_store_idx %arg15[%broadcast_in_dim3A_243, %add3A_259], %bitcast3A_250 : memref<128x64xf32, #tpu.memory_space<vmem>>[vector<16xi32>, vector<16xi32>], vector<16xf32>,
        %get3A_260 = arith.index_cast %scan3A_242 : i32 to index
        %get3A_261 = arith.constant 32 : index
        %get3A_262 = tpu.vector_load %arg11[%get3A_260, %get3A_261] {strides = array<i32>} : memref<128x64xbf16, #tpu.memory_space<vmem>>, vector<32xbf16>,
        %bitcast3A_263 = vector.bitcast %get3A_262 : vector<32xbf16> to vector<16xi32>
        %shift_left3A_264 = arith.constant 16 : i32
        %shift_left3A_265 = vector.broadcast %shift_left3A_264 : i32 to vector<16xi32>
        %shift_left3A_266 = arith.shli %bitcast3A_263, %shift_left3A_265 : vector<16xi32>
        %bitcast3A_267 = vector.bitcast %shift_left3A_266 : vector<16xi32> to vector<16xf32>
        %and3A_268 = arith.andi %bitcast3A_263, %broadcast_in_dim3A_15 : vector<16xi32>
        %bitcast3A_269 = vector.bitcast %and3A_268 : vector<16xi32> to vector<16xf32>
        %mul3A_270 = arith.constant 2 : i32
        %mul3A_271 = vector.broadcast %mul3A_270 : i32 to vector<16xi32>
        %mul3A_272 = arith.muli %mul3A_271, %iota3A : vector<16xi32>
        %add3A_273 = arith.constant 32 : i32
        %add3A_274 = vector.broadcast %add3A_273 : i32 to vector<16xi32>
        %add3A_275 = arith.addi %add3A_274, %mul3A_272 : vector<16xi32>
        tpu.vector_store_idx %arg15[%broadcast_in_dim3A_243, %add3A_275], %bitcast3A_267 : memref<128x64xf32, #tpu.memory_space<vmem>>[vector<16xi32>, vector<16xi32>], vector<16xf32>,
        %add3A_276 = arith.constant 1 : i32
        %add3A_277 = vector.broadcast %add3A_276 : i32 to vector<16xi32>
        %add3A_278 = arith.addi %add3A_275, %add3A_277 : vector<16xi32>
        tpu.vector_store_idx %arg15[%broadcast_in_dim3A_243, %add3A_278], %bitcast3A_269 : memref<128x64xf32, #tpu.memory_space<vmem>>[vector<16xi32>, vector<16xi32>], vector<16xf32>,
      }
      %scan3A_196 = arith.constant 128 : i32
      %add3A_197 = arith.constant 4 : i32
      %add3A_198 = arith.addi %add3A_179, %add3A_197 : i32
      %lt3A_199 = arith.cmpi slt, %add3A_198, %select_n3A_8 : i32
      %convert_element_type3A_200 = arith.extui %lt3A_199 : i1 to i32
      %cond3A_201 = arith.constant 0 : i32
      %cond3A_202 = arith.cmpi ne, %convert_element_type3A_200, %cond3A_201 : i32
      scf.if %cond3A_202 {
        %add3A_242 = arith.constant 4 : i32
        %add3A_243 = arith.addi %add3A_179, %add3A_242 : i32
        %dma_start3A_244 = arith.constant 0 : i32
        %dma_start3A_245 = tpu.memref_slice %arg7[%add3A_243, %dma_start3A_244] : memref<80x128xi32, #tpu.memory_space<vmem>> -> memref<1x128xi32, #tpu.memory_space<vmem>>
        %dma_start3A_246 = tpu.memref_squeeze %dma_start3A_245 : memref<1x128xi32, #tpu.memory_space<vmem>> -> memref<128xi32, #tpu.memory_space<vmem>>
        %dma_start3A_247 = arith.constant 0 : i32
        %dma_start3A_248 = arith.constant 0 : i32
        %dma_start3A_249 = tpu.memref_slice %arg18[%dma_start3A_247, %dma_start3A_248] : memref<10016x64xbf16, #tpu.memory_space<vmem_shared>> -> memref<10016x64xbf16, #tpu.memory_space<vmem_shared>>
        tpu.enqueue_indirect_dma source(%dma_start3A_249 : memref<10016x64xbf16, #tpu.memory_space<vmem_shared>>) target(%arg11 : memref<128x64xbf16, #tpu.memory_space<vmem>>) offsets(%dma_start3A_246 : memref<128xi32, #tpu.memory_space<vmem>>) semaphore(%arg21 : memref<!tpu.dma_semaphore, #tpu.memory_space<semaphore_mem>>)
      } else {
      }
      %dma_start3A_203 = arith.constant 0 : i32
      %dma_start3A_204 = tpu.memref_slice %arg8[%add3A_179, %dma_start3A_203] : memref<80x128xi32, #tpu.memory_space<vmem>> -> memref<1x128xi32, #tpu.memory_space<vmem>>
      %dma_start3A_205 = tpu.memref_squeeze %dma_start3A_204 : memref<1x128xi32, #tpu.memory_space<vmem>> -> memref<128xi32, #tpu.memory_space<vmem>>
      %dma_start3A_206 = arith.constant 0 : i32
      %dma_start3A_207 = arith.constant 0 : i32
      %dma_start3A_208 = tpu.memref_slice %arg17[%dma_start3A_206, %dma_start3A_207] : memref<10240x64xf32, #tpu.memory_space<vmem_shared>> -> memref<10240x64xf32, #tpu.memory_space<vmem_shared>>
      tpu.enqueue_indirect_dma source(%arg15 : memref<128x64xf32, #tpu.memory_space<vmem>>) target(%dma_start3A_208 : memref<10240x64xf32, #tpu.memory_space<vmem_shared>>) offsets(%dma_start3A_205 : memref<128xi32, #tpu.memory_space<vmem>>) semaphore(%arg25 : memref<!tpu.dma_semaphore, #tpu.memory_space<semaphore_mem>>) {add = true}
      %mul3A_209 = arith.constant 4 : i32
      %mul3A_210 = arith.muli %while3A_114, %mul3A_209 : i32
      %add3A_211 = arith.constant 3 : i32
      %add3A_212 = arith.addi %mul3A_210, %add3A_211 : i32
      %ge3A_213 = arith.constant 4 : i32
      %ge3A_214 = arith.cmpi sge, %add3A_212, %ge3A_213 : i32
      %convert_element_type3A_215 = arith.extui %ge3A_214 : i1 to i32
      %cond3A_216 = arith.constant 0 : i32
      %cond3A_217 = arith.cmpi ne, %convert_element_type3A_215, %cond3A_216 : i32
      scf.if %cond3A_217 {
        %sub3A_242 = arith.constant 4 : i32
        %sub3A_243 = arith.subi %add3A_212, %sub3A_242 : i32
        %dma_wait3A_244 = arith.constant 0 : i32
        %dma_wait3A_245 = tpu.memref_slice %arg8[%sub3A_243, %dma_wait3A_244] : memref<80x128xi32, #tpu.memory_space<vmem>> -> memref<1x128xi32, #tpu.memory_space<vmem>>
        %dma_wait3A_246 = tpu.memref_squeeze %dma_wait3A_245 : memref<1x128xi32, #tpu.memory_space<vmem>> -> memref<128xi32, #tpu.memory_space<vmem>>
        %dma_wait3A_247 = arith.constant 0 : i32
        %dma_wait3A_248 = arith.constant 0 : i32
        %dma_wait3A_249 = tpu.memref_slice %arg17[%dma_wait3A_247, %dma_wait3A_248] : memref<10240x64xf32, #tpu.memory_space<vmem_shared>> -> memref<10240x64xf32, #tpu.memory_space<vmem_shared>>
        tpu.wait_indirect_dma semaphore(%arg26 : memref<!tpu.dma_semaphore, #tpu.memory_space<semaphore_mem>>) src(%arg16 : memref<128x64xf32, #tpu.memory_space<vmem>>) dst(%dma_wait3A_249 : memref<10240x64xf32, #tpu.memory_space<vmem_shared>>)
      } else {
      }
      %dma_wait3A_218 = arith.constant 0 : i32
      %dma_wait3A_219 = tpu.memref_slice %arg7[%add3A_212, %dma_wait3A_218] : memref<80x128xi32, #tpu.memory_space<vmem>> -> memref<1x128xi32, #tpu.memory_space<vmem>>
      %dma_wait3A_220 = tpu.memref_squeeze %dma_wait3A_219 : memref<1x128xi32, #tpu.memory_space<vmem>> -> memref<128xi32, #tpu.memory_space<vmem>>
      %dma_wait3A_221 = arith.constant 0 : i32
      %dma_wait3A_222 = arith.constant 0 : i32
      %dma_wait3A_223 = tpu.memref_slice %arg18[%dma_wait3A_221, %dma_wait3A_222] : memref<10016x64xbf16, #tpu.memory_space<vmem_shared>> -> memref<10016x64xbf16, #tpu.memory_space<vmem_shared>>
      tpu.wait_indirect_dma semaphore(%arg22 : memref<!tpu.dma_semaphore, #tpu.memory_space<semaphore_mem>>) src(%dma_wait3A_223 : memref<10016x64xbf16, #tpu.memory_space<vmem_shared>>) dst(%arg12 : memref<128x64xbf16, #tpu.memory_space<vmem>>)
      %scan3A_224 = arith.constant 0 : i32
      %scan3A_225 = arith.constant 0 : i32
      %scan3A_226 = arith.constant 128 : i32
      %scan3A_227 = arith.addi %scan3A_225, %scan3A_226 : i32
      %scan3A_228 = arith.constant 1 : i32
      scf.for %scan3A_242 = %scan3A_225 to %scan3A_227 step %scan3A_228  : i32 {
        %broadcast_in_dim3A_243 = vector.broadcast %scan3A_242 : i32 to vector<16xi32>
        %get3A = arith.index_cast %scan3A_242 : i32 to index
        %get3A_244 = arith.constant 0 : index
        %get3A_245 = tpu.vector_load %arg12[%get3A, %get3A_244] {strides = array<i32>} : memref<128x64xbf16, #tpu.memory_space<vmem>>, vector<32xbf16>,
        %bitcast3A = vector.bitcast %get3A_245 : vector<32xbf16> to vector<16xi32>
        %shift_left3A = arith.constant 16 : i32
        %shift_left3A_246 = vector.broadcast %shift_left3A : i32 to vector<16xi32>
        %shift_left3A_247 = arith.shli %bitcast3A, %shift_left3A_246 : vector<16xi32>
        %bitcast3A_248 = vector.bitcast %shift_left3A_247 : vector<16xi32> to vector<16xf32>
        %and3A_249 = arith.andi %bitcast3A, %broadcast_in_dim3A_15 : vector<16xi32>
        %bitcast3A_250 = vector.bitcast %and3A_249 : vector<16xi32> to vector<16xf32>
        %mul3A_251 = arith.constant 2 : i32
        %mul3A_252 = vector.broadcast %mul3A_251 : i32 to vector<16xi32>
        %mul3A_253 = arith.muli %mul3A_252, %iota3A : vector<16xi32>
        %add3A_254 = arith.constant 0 : i32
        %add3A_255 = vector.broadcast %add3A_254 : i32 to vector<16xi32>
        %add3A_256 = arith.addi %add3A_255, %mul3A_253 : vector<16xi32>
        tpu.vector_store_idx %arg16[%broadcast_in_dim3A_243, %add3A_256], %bitcast3A_248 : memref<128x64xf32, #tpu.memory_space<vmem>>[vector<16xi32>, vector<16xi32>], vector<16xf32>,
        %add3A_257 = arith.constant 1 : i32
        %add3A_258 = vector.broadcast %add3A_257 : i32 to vector<16xi32>
        %add3A_259 = arith.addi %add3A_256, %add3A_258 : vector<16xi32>
        tpu.vector_store_idx %arg16[%broadcast_in_dim3A_243, %add3A_259], %bitcast3A_250 : memref<128x64xf32, #tpu.memory_space<vmem>>[vector<16xi32>, vector<16xi32>], vector<16xf32>,
        %get3A_260 = arith.index_cast %scan3A_242 : i32 to index
        %get3A_261 = arith.constant 32 : index
        %get3A_262 = tpu.vector_load %arg12[%get3A_260, %get3A_261] {strides = array<i32>} : memref<128x64xbf16, #tpu.memory_space<vmem>>, vector<32xbf16>,
        %bitcast3A_263 = vector.bitcast %get3A_262 : vector<32xbf16> to vector<16xi32>
        %shift_left3A_264 = arith.constant 16 : i32
        %shift_left3A_265 = vector.broadcast %shift_left3A_264 : i32 to vector<16xi32>
        %shift_left3A_266 = arith.shli %bitcast3A_263, %shift_left3A_265 : vector<16xi32>
        %bitcast3A_267 = vector.bitcast %shift_left3A_266 : vector<16xi32> to vector<16xf32>
        %and3A_268 = arith.andi %bitcast3A_263, %broadcast_in_dim3A_15 : vector<16xi32>
        %bitcast3A_269 = vector.bitcast %and3A_268 : vector<16xi32> to vector<16xf32>
        %mul3A_270 = arith.constant 2 : i32
        %mul3A_271 = vector.broadcast %mul3A_270 : i32 to vector<16xi32>
        %mul3A_272 = arith.muli %mul3A_271, %iota3A : vector<16xi32>
        %add3A_273 = arith.constant 32 : i32
        %add3A_274 = vector.broadcast %add3A_273 : i32 to vector<16xi32>
        %add3A_275 = arith.addi %add3A_274, %mul3A_272 : vector<16xi32>
        tpu.vector_store_idx %arg16[%broadcast_in_dim3A_243, %add3A_275], %bitcast3A_267 : memref<128x64xf32, #tpu.memory_space<vmem>>[vector<16xi32>, vector<16xi32>], vector<16xf32>,
        %add3A_276 = arith.constant 1 : i32
        %add3A_277 = vector.broadcast %add3A_276 : i32 to vector<16xi32>
        %add3A_278 = arith.addi %add3A_275, %add3A_277 : vector<16xi32>
        tpu.vector_store_idx %arg16[%broadcast_in_dim3A_243, %add3A_278], %bitcast3A_269 : memref<128x64xf32, #tpu.memory_space<vmem>>[vector<16xi32>, vector<16xi32>], vector<16xf32>,
      }
      %scan3A_229 = arith.constant 128 : i32
      %add3A_230 = arith.constant 4 : i32
      %add3A_231 = arith.addi %add3A_212, %add3A_230 : i32
      %lt3A_232 = arith.cmpi slt, %add3A_231, %select_n3A_8 : i32
      %convert_element_type3A_233 = arith.extui %lt3A_232 : i1 to i32
      %cond3A_234 = arith.constant 0 : i32
      %cond3A_235 = arith.cmpi ne, %convert_element_type3A_233, %cond3A_234 : i32
      scf.if %cond3A_235 {
        %add3A_242 = arith.constant 4 : i32
        %add3A_243 = arith.addi %add3A_212, %add3A_242 : i32
        %dma_start3A_244 = arith.constant 0 : i32
        %dma_start3A_245 = tpu.memref_slice %arg7[%add3A_243, %dma_start3A_244] : memref<80x128xi32, #tpu.memory_space<vmem>> -> memref<1x128xi32, #tpu.memory_space<vmem>>
        %dma_start3A_246 = tpu.memref_squeeze %dma_start3A_245 : memref<1x128xi32, #tpu.memory_space<vmem>> -> memref<128xi32, #tpu.memory_space<vmem>>
        %dma_start3A_247 = arith.constant 0 : i32
        %dma_start3A_248 = arith.constant 0 : i32
        %dma_start3A_249 = tpu.memref_slice %arg18[%dma_start3A_247, %dma_start3A_248] : memref<10016x64xbf16, #tpu.memory_space<vmem_shared>> -> memref<10016x64xbf16, #tpu.memory_space<vmem_shared>>
        tpu.enqueue_indirect_dma source(%dma_start3A_249 : memref<10016x64xbf16, #tpu.memory_space<vmem_shared>>) target(%arg12 : memref<128x64xbf16, #tpu.memory_space<vmem>>) offsets(%dma_start3A_246 : memref<128xi32, #tpu.memory_space<vmem>>) semaphore(%arg22 : memref<!tpu.dma_semaphore, #tpu.memory_space<semaphore_mem>>)
      } else {
      }
      %dma_start3A_236 = arith.constant 0 : i32
      %dma_start3A_237 = tpu.memref_slice %arg8[%add3A_212, %dma_start3A_236] : memref<80x128xi32, #tpu.memory_space<vmem>> -> memref<1x128xi32, #tpu.memory_space<vmem>>
      %dma_start3A_238 = tpu.memref_squeeze %dma_start3A_237 : memref<1x128xi32, #tpu.memory_space<vmem>> -> memref<128xi32, #tpu.memory_space<vmem>>
      %dma_start3A_239 = arith.constant 0 : i32
      %dma_start3A_240 = arith.constant 0 : i32
      %dma_start3A_241 = tpu.memref_slice %arg17[%dma_start3A_239, %dma_start3A_240] : memref<10240x64xf32, #tpu.memory_space<vmem_shared>> -> memref<10240x64xf32, #tpu.memory_space<vmem_shared>>
      tpu.enqueue_indirect_dma source(%arg16 : memref<128x64xf32, #tpu.memory_space<vmem>>) target(%dma_start3A_241 : memref<10240x64xf32, #tpu.memory_space<vmem_shared>>) offsets(%dma_start3A_238 : memref<128xi32, #tpu.memory_space<vmem>>) semaphore(%arg26 : memref<!tpu.dma_semaphore, #tpu.memory_space<semaphore_mem>>) {add = true}
    }
    %while3A_69 = arith.constant 1 : i32
    scf.for %while3A_114 = %while3A_67 to %while3A_63 step %while3A_69  : i32 {
      %mul3A_115 = arith.constant 4 : i32
      %mul3A_116 = arith.muli %while3A_114, %mul3A_115 : i32
      %add3A_117 = arith.constant 0 : i32
      %add3A_118 = arith.addi %mul3A_116, %add3A_117 : i32
      %ge3A = arith.constant 4 : i32
      %ge3A_119 = arith.cmpi sge, %add3A_118, %ge3A : i32
      %convert_element_type3A = arith.extui %ge3A_119 : i1 to i32
      %cond3A = arith.constant 0 : i32
      %cond3A_120 = arith.cmpi ne, %convert_element_type3A, %cond3A : i32
      scf.if %cond3A_120 {
        %sub3A_242 = arith.constant 4 : i32
        %sub3A_243 = arith.subi %add3A_118, %sub3A_242 : i32
        %dma_wait3A_244 = arith.constant 0 : i32
        %dma_wait3A_245 = tpu.memref_slice %arg8[%sub3A_243, %dma_wait3A_244] : memref<80x128xi32, #tpu.memory_space<vmem>> -> memref<1x128xi32, #tpu.memory_space<vmem>>
        %dma_wait3A_246 = tpu.memref_squeeze %dma_wait3A_245 : memref<1x128xi32, #tpu.memory_space<vmem>> -> memref<128xi32, #tpu.memory_space<vmem>>
        %dma_wait3A_247 = arith.constant 0 : i32
        %dma_wait3A_248 = arith.constant 0 : i32
        %dma_wait3A_249 = tpu.memref_slice %arg17[%dma_wait3A_247, %dma_wait3A_248] : memref<10240x64xf32, #tpu.memory_space<vmem_shared>> -> memref<10240x64xf32, #tpu.memory_space<vmem_shared>>
        tpu.wait_indirect_dma semaphore(%arg23 : memref<!tpu.dma_semaphore, #tpu.memory_space<semaphore_mem>>) src(%arg13 : memref<128x64xf32, #tpu.memory_space<vmem>>) dst(%dma_wait3A_249 : memref<10240x64xf32, #tpu.memory_space<vmem_shared>>)
      } else {
      }
      %dma_wait3A_121 = arith.constant 0 : i32
      %dma_wait3A_122 = tpu.memref_slice %arg7[%add3A_118, %dma_wait3A_121] : memref<80x128xi32, #tpu.memory_space<vmem>> -> memref<1x128xi32, #tpu.memory_space<vmem>>
      %dma_wait3A_123 = tpu.memref_squeeze %dma_wait3A_122 : memref<1x128xi32, #tpu.memory_space<vmem>> -> memref<128xi32, #tpu.memory_space<vmem>>
      %dma_wait3A_124 = arith.constant 0 : i32
      %dma_wait3A_125 = arith.constant 0 : i32
      %dma_wait3A_126 = tpu.memref_slice %arg18[%dma_wait3A_124, %dma_wait3A_125] : memref<10016x64xbf16, #tpu.memory_space<vmem_shared>> -> memref<10016x64xbf16, #tpu.memory_space<vmem_shared>>
      tpu.wait_indirect_dma semaphore(%arg19 : memref<!tpu.dma_semaphore, #tpu.memory_space<semaphore_mem>>) src(%dma_wait3A_126 : memref<10016x64xbf16, #tpu.memory_space<vmem_shared>>) dst(%arg9 : memref<128x64xbf16, #tpu.memory_space<vmem>>)
      %scan3A = arith.constant 0 : i32
      %scan3A_127 = arith.constant 0 : i32
      %scan3A_128 = arith.constant 128 : i32
      %scan3A_129 = arith.addi %scan3A_127, %scan3A_128 : i32
      %scan3A_130 = arith.constant 1 : i32
      scf.for %scan3A_242 = %scan3A_127 to %scan3A_129 step %scan3A_130  : i32 {
        %broadcast_in_dim3A_243 = vector.broadcast %scan3A_242 : i32 to vector<16xi32>
        %get3A = arith.index_cast %scan3A_242 : i32 to index
        %get3A_244 = arith.constant 0 : index
        %get3A_245 = tpu.vector_load %arg9[%get3A, %get3A_244] {strides = array<i32>} : memref<128x64xbf16, #tpu.memory_space<vmem>>, vector<32xbf16>,
        %bitcast3A = vector.bitcast %get3A_245 : vector<32xbf16> to vector<16xi32>
        %shift_left3A = arith.constant 16 : i32
        %shift_left3A_246 = vector.broadcast %shift_left3A : i32 to vector<16xi32>
        %shift_left3A_247 = arith.shli %bitcast3A, %shift_left3A_246 : vector<16xi32>
        %bitcast3A_248 = vector.bitcast %shift_left3A_247 : vector<16xi32> to vector<16xf32>
        %and3A_249 = arith.andi %bitcast3A, %broadcast_in_dim3A_15 : vector<16xi32>
        %bitcast3A_250 = vector.bitcast %and3A_249 : vector<16xi32> to vector<16xf32>
        %mul3A_251 = arith.constant 2 : i32
        %mul3A_252 = vector.broadcast %mul3A_251 : i32 to vector<16xi32>
        %mul3A_253 = arith.muli %mul3A_252, %iota3A : vector<16xi32>
        %add3A_254 = arith.constant 0 : i32
        %add3A_255 = vector.broadcast %add3A_254 : i32 to vector<16xi32>
        %add3A_256 = arith.addi %add3A_255, %mul3A_253 : vector<16xi32>
        tpu.vector_store_idx %arg13[%broadcast_in_dim3A_243, %add3A_256], %bitcast3A_248 : memref<128x64xf32, #tpu.memory_space<vmem>>[vector<16xi32>, vector<16xi32>], vector<16xf32>,
        %add3A_257 = arith.constant 1 : i32
        %add3A_258 = vector.broadcast %add3A_257 : i32 to vector<16xi32>
        %add3A_259 = arith.addi %add3A_256, %add3A_258 : vector<16xi32>
        tpu.vector_store_idx %arg13[%broadcast_in_dim3A_243, %add3A_259], %bitcast3A_250 : memref<128x64xf32, #tpu.memory_space<vmem>>[vector<16xi32>, vector<16xi32>], vector<16xf32>,
        %get3A_260 = arith.index_cast %scan3A_242 : i32 to index
        %get3A_261 = arith.constant 32 : index
        %get3A_262 = tpu.vector_load %arg9[%get3A_260, %get3A_261] {strides = array<i32>} : memref<128x64xbf16, #tpu.memory_space<vmem>>, vector<32xbf16>,
        %bitcast3A_263 = vector.bitcast %get3A_262 : vector<32xbf16> to vector<16xi32>
        %shift_left3A_264 = arith.constant 16 : i32
        %shift_left3A_265 = vector.broadcast %shift_left3A_264 : i32 to vector<16xi32>
        %shift_left3A_266 = arith.shli %bitcast3A_263, %shift_left3A_265 : vector<16xi32>
        %bitcast3A_267 = vector.bitcast %shift_left3A_266 : vector<16xi32> to vector<16xf32>
        %and3A_268 = arith.andi %bitcast3A_263, %broadcast_in_dim3A_15 : vector<16xi32>
        %bitcast3A_269 = vector.bitcast %and3A_268 : vector<16xi32> to vector<16xf32>
        %mul3A_270 = arith.constant 2 : i32
        %mul3A_271 = vector.broadcast %mul3A_270 : i32 to vector<16xi32>
        %mul3A_272 = arith.muli %mul3A_271, %iota3A : vector<16xi32>
        %add3A_273 = arith.constant 32 : i32
        %add3A_274 = vector.broadcast %add3A_273 : i32 to vector<16xi32>
        %add3A_275 = arith.addi %add3A_274, %mul3A_272 : vector<16xi32>
        tpu.vector_store_idx %arg13[%broadcast_in_dim3A_243, %add3A_275], %bitcast3A_267 : memref<128x64xf32, #tpu.memory_space<vmem>>[vector<16xi32>, vector<16xi32>], vector<16xf32>,
        %add3A_276 = arith.constant 1 : i32
        %add3A_277 = vector.broadcast %add3A_276 : i32 to vector<16xi32>
        %add3A_278 = arith.addi %add3A_275, %add3A_277 : vector<16xi32>
        tpu.vector_store_idx %arg13[%broadcast_in_dim3A_243, %add3A_278], %bitcast3A_269 : memref<128x64xf32, #tpu.memory_space<vmem>>[vector<16xi32>, vector<16xi32>], vector<16xf32>,
      }
      %scan3A_131 = arith.constant 128 : i32
      %add3A_132 = arith.constant 4 : i32
      %add3A_133 = arith.addi %add3A_118, %add3A_132 : i32
      %lt3A = arith.cmpi slt, %add3A_133, %select_n3A_8 : i32
      %convert_element_type3A_134 = arith.extui %lt3A : i1 to i32
      %cond3A_135 = arith.constant 0 : i32
      %cond3A_136 = arith.cmpi ne, %convert_element_type3A_134, %cond3A_135 : i32
      scf.if %cond3A_136 {
        %add3A_242 = arith.constant 4 : i32
        %add3A_243 = arith.addi %add3A_118, %add3A_242 : i32
        %dma_start3A_244 = arith.constant 0 : i32
        %dma_start3A_245 = tpu.memref_slice %arg7[%add3A_243, %dma_start3A_244] : memref<80x128xi32, #tpu.memory_space<vmem>> -> memref<1x128xi32, #tpu.memory_space<vmem>>
        %dma_start3A_246 = tpu.memref_squeeze %dma_start3A_245 : memref<1x128xi32, #tpu.memory_space<vmem>> -> memref<128xi32, #tpu.memory_space<vmem>>
        %dma_start3A_247 = arith.constant 0 : i32
        %dma_start3A_248 = arith.constant 0 : i32
        %dma_start3A_249 = tpu.memref_slice %arg18[%dma_start3A_247, %dma_start3A_248] : memref<10016x64xbf16, #tpu.memory_space<vmem_shared>> -> memref<10016x64xbf16, #tpu.memory_space<vmem_shared>>
        tpu.enqueue_indirect_dma source(%dma_start3A_249 : memref<10016x64xbf16, #tpu.memory_space<vmem_shared>>) target(%arg9 : memref<128x64xbf16, #tpu.memory_space<vmem>>) offsets(%dma_start3A_246 : memref<128xi32, #tpu.memory_space<vmem>>) semaphore(%arg19 : memref<!tpu.dma_semaphore, #tpu.memory_space<semaphore_mem>>)
      } else {
      }
      %dma_start3A_137 = arith.constant 0 : i32
      %dma_start3A_138 = tpu.memref_slice %arg8[%add3A_118, %dma_start3A_137] : memref<80x128xi32, #tpu.memory_space<vmem>> -> memref<1x128xi32, #tpu.memory_space<vmem>>
      %dma_start3A_139 = tpu.memref_squeeze %dma_start3A_138 : memref<1x128xi32, #tpu.memory_space<vmem>> -> memref<128xi32, #tpu.memory_space<vmem>>
      %dma_start3A_140 = arith.constant 0 : i32
      %dma_start3A_141 = arith.constant 0 : i32
      %dma_start3A_142 = tpu.memref_slice %arg17[%dma_start3A_140, %dma_start3A_141] : memref<10240x64xf32, #tpu.memory_space<vmem_shared>> -> memref<10240x64xf32, #tpu.memory_space<vmem_shared>>
      tpu.enqueue_indirect_dma source(%arg13 : memref<128x64xf32, #tpu.memory_space<vmem>>) target(%dma_start3A_142 : memref<10240x64xf32, #tpu.memory_space<vmem_shared>>) offsets(%dma_start3A_139 : memref<128xi32, #tpu.memory_space<vmem>>) semaphore(%arg23 : memref<!tpu.dma_semaphore, #tpu.memory_space<semaphore_mem>>) {add = true}
      %mul3A_143 = arith.constant 4 : i32
      %mul3A_144 = arith.muli %while3A_114, %mul3A_143 : i32
      %add3A_145 = arith.constant 1 : i32
      %add3A_146 = arith.addi %mul3A_144, %add3A_145 : i32
      %ge3A_147 = arith.constant 4 : i32
      %ge3A_148 = arith.cmpi sge, %add3A_146, %ge3A_147 : i32
      %convert_element_type3A_149 = arith.extui %ge3A_148 : i1 to i32
      %cond3A_150 = arith.constant 0 : i32
      %cond3A_151 = arith.cmpi ne, %convert_element_type3A_149, %cond3A_150 : i32
      scf.if %cond3A_151 {
        %sub3A_242 = arith.constant 4 : i32
        %sub3A_243 = arith.subi %add3A_146, %sub3A_242 : i32
        %dma_wait3A_244 = arith.constant 0 : i32
        %dma_wait3A_245 = tpu.memref_slice %arg8[%sub3A_243, %dma_wait3A_244] : memref<80x128xi32, #tpu.memory_space<vmem>> -> memref<1x128xi32, #tpu.memory_space<vmem>>
        %dma_wait3A_246 = tpu.memref_squeeze %dma_wait3A_245 : memref<1x128xi32, #tpu.memory_space<vmem>> -> memref<128xi32, #tpu.memory_space<vmem>>
        %dma_wait3A_247 = arith.constant 0 : i32
        %dma_wait3A_248 = arith.constant 0 : i32
        %dma_wait3A_249 = tpu.memref_slice %arg17[%dma_wait3A_247, %dma_wait3A_248] : memref<10240x64xf32, #tpu.memory_space<vmem_shared>> -> memref<10240x64xf32, #tpu.memory_space<vmem_shared>>
        tpu.wait_indirect_dma semaphore(%arg24 : memref<!tpu.dma_semaphore, #tpu.memory_space<semaphore_mem>>) src(%arg14 : memref<128x64xf32, #tpu.memory_space<vmem>>) dst(%dma_wait3A_249 : memref<10240x64xf32, #tpu.memory_space<vmem_shared>>)
      } else {
      }
      %dma_wait3A_152 = arith.constant 0 : i32
      %dma_wait3A_153 = tpu.memref_slice %arg7[%add3A_146, %dma_wait3A_152] : memref<80x128xi32, #tpu.memory_space<vmem>> -> memref<1x128xi32, #tpu.memory_space<vmem>>
      %dma_wait3A_154 = tpu.memref_squeeze %dma_wait3A_153 : memref<1x128xi32, #tpu.memory_space<vmem>> -> memref<128xi32, #tpu.memory_space<vmem>>
      %dma_wait3A_155 = arith.constant 0 : i32
      %dma_wait3A_156 = arith.constant 0 : i32
      %dma_wait3A_157 = tpu.memref_slice %arg18[%dma_wait3A_155, %dma_wait3A_156] : memref<10016x64xbf16, #tpu.memory_space<vmem_shared>> -> memref<10016x64xbf16, #tpu.memory_space<vmem_shared>>
      tpu.wait_indirect_dma semaphore(%arg20 : memref<!tpu.dma_semaphore, #tpu.memory_space<semaphore_mem>>) src(%dma_wait3A_157 : memref<10016x64xbf16, #tpu.memory_space<vmem_shared>>) dst(%arg10 : memref<128x64xbf16, #tpu.memory_space<vmem>>)
      %scan3A_158 = arith.constant 0 : i32
      %scan3A_159 = arith.constant 0 : i32
      %scan3A_160 = arith.constant 128 : i32
      %scan3A_161 = arith.addi %scan3A_159, %scan3A_160 : i32
      %scan3A_162 = arith.constant 1 : i32
      scf.for %scan3A_242 = %scan3A_159 to %scan3A_161 step %scan3A_162  : i32 {
        %broadcast_in_dim3A_243 = vector.broadcast %scan3A_242 : i32 to vector<16xi32>
        %get3A = arith.index_cast %scan3A_242 : i32 to index
        %get3A_244 = arith.constant 0 : index
        %get3A_245 = tpu.vector_load %arg10[%get3A, %get3A_244] {strides = array<i32>} : memref<128x64xbf16, #tpu.memory_space<vmem>>, vector<32xbf16>,
        %bitcast3A = vector.bitcast %get3A_245 : vector<32xbf16> to vector<16xi32>
        %shift_left3A = arith.constant 16 : i32
        %shift_left3A_246 = vector.broadcast %shift_left3A : i32 to vector<16xi32>
        %shift_left3A_247 = arith.shli %bitcast3A, %shift_left3A_246 : vector<16xi32>
        %bitcast3A_248 = vector.bitcast %shift_left3A_247 : vector<16xi32> to vector<16xf32>
        %and3A_249 = arith.andi %bitcast3A, %broadcast_in_dim3A_15 : vector<16xi32>
        %bitcast3A_250 = vector.bitcast %and3A_249 : vector<16xi32> to vector<16xf32>
        %mul3A_251 = arith.constant 2 : i32
        %mul3A_252 = vector.broadcast %mul3A_251 : i32 to vector<16xi32>
        %mul3A_253 = arith.muli %mul3A_252, %iota3A : vector<16xi32>
        %add3A_254 = arith.constant 0 : i32
        %add3A_255 = vector.broadcast %add3A_254 : i32 to vector<16xi32>
        %add3A_256 = arith.addi %add3A_255, %mul3A_253 : vector<16xi32>
        tpu.vector_store_idx %arg14[%broadcast_in_dim3A_243, %add3A_256], %bitcast3A_248 : memref<128x64xf32, #tpu.memory_space<vmem>>[vector<16xi32>, vector<16xi32>], vector<16xf32>,
        %add3A_257 = arith.constant 1 : i32
        %add3A_258 = vector.broadcast %add3A_257 : i32 to vector<16xi32>
        %add3A_259 = arith.addi %add3A_256, %add3A_258 : vector<16xi32>
        tpu.vector_store_idx %arg14[%broadcast_in_dim3A_243, %add3A_259], %bitcast3A_250 : memref<128x64xf32, #tpu.memory_space<vmem>>[vector<16xi32>, vector<16xi32>], vector<16xf32>,
        %get3A_260 = arith.index_cast %scan3A_242 : i32 to index
        %get3A_261 = arith.constant 32 : index
        %get3A_262 = tpu.vector_load %arg10[%get3A_260, %get3A_261] {strides = array<i32>} : memref<128x64xbf16, #tpu.memory_space<vmem>>, vector<32xbf16>,
        %bitcast3A_263 = vector.bitcast %get3A_262 : vector<32xbf16> to vector<16xi32>
        %shift_left3A_264 = arith.constant 16 : i32
        %shift_left3A_265 = vector.broadcast %shift_left3A_264 : i32 to vector<16xi32>
        %shift_left3A_266 = arith.shli %bitcast3A_263, %shift_left3A_265 : vector<16xi32>
        %bitcast3A_267 = vector.bitcast %shift_left3A_266 : vector<16xi32> to vector<16xf32>
        %and3A_268 = arith.andi %bitcast3A_263, %broadcast_in_dim3A_15 : vector<16xi32>
        %bitcast3A_269 = vector.bitcast %and3A_268 : vector<16xi32> to vector<16xf32>
        %mul3A_270 = arith.constant 2 : i32
        %mul3A_271 = vector.broadcast %mul3A_270 : i32 to vector<16xi32>
        %mul3A_272 = arith.muli %mul3A_271, %iota3A : vector<16xi32>
        %add3A_273 = arith.constant 32 : i32
        %add3A_274 = vector.broadcast %add3A_273 : i32 to vector<16xi32>
        %add3A_275 = arith.addi %add3A_274, %mul3A_272 : vector<16xi32>
        tpu.vector_store_idx %arg14[%broadcast_in_dim3A_243, %add3A_275], %bitcast3A_267 : memref<128x64xf32, #tpu.memory_space<vmem>>[vector<16xi32>, vector<16xi32>], vector<16xf32>,
        %add3A_276 = arith.constant 1 : i32
        %add3A_277 = vector.broadcast %add3A_276 : i32 to vector<16xi32>
        %add3A_278 = arith.addi %add3A_275, %add3A_277 : vector<16xi32>
        tpu.vector_store_idx %arg14[%broadcast_in_dim3A_243, %add3A_278], %bitcast3A_269 : memref<128x64xf32, #tpu.memory_space<vmem>>[vector<16xi32>, vector<16xi32>], vector<16xf32>,
      }
      %scan3A_163 = arith.constant 128 : i32
      %add3A_164 = arith.constant 4 : i32
      %add3A_165 = arith.addi %add3A_146, %add3A_164 : i32
      %lt3A_166 = arith.cmpi slt, %add3A_165, %select_n3A_8 : i32
      %convert_element_type3A_167 = arith.extui %lt3A_166 : i1 to i32
      %cond3A_168 = arith.constant 0 : i32
      %cond3A_169 = arith.cmpi ne, %convert_element_type3A_167, %cond3A_168 : i32
      scf.if %cond3A_169 {
        %add3A_242 = arith.constant 4 : i32
        %add3A_243 = arith.addi %add3A_146, %add3A_242 : i32
        %dma_start3A_244 = arith.constant 0 : i32
        %dma_start3A_245 = tpu.memref_slice %arg7[%add3A_243, %dma_start3A_244] : memref<80x128xi32, #tpu.memory_space<vmem>> -> memref<1x128xi32, #tpu.memory_space<vmem>>
        %dma_start3A_246 = tpu.memref_squeeze %dma_start3A_245 : memref<1x128xi32, #tpu.memory_space<vmem>> -> memref<128xi32, #tpu.memory_space<vmem>>
        %dma_start3A_247 = arith.constant 0 : i32
        %dma_start3A_248 = arith.constant 0 : i32
        %dma_start3A_249 = tpu.memref_slice %arg18[%dma_start3A_247, %dma_start3A_248] : memref<10016x64xbf16, #tpu.memory_space<vmem_shared>> -> memref<10016x64xbf16, #tpu.memory_space<vmem_shared>>
        tpu.enqueue_indirect_dma source(%dma_start3A_249 : memref<10016x64xbf16, #tpu.memory_space<vmem_shared>>) target(%arg10 : memref<128x64xbf16, #tpu.memory_space<vmem>>) offsets(%dma_start3A_246 : memref<128xi32, #tpu.memory_space<vmem>>) semaphore(%arg20 : memref<!tpu.dma_semaphore, #tpu.memory_space<semaphore_mem>>)
      } else {
      }
      %dma_start3A_170 = arith.constant 0 : i32
      %dma_start3A_171 = tpu.memref_slice %arg8[%add3A_146, %dma_start3A_170] : memref<80x128xi32, #tpu.memory_space<vmem>> -> memref<1x128xi32, #tpu.memory_space<vmem>>
      %dma_start3A_172 = tpu.memref_squeeze %dma_start3A_171 : memref<1x128xi32, #tpu.memory_space<vmem>> -> memref<128xi32, #tpu.memory_space<vmem>>
      %dma_start3A_173 = arith.constant 0 : i32
      %dma_start3A_174 = arith.constant 0 : i32
      %dma_start3A_175 = tpu.memref_slice %arg17[%dma_start3A_173, %dma_start3A_174] : memref<10240x64xf32, #tpu.memory_space<vmem_shared>> -> memref<10240x64xf32, #tpu.memory_space<vmem_shared>>
      tpu.enqueue_indirect_dma source(%arg14 : memref<128x64xf32, #tpu.memory_space<vmem>>) target(%dma_start3A_175 : memref<10240x64xf32, #tpu.memory_space<vmem_shared>>) offsets(%dma_start3A_172 : memref<128xi32, #tpu.memory_space<vmem>>) semaphore(%arg24 : memref<!tpu.dma_semaphore, #tpu.memory_space<semaphore_mem>>) {add = true}
      %mul3A_176 = arith.constant 4 : i32
      %mul3A_177 = arith.muli %while3A_114, %mul3A_176 : i32
      %add3A_178 = arith.constant 2 : i32
      %add3A_179 = arith.addi %mul3A_177, %add3A_178 : i32
      %ge3A_180 = arith.constant 4 : i32
      %ge3A_181 = arith.cmpi sge, %add3A_179, %ge3A_180 : i32
      %convert_element_type3A_182 = arith.extui %ge3A_181 : i1 to i32
      %cond3A_183 = arith.constant 0 : i32
      %cond3A_184 = arith.cmpi ne, %convert_element_type3A_182, %cond3A_183 : i32
      scf.if %cond3A_184 {
        %sub3A_242 = arith.constant 4 : i32
        %sub3A_243 = arith.subi %add3A_179, %sub3A_242 : i32
        %dma_wait3A_244 = arith.constant 0 : i32
        %dma_wait3A_245 = tpu.memref_slice %arg8[%sub3A_243, %dma_wait3A_244] : memref<80x128xi32, #tpu.memory_space<vmem>> -> memref<1x128xi32, #tpu.memory_space<vmem>>
        %dma_wait3A_246 = tpu.memref_squeeze %dma_wait3A_245 : memref<1x128xi32, #tpu.memory_space<vmem>> -> memref<128xi32, #tpu.memory_space<vmem>>
        %dma_wait3A_247 = arith.constant 0 : i32
        %dma_wait3A_248 = arith.constant 0 : i32
        %dma_wait3A_249 = tpu.memref_slice %arg17[%dma_wait3A_247, %dma_wait3A_248] : memref<10240x64xf32, #tpu.memory_space<vmem_shared>> -> memref<10240x64xf32, #tpu.memory_space<vmem_shared>>
        tpu.wait_indirect_dma semaphore(%arg25 : memref<!tpu.dma_semaphore, #tpu.memory_space<semaphore_mem>>) src(%arg15 : memref<128x64xf32, #tpu.memory_space<vmem>>) dst(%dma_wait3A_249 : memref<10240x64xf32, #tpu.memory_space<vmem_shared>>)
      } else {
      }
      %dma_wait3A_185 = arith.constant 0 : i32
      %dma_wait3A_186 = tpu.memref_slice %arg7[%add3A_179, %dma_wait3A_185] : memref<80x128xi32, #tpu.memory_space<vmem>> -> memref<1x128xi32, #tpu.memory_space<vmem>>
      %dma_wait3A_187 = tpu.memref_squeeze %dma_wait3A_186 : memref<1x128xi32, #tpu.memory_space<vmem>> -> memref<128xi32, #tpu.memory_space<vmem>>
      %dma_wait3A_188 = arith.constant 0 : i32
      %dma_wait3A_189 = arith.constant 0 : i32
      %dma_wait3A_190 = tpu.memref_slice %arg18[%dma_wait3A_188, %dma_wait3A_189] : memref<10016x64xbf16, #tpu.memory_space<vmem_shared>> -> memref<10016x64xbf16, #tpu.memory_space<vmem_shared>>
      tpu.wait_indirect_dma semaphore(%arg21 : memref<!tpu.dma_semaphore, #tpu.memory_space<semaphore_mem>>) src(%dma_wait3A_190 : memref<10016x64xbf16, #tpu.memory_space<vmem_shared>>) dst(%arg11 : memref<128x64xbf16, #tpu.memory_space<vmem>>)
      %scan3A_191 = arith.constant 0 : i32
      %scan3A_192 = arith.constant 0 : i32
      %scan3A_193 = arith.constant 128 : i32
      %scan3A_194 = arith.addi %scan3A_192, %scan3A_193 : i32
      %scan3A_195 = arith.constant 1 : i32
      scf.for %scan3A_242 = %scan3A_192 to %scan3A_194 step %scan3A_195  : i32 {
        %broadcast_in_dim3A_243 = vector.broadcast %scan3A_242 : i32 to vector<16xi32>
        %get3A = arith.index_cast %scan3A_242 : i32 to index
        %get3A_244 = arith.constant 0 : index
        %get3A_245 = tpu.vector_load %arg11[%get3A, %get3A_244] {strides = array<i32>} : memref<128x64xbf16, #tpu.memory_space<vmem>>, vector<32xbf16>,
        %bitcast3A = vector.bitcast %get3A_245 : vector<32xbf16> to vector<16xi32>
        %shift_left3A = arith.constant 16 : i32
        %shift_left3A_246 = vector.broadcast %shift_left3A : i32 to vector<16xi32>
        %shift_left3A_247 = arith.shli %bitcast3A, %shift_left3A_246 : vector<16xi32>
        %bitcast3A_248 = vector.bitcast %shift_left3A_247 : vector<16xi32> to vector<16xf32>
        %and3A_249 = arith.andi %bitcast3A, %broadcast_in_dim3A_15 : vector<16xi32>
        %bitcast3A_250 = vector.bitcast %and3A_249 : vector<16xi32> to vector<16xf32>
        %mul3A_251 = arith.constant 2 : i32
        %mul3A_252 = vector.broadcast %mul3A_251 : i32 to vector<16xi32>
        %mul3A_253 = arith.muli %mul3A_252, %iota3A : vector<16xi32>
        %add3A_254 = arith.constant 0 : i32
        %add3A_255 = vector.broadcast %add3A_254 : i32 to vector<16xi32>
        %add3A_256 = arith.addi %add3A_255, %mul3A_253 : vector<16xi32>
        tpu.vector_store_idx %arg15[%broadcast_in_dim3A_243, %add3A_256], %bitcast3A_248 : memref<128x64xf32, #tpu.memory_space<vmem>>[vector<16xi32>, vector<16xi32>], vector<16xf32>,
        %add3A_257 = arith.constant 1 : i32
        %add3A_258 = vector.broadcast %add3A_257 : i32 to vector<16xi32>
        %add3A_259 = arith.addi %add3A_256, %add3A_258 : vector<16xi32>
        tpu.vector_store_idx %arg15[%broadcast_in_dim3A_243, %add3A_259], %bitcast3A_250 : memref<128x64xf32, #tpu.memory_space<vmem>>[vector<16xi32>, vector<16xi32>], vector<16xf32>,
        %get3A_260 = arith.index_cast %scan3A_242 : i32 to index
        %get3A_261 = arith.constant 32 : index
        %get3A_262 = tpu.vector_load %arg11[%get3A_260, %get3A_261] {strides = array<i32>} : memref<128x64xbf16, #tpu.memory_space<vmem>>, vector<32xbf16>,
        %bitcast3A_263 = vector.bitcast %get3A_262 : vector<32xbf16> to vector<16xi32>
        %shift_left3A_264 = arith.constant 16 : i32
        %shift_left3A_265 = vector.broadcast %shift_left3A_264 : i32 to vector<16xi32>
        %shift_left3A_266 = arith.shli %bitcast3A_263, %shift_left3A_265 : vector<16xi32>
        %bitcast3A_267 = vector.bitcast %shift_left3A_266 : vector<16xi32> to vector<16xf32>
        %and3A_268 = arith.andi %bitcast3A_263, %broadcast_in_dim3A_15 : vector<16xi32>
        %bitcast3A_269 = vector.bitcast %and3A_268 : vector<16xi32> to vector<16xf32>
        %mul3A_270 = arith.constant 2 : i32
        %mul3A_271 = vector.broadcast %mul3A_270 : i32 to vector<16xi32>
        %mul3A_272 = arith.muli %mul3A_271, %iota3A : vector<16xi32>
        %add3A_273 = arith.constant 32 : i32
        %add3A_274 = vector.broadcast %add3A_273 : i32 to vector<16xi32>
        %add3A_275 = arith.addi %add3A_274, %mul3A_272 : vector<16xi32>
        tpu.vector_store_idx %arg15[%broadcast_in_dim3A_243, %add3A_275], %bitcast3A_267 : memref<128x64xf32, #tpu.memory_space<vmem>>[vector<16xi32>, vector<16xi32>], vector<16xf32>,
        %add3A_276 = arith.constant 1 : i32
        %add3A_277 = vector.broadcast %add3A_276 : i32 to vector<16xi32>
        %add3A_278 = arith.addi %add3A_275, %add3A_277 : vector<16xi32>
        tpu.vector_store_idx %arg15[%broadcast_in_dim3A_243, %add3A_278], %bitcast3A_269 : memref<128x64xf32, #tpu.memory_space<vmem>>[vector<16xi32>, vector<16xi32>], vector<16xf32>,
      }
      %scan3A_196 = arith.constant 128 : i32
      %add3A_197 = arith.constant 4 : i32
      %add3A_198 = arith.addi %add3A_179, %add3A_197 : i32
      %lt3A_199 = arith.cmpi slt, %add3A_198, %select_n3A_8 : i32
      %convert_element_type3A_200 = arith.extui %lt3A_199 : i1 to i32
      %cond3A_201 = arith.constant 0 : i32
      %cond3A_202 = arith.cmpi ne, %convert_element_type3A_200, %cond3A_201 : i32
      scf.if %cond3A_202 {
        %add3A_242 = arith.constant 4 : i32
        %add3A_243 = arith.addi %add3A_179, %add3A_242 : i32
        %dma_start3A_244 = arith.constant 0 : i32
        %dma_start3A_245 = tpu.memref_slice %arg7[%add3A_243, %dma_start3A_244] : memref<80x128xi32, #tpu.memory_space<vmem>> -> memref<1x128xi32, #tpu.memory_space<vmem>>
        %dma_start3A_246 = tpu.memref_squeeze %dma_start3A_245 : memref<1x128xi32, #tpu.memory_space<vmem>> -> memref<128xi32, #tpu.memory_space<vmem>>
        %dma_start3A_247 = arith.constant 0 : i32
        %dma_start3A_248 = arith.constant 0 : i32
        %dma_start3A_249 = tpu.memref_slice %arg18[%dma_start3A_247, %dma_start3A_248] : memref<10016x64xbf16, #tpu.memory_space<vmem_shared>> -> memref<10016x64xbf16, #tpu.memory_space<vmem_shared>>
        tpu.enqueue_indirect_dma source(%dma_start3A_249 : memref<10016x64xbf16, #tpu.memory_space<vmem_shared>>) target(%arg11 : memref<128x64xbf16, #tpu.memory_space<vmem>>) offsets(%dma_start3A_246 : memref<128xi32, #tpu.memory_space<vmem>>) semaphore(%arg21 : memref<!tpu.dma_semaphore, #tpu.memory_space<semaphore_mem>>)
      } else {
      }
      %dma_start3A_203 = arith.constant 0 : i32
      %dma_start3A_204 = tpu.memref_slice %arg8[%add3A_179, %dma_start3A_203] : memref<80x128xi32, #tpu.memory_space<vmem>> -> memref<1x128xi32, #tpu.memory_space<vmem>>
      %dma_start3A_205 = tpu.memref_squeeze %dma_start3A_204 : memref<1x128xi32, #tpu.memory_space<vmem>> -> memref<128xi32, #tpu.memory_space<vmem>>
      %dma_start3A_206 = arith.constant 0 : i32
      %dma_start3A_207 = arith.constant 0 : i32
      %dma_start3A_208 = tpu.memref_slice %arg17[%dma_start3A_206, %dma_start3A_207] : memref<10240x64xf32, #tpu.memory_space<vmem_shared>> -> memref<10240x64xf32, #tpu.memory_space<vmem_shared>>
      tpu.enqueue_indirect_dma source(%arg15 : memref<128x64xf32, #tpu.memory_space<vmem>>) target(%dma_start3A_208 : memref<10240x64xf32, #tpu.memory_space<vmem_shared>>) offsets(%dma_start3A_205 : memref<128xi32, #tpu.memory_space<vmem>>) semaphore(%arg25 : memref<!tpu.dma_semaphore, #tpu.memory_space<semaphore_mem>>) {add = true}
      %mul3A_209 = arith.constant 4 : i32
      %mul3A_210 = arith.muli %while3A_114, %mul3A_209 : i32
      %add3A_211 = arith.constant 3 : i32
      %add3A_212 = arith.addi %mul3A_210, %add3A_211 : i32
      %ge3A_213 = arith.constant 4 : i32
      %ge3A_214 = arith.cmpi sge, %add3A_212, %ge3A_213 : i32
      %convert_element_type3A_215 = arith.extui %ge3A_214 : i1 to i32
      %cond3A_216 = arith.constant 0 : i32
      %cond3A_217 = arith.cmpi ne, %convert_element_type3A_215, %cond3A_216 : i32
      scf.if %cond3A_217 {
        %sub3A_242 = arith.constant 4 : i32
        %sub3A_243 = arith.subi %add3A_212, %sub3A_242 : i32
        %dma_wait3A_244 = arith.constant 0 : i32
        %dma_wait3A_245 = tpu.memref_slice %arg8[%sub3A_243, %dma_wait3A_244] : memref<80x128xi32, #tpu.memory_space<vmem>> -> memref<1x128xi32, #tpu.memory_space<vmem>>
        %dma_wait3A_246 = tpu.memref_squeeze %dma_wait3A_245 : memref<1x128xi32, #tpu.memory_space<vmem>> -> memref<128xi32, #tpu.memory_space<vmem>>
        %dma_wait3A_247 = arith.constant 0 : i32
        %dma_wait3A_248 = arith.constant 0 : i32
        %dma_wait3A_249 = tpu.memref_slice %arg17[%dma_wait3A_247, %dma_wait3A_248] : memref<10240x64xf32, #tpu.memory_space<vmem_shared>> -> memref<10240x64xf32, #tpu.memory_space<vmem_shared>>
        tpu.wait_indirect_dma semaphore(%arg26 : memref<!tpu.dma_semaphore, #tpu.memory_space<semaphore_mem>>) src(%arg16 : memref<128x64xf32, #tpu.memory_space<vmem>>) dst(%dma_wait3A_249 : memref<10240x64xf32, #tpu.memory_space<vmem_shared>>)
      } else {
      }
      %dma_wait3A_218 = arith.constant 0 : i32
      %dma_wait3A_219 = tpu.memref_slice %arg7[%add3A_212, %dma_wait3A_218] : memref<80x128xi32, #tpu.memory_space<vmem>> -> memref<1x128xi32, #tpu.memory_space<vmem>>
      %dma_wait3A_220 = tpu.memref_squeeze %dma_wait3A_219 : memref<1x128xi32, #tpu.memory_space<vmem>> -> memref<128xi32, #tpu.memory_space<vmem>>
      %dma_wait3A_221 = arith.constant 0 : i32
      %dma_wait3A_222 = arith.constant 0 : i32
      %dma_wait3A_223 = tpu.memref_slice %arg18[%dma_wait3A_221, %dma_wait3A_222] : memref<10016x64xbf16, #tpu.memory_space<vmem_shared>> -> memref<10016x64xbf16, #tpu.memory_space<vmem_shared>>
      tpu.wait_indirect_dma semaphore(%arg22 : memref<!tpu.dma_semaphore, #tpu.memory_space<semaphore_mem>>) src(%dma_wait3A_223 : memref<10016x64xbf16, #tpu.memory_space<vmem_shared>>) dst(%arg12 : memref<128x64xbf16, #tpu.memory_space<vmem>>)
      %scan3A_224 = arith.constant 0 : i32
      %scan3A_225 = arith.constant 0 : i32
      %scan3A_226 = arith.constant 128 : i32
      %scan3A_227 = arith.addi %scan3A_225, %scan3A_226 : i32
      %scan3A_228 = arith.constant 1 : i32
      scf.for %scan3A_242 = %scan3A_225 to %scan3A_227 step %scan3A_228  : i32 {
        %broadcast_in_dim3A_243 = vector.broadcast %scan3A_242 : i32 to vector<16xi32>
        %get3A = arith.index_cast %scan3A_242 : i32 to index
        %get3A_244 = arith.constant 0 : index
        %get3A_245 = tpu.vector_load %arg12[%get3A, %get3A_244] {strides = array<i32>} : memref<128x64xbf16, #tpu.memory_space<vmem>>, vector<32xbf16>,
        %bitcast3A = vector.bitcast %get3A_245 : vector<32xbf16> to vector<16xi32>
        %shift_left3A = arith.constant 16 : i32
        %shift_left3A_246 = vector.broadcast %shift_left3A : i32 to vector<16xi32>
        %shift_left3A_247 = arith.shli %bitcast3A, %shift_left3A_246 : vector<16xi32>
        %bitcast3A_248 = vector.bitcast %shift_left3A_247 : vector<16xi32> to vector<16xf32>
        %and3A_249 = arith.andi %bitcast3A, %broadcast_in_dim3A_15 : vector<16xi32>
        %bitcast3A_250 = vector.bitcast %and3A_249 : vector<16xi32> to vector<16xf32>
        %mul3A_251 = arith.constant 2 : i32
        %mul3A_252 = vector.broadcast %mul3A_251 : i32 to vector<16xi32>
        %mul3A_253 = arith.muli %mul3A_252, %iota3A : vector<16xi32>
        %add3A_254 = arith.constant 0 : i32
        %add3A_255 = vector.broadcast %add3A_254 : i32 to vector<16xi32>
        %add3A_256 = arith.addi %add3A_255, %mul3A_253 : vector<16xi32>
        tpu.vector_store_idx %arg16[%broadcast_in_dim3A_243, %add3A_256], %bitcast3A_248 : memref<128x64xf32, #tpu.memory_space<vmem>>[vector<16xi32>, vector<16xi32>], vector<16xf32>,
        %add3A_257 = arith.constant 1 : i32
        %add3A_258 = vector.broadcast %add3A_257 : i32 to vector<16xi32>
        %add3A_259 = arith.addi %add3A_256, %add3A_258 : vector<16xi32>
        tpu.vector_store_idx %arg16[%broadcast_in_dim3A_243, %add3A_259], %bitcast3A_250 : memref<128x64xf32, #tpu.memory_space<vmem>>[vector<16xi32>, vector<16xi32>], vector<16xf32>,
        %get3A_260 = arith.index_cast %scan3A_242 : i32 to index
        %get3A_261 = arith.constant 32 : index
        %get3A_262 = tpu.vector_load %arg12[%get3A_260, %get3A_261] {strides = array<i32>} : memref<128x64xbf16, #tpu.memory_space<vmem>>, vector<32xbf16>,
        %bitcast3A_263 = vector.bitcast %get3A_262 : vector<32xbf16> to vector<16xi32>
        %shift_left3A_264 = arith.constant 16 : i32
        %shift_left3A_265 = vector.broadcast %shift_left3A_264 : i32 to vector<16xi32>
        %shift_left3A_266 = arith.shli %bitcast3A_263, %shift_left3A_265 : vector<16xi32>
        %bitcast3A_267 = vector.bitcast %shift_left3A_266 : vector<16xi32> to vector<16xf32>
        %and3A_268 = arith.andi %bitcast3A_263, %broadcast_in_dim3A_15 : vector<16xi32>
        %bitcast3A_269 = vector.bitcast %and3A_268 : vector<16xi32> to vector<16xf32>
        %mul3A_270 = arith.constant 2 : i32
        %mul3A_271 = vector.broadcast %mul3A_270 : i32 to vector<16xi32>
        %mul3A_272 = arith.muli %mul3A_271, %iota3A : vector<16xi32>
        %add3A_273 = arith.constant 32 : i32
        %add3A_274 = vector.broadcast %add3A_273 : i32 to vector<16xi32>
        %add3A_275 = arith.addi %add3A_274, %mul3A_272 : vector<16xi32>
        tpu.vector_store_idx %arg16[%broadcast_in_dim3A_243, %add3A_275], %bitcast3A_267 : memref<128x64xf32, #tpu.memory_space<vmem>>[vector<16xi32>, vector<16xi32>], vector<16xf32>,
        %add3A_276 = arith.constant 1 : i32
        %add3A_277 = vector.broadcast %add3A_276 : i32 to vector<16xi32>
        %add3A_278 = arith.addi %add3A_275, %add3A_277 : vector<16xi32>
        tpu.vector_store_idx %arg16[%broadcast_in_dim3A_243, %add3A_278], %bitcast3A_269 : memref<128x64xf32, #tpu.memory_space<vmem>>[vector<16xi32>, vector<16xi32>], vector<16xf32>,
      }
      %scan3A_229 = arith.constant 128 : i32
      %add3A_230 = arith.constant 4 : i32
      %add3A_231 = arith.addi %add3A_212, %add3A_230 : i32
      %lt3A_232 = arith.cmpi slt, %add3A_231, %select_n3A_8 : i32
      %convert_element_type3A_233 = arith.extui %lt3A_232 : i1 to i32
      %cond3A_234 = arith.constant 0 : i32
      %cond3A_235 = arith.cmpi ne, %convert_element_type3A_233, %cond3A_234 : i32
      scf.if %cond3A_235 {
        %add3A_242 = arith.constant 4 : i32
        %add3A_243 = arith.addi %add3A_212, %add3A_242 : i32
        %dma_start3A_244 = arith.constant 0 : i32
        %dma_start3A_245 = tpu.memref_slice %arg7[%add3A_243, %dma_start3A_244] : memref<80x128xi32, #tpu.memory_space<vmem>> -> memref<1x128xi32, #tpu.memory_space<vmem>>
        %dma_start3A_246 = tpu.memref_squeeze %dma_start3A_245 : memref<1x128xi32, #tpu.memory_space<vmem>> -> memref<128xi32, #tpu.memory_space<vmem>>
        %dma_start3A_247 = arith.constant 0 : i32
        %dma_start3A_248 = arith.constant 0 : i32
        %dma_start3A_249 = tpu.memref_slice %arg18[%dma_start3A_247, %dma_start3A_248] : memref<10016x64xbf16, #tpu.memory_space<vmem_shared>> -> memref<10016x64xbf16, #tpu.memory_space<vmem_shared>>
        tpu.enqueue_indirect_dma source(%dma_start3A_249 : memref<10016x64xbf16, #tpu.memory_space<vmem_shared>>) target(%arg12 : memref<128x64xbf16, #tpu.memory_space<vmem>>) offsets(%dma_start3A_246 : memref<128xi32, #tpu.memory_space<vmem>>) semaphore(%arg22 : memref<!tpu.dma_semaphore, #tpu.memory_space<semaphore_mem>>)
      } else {
      }
      %dma_start3A_236 = arith.constant 0 : i32
      %dma_start3A_237 = tpu.memref_slice %arg8[%add3A_212, %dma_start3A_236] : memref<80x128xi32, #tpu.memory_space<vmem>> -> memref<1x128xi32, #tpu.memory_space<vmem>>
      %dma_start3A_238 = tpu.memref_squeeze %dma_start3A_237 : memref<1x128xi32, #tpu.memory_space<vmem>> -> memref<128xi32, #tpu.memory_space<vmem>>
      %dma_start3A_239 = arith.constant 0 : i32
      %dma_start3A_240 = arith.constant 0 : i32
      %dma_start3A_241 = tpu.memref_slice %arg17[%dma_start3A_239, %dma_start3A_240] : memref<10240x64xf32, #tpu.memory_space<vmem_shared>> -> memref<10240x64xf32, #tpu.memory_space<vmem_shared>>
      tpu.enqueue_indirect_dma source(%arg16 : memref<128x64xf32, #tpu.memory_space<vmem>>) target(%dma_start3A_241 : memref<10240x64xf32, #tpu.memory_space<vmem_shared>>) offsets(%dma_start3A_238 : memref<128xi32, #tpu.memory_space<vmem>>) semaphore(%arg26 : memref<!tpu.dma_semaphore, #tpu.memory_space<semaphore_mem>>) {add = true}
    }
    %sub3A_70 = arith.constant 4 : i32
    %sub3A_71 = arith.subi %select_n3A_8, %sub3A_70 : i32
    %add3A_72 = arith.constant 0 : i32
    %add3A_73 = arith.addi %sub3A_71, %add3A_72 : i32
    %dma_wait3A = arith.constant 0 : i32
    %dma_wait3A_74 = tpu.memref_slice %arg8[%add3A_73, %dma_wait3A] : memref<80x128xi32, #tpu.memory_space<vmem>> -> memref<1x128xi32, #tpu.memory_space<vmem>>
    %dma_wait3A_75 = tpu.memref_squeeze %dma_wait3A_74 : memref<1x128xi32, #tpu.memory_space<vmem>> -> memref<128xi32, #tpu.memory_space<vmem>>
    %dma_wait3A_76 = arith.constant 0 : i32
    %dma_wait3A_77 = arith.constant 0 : i32
    %dma_wait3A_78 = tpu.memref_slice %arg17[%dma_wait3A_76, %dma_wait3A_77] : memref<10240x64xf32, #tpu.memory_space<vmem_shared>> -> memref<10240x64xf32, #tpu.memory_space<vmem_shared>>
    tpu.wait_indirect_dma semaphore(%arg23 : memref<!tpu.dma_semaphore, #tpu.memory_space<semaphore_mem>>) src(%arg13 : memref<128x64xf32, #tpu.memory_space<vmem>>) dst(%dma_wait3A_78 : memref<10240x64xf32, #tpu.memory_space<vmem_shared>>)
    %sub3A_79 = arith.constant 4 : i32
    %sub3A_80 = arith.subi %select_n3A_8, %sub3A_79 : i32
    %add3A_81 = arith.constant 1 : i32
    %add3A_82 = arith.addi %sub3A_80, %add3A_81 : i32
    %dma_wait3A_83 = arith.constant 0 : i32
    %dma_wait3A_84 = tpu.memref_slice %arg8[%add3A_82, %dma_wait3A_83] : memref<80x128xi32, #tpu.memory_space<vmem>> -> memref<1x128xi32, #tpu.memory_space<vmem>>
    %dma_wait3A_85 = tpu.memref_squeeze %dma_wait3A_84 : memref<1x128xi32, #tpu.memory_space<vmem>> -> memref<128xi32, #tpu.memory_space<vmem>>
    %dma_wait3A_86 = arith.constant 0 : i32
    %dma_wait3A_87 = arith.constant 0 : i32
    %dma_wait3A_88 = tpu.memref_slice %arg17[%dma_wait3A_86, %dma_wait3A_87] : memref<10240x64xf32, #tpu.memory_space<vmem_shared>> -> memref<10240x64xf32, #tpu.memory_space<vmem_shared>>
    tpu.wait_indirect_dma semaphore(%arg24 : memref<!tpu.dma_semaphore, #tpu.memory_space<semaphore_mem>>) src(%arg14 : memref<128x64xf32, #tpu.memory_space<vmem>>) dst(%dma_wait3A_88 : memref<10240x64xf32, #tpu.memory_space<vmem_shared>>)
    %sub3A_89 = arith.constant 4 : i32
    %sub3A_90 = arith.subi %select_n3A_8, %sub3A_89 : i32
    %add3A_91 = arith.constant 2 : i32
    %add3A_92 = arith.addi %sub3A_90, %add3A_91 : i32
    %dma_wait3A_93 = arith.constant 0 : i32
    %dma_wait3A_94 = tpu.memref_slice %arg8[%add3A_92, %dma_wait3A_93] : memref<80x128xi32, #tpu.memory_space<vmem>> -> memref<1x128xi32, #tpu.memory_space<vmem>>
    %dma_wait3A_95 = tpu.memref_squeeze %dma_wait3A_94 : memref<1x128xi32, #tpu.memory_space<vmem>> -> memref<128xi32, #tpu.memory_space<vmem>>
    %dma_wait3A_96 = arith.constant 0 : i32
    %dma_wait3A_97 = arith.constant 0 : i32
    %dma_wait3A_98 = tpu.memref_slice %arg17[%dma_wait3A_96, %dma_wait3A_97] : memref<10240x64xf32, #tpu.memory_space<vmem_shared>> -> memref<10240x64xf32, #tpu.memory_space<vmem_shared>>
    tpu.wait_indirect_dma semaphore(%arg25 : memref<!tpu.dma_semaphore, #tpu.memory_space<semaphore_mem>>) src(%arg15 : memref<128x64xf32, #tpu.memory_space<vmem>>) dst(%dma_wait3A_98 : memref<10240x64xf32, #tpu.memory_space<vmem_shared>>)
    %sub3A_99 = arith.constant 4 : i32
    %sub3A_100 = arith.subi %select_n3A_8, %sub3A_99 : i32
    %add3A_101 = arith.constant 3 : i32
    %add3A_102 = arith.addi %sub3A_100, %add3A_101 : i32
    %dma_wait3A_103 = arith.constant 0 : i32
    %dma_wait3A_104 = tpu.memref_slice %arg8[%add3A_102, %dma_wait3A_103] : memref<80x128xi32, #tpu.memory_space<vmem>> -> memref<1x128xi32, #tpu.memory_space<vmem>>
    %dma_wait3A_105 = tpu.memref_squeeze %dma_wait3A_104 : memref<1x128xi32, #tpu.memory_space<vmem>> -> memref<128xi32, #tpu.memory_space<vmem>>
    %dma_wait3A_106 = arith.constant 0 : i32
    %dma_wait3A_107 = arith.constant 0 : i32
    %dma_wait3A_108 = tpu.memref_slice %arg17[%dma_wait3A_106, %dma_wait3A_107] : memref<10240x64xf32, #tpu.memory_space<vmem_shared>> -> memref<10240x64xf32, #tpu.memory_space<vmem_shared>>
    tpu.wait_indirect_dma semaphore(%arg26 : memref<!tpu.dma_semaphore, #tpu.memory_space<semaphore_mem>>) src(%arg16 : memref<128x64xf32, #tpu.memory_space<vmem>>) dst(%dma_wait3A_108 : memref<10240x64xf32, #tpu.memory_space<vmem_shared>>)
    %barrier3A_109 = arith.constant 0 : index
    tpu.barrier barrier_id(%barrier3A_109)
    %mul3A_110 = arith.constant 640 : i32
    %mul3A_111 = arith.muli %arg1, %mul3A_110 : i32
    %mul3A_112 = arith.constant 640 : i32
    %mul3A_113 = arith.muli %arg1, %mul3A_112 : i32
    "tpu.region"() ({
      %run_scoped3A = tpu.sem_alloc : memref<!tpu.dma_semaphore, #tpu.memory_space<semaphore_mem>>
      %dma_start3A_114 = arith.constant 0 : i32
      %dma_start3A_115 = tpu.memref_slice %arg6[%arg0, %mul3A_113, %dma_start3A_114] : memref<2x10240x64xf32, #tpu.memory_space<hbm>> -> memref<1x640x64xf32, #tpu.memory_space<hbm>>
      %dma_start3A_116 = tpu.memref_squeeze %dma_start3A_115 : memref<1x640x64xf32, #tpu.memory_space<hbm>> -> memref<640x64xf32, #tpu.memory_space<hbm>>
      %dma_start3A_117 = arith.constant 0 : i32
      %dma_start3A_118 = tpu.memref_slice %arg17[%mul3A_111, %dma_start3A_117] : memref<10240x64xf32, #tpu.memory_space<vmem_shared>> -> memref<640x64xf32, #tpu.memory_space<vmem_shared>>
      tpu.enqueue_dma source(%dma_start3A_118 : memref<640x64xf32, #tpu.memory_space<vmem_shared>>) target(%dma_start3A_116 : memref<640x64xf32, #tpu.memory_space<hbm>>) target_semaphore(%run_scoped3A : memref<!tpu.dma_semaphore, #tpu.memory_space<semaphore_mem>>)
      %dma_wait3A_119 = arith.constant 0 : i32
      %dma_wait3A_120 = tpu.memref_slice %arg6[%arg0, %mul3A_113, %dma_wait3A_119] : memref<2x10240x64xf32, #tpu.memory_space<hbm>> -> memref<1x640x64xf32, #tpu.memory_space<hbm>>
      %dma_wait3A_121 = tpu.memref_squeeze %dma_wait3A_120 : memref<1x640x64xf32, #tpu.memory_space<hbm>> -> memref<640x64xf32, #tpu.memory_space<hbm>>
      %dma_wait3A_122 = arith.constant 0 : i32
      %dma_wait3A_123 = tpu.memref_slice %arg17[%mul3A_111, %dma_wait3A_122] : memref<10240x64xf32, #tpu.memory_space<vmem_shared>> -> memref<640x64xf32, #tpu.memory_space<vmem_shared>>
      tpu.wait_dma2 semaphore(%run_scoped3A : memref<!tpu.dma_semaphore, #tpu.memory_space<semaphore_mem>>) src(%dma_wait3A_123 : memref<640x64xf32, #tpu.memory_space<vmem_shared>>) dst(%dma_wait3A_121 : memref<640x64xf32, #tpu.memory_space<hbm>>)
      tpu.yield
    }) : () -> ()
    return
  }
}

module attributes {stable_mosaic.version = 14 : i64} {
  func.func @body(%arg0: i32, %arg1: memref<1024x2xf32, #tpu.memory_space<vmem>>, %arg2: memref<1024x128xf32, #tpu.memory_space<vmem>>, %arg3: memref<128x64xf32, #tpu.memory_space<vmem>>, %arg4: memref<1024x1xf32, #tpu.memory_space<vmem>>, %arg5: memref<1024x64xf32, #tpu.memory_space<vmem>>, %arg6: memref<1024x64xbf16, #tpu.memory_space<vmem>>) attributes {dimension_semantics = [#tpu.dimension_semantics<parallel>], iteration_bounds = array<i64: 10>, scalar_prefetch = 0 : i64, scratch_operands = 0 : i64, tpu.core_type = #tpu.core_type<tc>, window_params = [{transform_indices = @transform_0, window_bounds = array<i64: 1024, 2>}, {transform_indices = @transform_1, window_bounds = array<i64: 1024, 128>}, {pipeline_mode = #tpu.pipeline_mode<synchronous>, transform_indices = @transform_2, window_bounds = array<i64: 128, 64>}, {transform_indices = @transform_3, window_bounds = array<i64: 1024, 1>}, {transform_indices = @transform_4, window_bounds = array<i64: 1024, 64>}, {transform_indices = @transform_5, window_bounds = array<i64: 1024, 64>}]} {
    %get3A = arith.constant 0 : index
    %get3A_0 = arith.constant 0 : index
    %get3A_1 = vector.load %arg1[%get3A, %get3A_0] : memref<1024x2xf32, #tpu.memory_space<vmem>>, vector<1024x1xf32>
    %get3A_2 = arith.constant 0 : index
    %get3A_3 = arith.constant 1 : index
    %get3A_4 = vector.load %arg1[%get3A_2, %get3A_3] : memref<1024x2xf32, #tpu.memory_space<vmem>>, vector<1024x1xf32>
    %add3A = arith.addf %get3A_1, %get3A_4 : vector<1024x1xf32>
    %add3A_5 = arith.constant 1.000000e+00 : f32
    %add3A_6 = vector.broadcast %add3A_5 : f32 to vector<1024x1xf32>
    %add3A_7 = arith.addf %add3A, %add3A_6 : vector<1024x1xf32>
    %rsqrt3A = math.rsqrt %add3A_7 : vector<1024x1xf32>
    %swap3A = arith.constant 0 : index
    %swap3A_8 = arith.constant 0 : index
    %swap3A_9 = vector.load %arg4[%swap3A, %swap3A_8] : memref<1024x1xf32, #tpu.memory_space<vmem>>, vector<1024x1xf32>
    tpu.vector_store %arg4[%swap3A, %swap3A_8], %rsqrt3A {strides = array<i32>} : memref<1024x1xf32, #tpu.memory_space<vmem>>, vector<1024x1xf32>,
    %get3A_10 = arith.constant 0 : index
    %get3A_11 = arith.constant 0 : index
    %get3A_12 = vector.load %arg2[%get3A_10, %get3A_11] : memref<1024x128xf32, #tpu.memory_space<vmem>>, vector<1024x128xf32>
    %get3A_13 = arith.constant 0 : index
    %get3A_14 = arith.constant 0 : index
    %get3A_15 = vector.load %arg3[%get3A_13, %get3A_14] : memref<128x64xf32, #tpu.memory_space<vmem>>, vector<128x64xf32>
    %dot_general3A = arith.constant dense<0.000000e+00> : vector<1024x64xf32>
    %dot_general3A_16 = tpu.matmul %get3A_12, %get3A_15, %dot_general3A {dimension_numbers = #tpu.dot_dimension_numbers<[1], [0], [0], [1], [0, 0, 1, 1], [], []>, transpose_lhs_hint = false} : vector<1024x128xf32>, vector<128x64xf32>, vector<1024x64xf32> -> vector<1024x64xf32>
    %mul3A = vector.broadcast %rsqrt3A : vector<1024x1xf32> to vector<1024x64xf32>
    %mul3A_17 = arith.mulf %dot_general3A_16, %mul3A : vector<1024x64xf32>
    %swap3A_18 = arith.constant 0 : index
    %swap3A_19 = arith.constant 0 : index
    %swap3A_20 = vector.load %arg5[%swap3A_18, %swap3A_19] : memref<1024x64xf32, #tpu.memory_space<vmem>>, vector<1024x64xf32>
    tpu.vector_store %arg5[%swap3A_18, %swap3A_19], %mul3A_17 {strides = array<i32>} : memref<1024x64xf32, #tpu.memory_space<vmem>>, vector<1024x64xf32>,
    %convert_element_type3A = arith.truncf %mul3A_17 : vector<1024x64xf32> to vector<1024x64xbf16>
    %swap3A_21 = arith.constant 0 : index
    %swap3A_22 = arith.constant 0 : index
    %swap3A_23 = vector.load %arg6[%swap3A_21, %swap3A_22] : memref<1024x64xbf16, #tpu.memory_space<vmem>>, vector<1024x64xbf16>
    tpu.vector_store %arg6[%swap3A_21, %swap3A_22], %convert_element_type3A {strides = array<i32>} : memref<1024x64xbf16, #tpu.memory_space<vmem>>, vector<1024x64xbf16>,
    return
  }
  func.func @transform_0(%arg0: i32) -> (i32, i32) {
    %c0_i32 = arith.constant 0 : i32
    %c0_i32_0 = arith.constant 0 : i32
    return %arg0, %c0_i32 : i32, i32
  }
  func.func @transform_1(%arg0: i32) -> (i32, i32) {
    %c0_i32 = arith.constant 0 : i32
    %c0_i32_0 = arith.constant 0 : i32
    return %arg0, %c0_i32 : i32, i32
  }
  func.func @transform_2(%arg0: i32) -> (i32, i32) {
    %c0_i32 = arith.constant 0 : i32
    %c0_i32_0 = arith.constant 0 : i32
    %c0_i32_1 = arith.constant 0 : i32
    return %c0_i32, %c0_i32_0 : i32, i32
  }
  func.func @transform_3(%arg0: i32) -> (i32, i32) {
    %c0_i32 = arith.constant 0 : i32
    %c0_i32_0 = arith.constant 0 : i32
    return %arg0, %c0_i32 : i32, i32
  }
  func.func @transform_4(%arg0: i32) -> (i32, i32) {
    %c0_i32 = arith.constant 0 : i32
    %c0_i32_0 = arith.constant 0 : i32
    return %arg0, %c0_i32 : i32, i32
  }
  func.func @transform_5(%arg0: i32) -> (i32, i32) {
    %c0_i32 = arith.constant 0 : i32
    %c0_i32_0 = arith.constant 0 : i32
    return %arg0, %c0_i32 : i32, i32
  }
}

module attributes {stable_mosaic.version = 14 : i64} {
  func.func @body(%arg0: i32, %arg1: memref<1024x1xf32, #tpu.memory_space<vmem>>, %arg2: memref<1024x64xf32, #tpu.memory_space<vmem>>, %arg3: memref<1024x64xf32, #tpu.memory_space<vmem>>, %arg4: memref<1024x64xf32, #tpu.memory_space<vmem>>, %arg5: memref<1x64xf32, #tpu.memory_space<vmem>>, %arg6: memref<64x64xf32, #tpu.memory_space<vmem>>, %arg7: memref<1024x64xf32, #tpu.memory_space<vmem>>, %arg8: memref<1024x64xbf16, #tpu.memory_space<vmem>>) attributes {dimension_semantics = [#tpu.dimension_semantics<parallel>], iteration_bounds = array<i64: 10>, scalar_prefetch = 0 : i64, scratch_operands = 0 : i64, tpu.core_type = #tpu.core_type<tc>, window_params = [{transform_indices = @transform_0, window_bounds = array<i64: 1024, 1>}, {transform_indices = @transform_1, window_bounds = array<i64: 1024, 64>}, {transform_indices = @transform_2, window_bounds = array<i64: 1024, 64>}, {transform_indices = @transform_3, window_bounds = array<i64: 1024, 64>}, {pipeline_mode = #tpu.pipeline_mode<synchronous>, transform_indices = @transform_4, window_bounds = array<i64: 1, 64>}, {pipeline_mode = #tpu.pipeline_mode<synchronous>, transform_indices = @transform_5, window_bounds = array<i64: 64, 64>}, {transform_indices = @transform_6, window_bounds = array<i64: 1024, 64>}, {transform_indices = @transform_7, window_bounds = array<i64: 1024, 64>}]} {
    %get3A = arith.constant 0 : index
    %get3A_0 = arith.constant 0 : index
    %get3A_1 = vector.load %arg2[%get3A, %get3A_0] : memref<1024x64xf32, #tpu.memory_space<vmem>>, vector<1024x64xf32>
    %get3A_2 = arith.constant 0 : index
    %get3A_3 = arith.constant 0 : index
    %get3A_4 = vector.load %arg3[%get3A_2, %get3A_3] : memref<1024x64xf32, #tpu.memory_space<vmem>>, vector<1024x64xf32>
    %add3A = arith.addf %get3A_1, %get3A_4 : vector<1024x64xf32>
    %get3A_5 = arith.constant 0 : index
    %get3A_6 = arith.constant 0 : index
    %get3A_7 = vector.load %arg4[%get3A_5, %get3A_6] : memref<1024x64xf32, #tpu.memory_space<vmem>>, vector<1024x64xf32>
    %add3A_8 = arith.addf %add3A, %get3A_7 : vector<1024x64xf32>
    %get3A_9 = arith.constant 0 : index
    %get3A_10 = arith.constant 0 : index
    %get3A_11 = vector.load %arg1[%get3A_9, %get3A_10] : memref<1024x1xf32, #tpu.memory_space<vmem>>, vector<1024x1xf32>
    %mul3A = vector.broadcast %get3A_11 : vector<1024x1xf32> to vector<1024x64xf32>
    %mul3A_12 = arith.mulf %add3A_8, %mul3A : vector<1024x64xf32>
    %get3A_13 = arith.constant 0 : index
    %get3A_14 = arith.constant 0 : index
    %get3A_15 = vector.load %arg5[%get3A_13, %get3A_14] : memref<1x64xf32, #tpu.memory_space<vmem>>, vector<1x64xf32>
    %add3A_16 = vector.broadcast %get3A_15 : vector<1x64xf32> to vector<1024x64xf32>
    %add3A_17 = arith.addf %mul3A_12, %add3A_16 : vector<1024x64xf32>
    %max3A = arith.constant 0.000000e+00 : f32
    %max3A_18 = vector.broadcast %max3A : f32 to vector<1024x64xf32>
    %max3A_19 = arith.maximumf %add3A_17, %max3A_18 : vector<1024x64xf32>
    %mul3A_20 = arith.constant 1024 : i32
    %mul3A_21 = arith.muli %arg0, %mul3A_20 : i32
    %iota3A = tpu.iota {dimensions = array<i32: 0>} : vector<1024x1xi32>
    %add3A_22 = vector.broadcast %mul3A_21 : i32 to vector<1024x1xi32>
    %add3A_23 = arith.addi %add3A_22, %iota3A : vector<1024x1xi32>
    %lt3A = arith.constant 10000 : i32
    %lt3A_24 = vector.broadcast %lt3A : i32 to vector<1024x1xi32>
    %lt3A_25 = arith.cmpi slt, %add3A_23, %lt3A_24 : vector<1024x1xi32>
    %jit3A = arith.constant 0.000000e+00 : f32
    %broadcast_in_dim3A = vector.shape_cast %lt3A_25 : vector<1024x1xi1> to vector<1024x1xi1>
    %broadcast_in_dim3A_26 = vector.broadcast %broadcast_in_dim3A : vector<1024x1xi1> to vector<1024x64xi1>
    %broadcast_in_dim3A_27 = vector.broadcast %jit3A : f32 to vector<1024x64xf32>
    %select_n3A = arith.select %broadcast_in_dim3A_26, %max3A_19, %broadcast_in_dim3A_27 : vector<1024x64xi1>, vector<1024x64xf32>
    %get3A_28 = arith.constant 0 : index
    %get3A_29 = arith.constant 0 : index
    %get3A_30 = vector.load %arg6[%get3A_28, %get3A_29] : memref<64x64xf32, #tpu.memory_space<vmem>>, vector<64x64xf32>
    %dot_general3A = arith.constant dense<0.000000e+00> : vector<1024x64xf32>
    %dot_general3A_31 = tpu.matmul %select_n3A, %get3A_30, %dot_general3A {dimension_numbers = #tpu.dot_dimension_numbers<[1], [0], [0], [1], [0, 0, 1, 1], [], []>, transpose_lhs_hint = false} : vector<1024x64xf32>, vector<64x64xf32>, vector<1024x64xf32> -> vector<1024x64xf32>
    %get3A_32 = arith.constant 0 : index
    %get3A_33 = arith.constant 0 : index
    %get3A_34 = vector.load %arg1[%get3A_32, %get3A_33] : memref<1024x1xf32, #tpu.memory_space<vmem>>, vector<1024x1xf32>
    %mul3A_35 = vector.broadcast %get3A_34 : vector<1024x1xf32> to vector<1024x64xf32>
    %mul3A_36 = arith.mulf %dot_general3A_31, %mul3A_35 : vector<1024x64xf32>
    %swap3A = arith.constant 0 : index
    %swap3A_37 = arith.constant 0 : index
    %swap3A_38 = vector.load %arg7[%swap3A, %swap3A_37] : memref<1024x64xf32, #tpu.memory_space<vmem>>, vector<1024x64xf32>
    tpu.vector_store %arg7[%swap3A, %swap3A_37], %mul3A_36 {strides = array<i32>} : memref<1024x64xf32, #tpu.memory_space<vmem>>, vector<1024x64xf32>,
    %convert_element_type3A = arith.truncf %mul3A_36 : vector<1024x64xf32> to vector<1024x64xbf16>
    %swap3A_39 = arith.constant 0 : index
    %swap3A_40 = arith.constant 0 : index
    %swap3A_41 = vector.load %arg8[%swap3A_39, %swap3A_40] : memref<1024x64xbf16, #tpu.memory_space<vmem>>, vector<1024x64xbf16>
    tpu.vector_store %arg8[%swap3A_39, %swap3A_40], %convert_element_type3A {strides = array<i32>} : memref<1024x64xbf16, #tpu.memory_space<vmem>>, vector<1024x64xbf16>,
    return
  }
  func.func @transform_0(%arg0: i32) -> (i32, i32) {
    %c0_i32 = arith.constant 0 : i32
    %c0_i32_0 = arith.constant 0 : i32
    return %arg0, %c0_i32 : i32, i32
  }
  func.func @transform_1(%arg0: i32) -> (i32, i32) {
    %c0_i32 = arith.constant 0 : i32
    %c0_i32_0 = arith.constant 0 : i32
    return %arg0, %c0_i32 : i32, i32
  }
  func.func @transform_2(%arg0: i32) -> (i32, i32) {
    %c0_i32 = arith.constant 0 : i32
    %c0_i32_0 = arith.constant 0 : i32
    return %arg0, %c0_i32 : i32, i32
  }
  func.func @transform_3(%arg0: i32) -> (i32, i32) {
    %c0_i32 = arith.constant 0 : i32
    %c0_i32_0 = arith.constant 0 : i32
    return %arg0, %c0_i32 : i32, i32
  }
  func.func @transform_4(%arg0: i32) -> (i32, i32) {
    %c0_i32 = arith.constant 0 : i32
    %c0_i32_0 = arith.constant 0 : i32
    %c0_i32_1 = arith.constant 0 : i32
    return %c0_i32, %c0_i32_0 : i32, i32
  }
  func.func @transform_5(%arg0: i32) -> (i32, i32) {
    %c0_i32 = arith.constant 0 : i32
    %c0_i32_0 = arith.constant 0 : i32
    %c0_i32_1 = arith.constant 0 : i32
    return %c0_i32, %c0_i32_0 : i32, i32
  }
  func.func @transform_6(%arg0: i32) -> (i32, i32) {
    %c0_i32 = arith.constant 0 : i32
    %c0_i32_0 = arith.constant 0 : i32
    return %arg0, %c0_i32 : i32, i32
  }
  func.func @transform_7(%arg0: i32) -> (i32, i32) {
    %c0_i32 = arith.constant 0 : i32
    %c0_i32_0 = arith.constant 0 : i32
    return %arg0, %c0_i32 : i32, i32
  }
}

module attributes {stable_mosaic.version = 14 : i64} {
  func.func @body(%arg0: i32, %arg1: memref<1024x1xf32, #tpu.memory_space<vmem>>, %arg2: memref<1024x64xf32, #tpu.memory_space<vmem>>, %arg3: memref<1024x64xf32, #tpu.memory_space<vmem>>, %arg4: memref<1024x64xf32, #tpu.memory_space<vmem>>, %arg5: memref<1x64xf32, #tpu.memory_space<vmem>>, %arg6: memref<1024x64xf32, #tpu.memory_space<vmem>>) attributes {dimension_semantics = [#tpu.dimension_semantics<parallel>], iteration_bounds = array<i64: 10>, scalar_prefetch = 0 : i64, scratch_operands = 0 : i64, tpu.core_type = #tpu.core_type<tc>, window_params = [{transform_indices = @transform_0, window_bounds = array<i64: 1024, 1>}, {transform_indices = @transform_1, window_bounds = array<i64: 1024, 64>}, {transform_indices = @transform_2, window_bounds = array<i64: 1024, 64>}, {transform_indices = @transform_3, window_bounds = array<i64: 1024, 64>}, {pipeline_mode = #tpu.pipeline_mode<synchronous>, transform_indices = @transform_4, window_bounds = array<i64: 1, 64>}, {transform_indices = @transform_5, window_bounds = array<i64: 1024, 64>}]} {
    %get3A = arith.constant 0 : index
    %get3A_0 = arith.constant 0 : index
    %get3A_1 = vector.load %arg2[%get3A, %get3A_0] : memref<1024x64xf32, #tpu.memory_space<vmem>>, vector<1024x64xf32>
    %get3A_2 = arith.constant 0 : index
    %get3A_3 = arith.constant 0 : index
    %get3A_4 = vector.load %arg3[%get3A_2, %get3A_3] : memref<1024x64xf32, #tpu.memory_space<vmem>>, vector<1024x64xf32>
    %add3A = arith.addf %get3A_1, %get3A_4 : vector<1024x64xf32>
    %get3A_5 = arith.constant 0 : index
    %get3A_6 = arith.constant 0 : index
    %get3A_7 = vector.load %arg4[%get3A_5, %get3A_6] : memref<1024x64xf32, #tpu.memory_space<vmem>>, vector<1024x64xf32>
    %add3A_8 = arith.addf %add3A, %get3A_7 : vector<1024x64xf32>
    %get3A_9 = arith.constant 0 : index
    %get3A_10 = arith.constant 0 : index
    %get3A_11 = vector.load %arg1[%get3A_9, %get3A_10] : memref<1024x1xf32, #tpu.memory_space<vmem>>, vector<1024x1xf32>
    %mul3A = vector.broadcast %get3A_11 : vector<1024x1xf32> to vector<1024x64xf32>
    %mul3A_12 = arith.mulf %add3A_8, %mul3A : vector<1024x64xf32>
    %get3A_13 = arith.constant 0 : index
    %get3A_14 = arith.constant 0 : index
    %get3A_15 = vector.load %arg5[%get3A_13, %get3A_14] : memref<1x64xf32, #tpu.memory_space<vmem>>, vector<1x64xf32>
    %add3A_16 = vector.broadcast %get3A_15 : vector<1x64xf32> to vector<1024x64xf32>
    %add3A_17 = arith.addf %mul3A_12, %add3A_16 : vector<1024x64xf32>
    %swap3A = arith.constant 0 : index
    %swap3A_18 = arith.constant 0 : index
    %swap3A_19 = vector.load %arg6[%swap3A, %swap3A_18] : memref<1024x64xf32, #tpu.memory_space<vmem>>, vector<1024x64xf32>
    tpu.vector_store %arg6[%swap3A, %swap3A_18], %add3A_17 {strides = array<i32>} : memref<1024x64xf32, #tpu.memory_space<vmem>>, vector<1024x64xf32>,
    return
  }
  func.func @transform_0(%arg0: i32) -> (i32, i32) {
    %c0_i32 = arith.constant 0 : i32
    %c0_i32_0 = arith.constant 0 : i32
    return %arg0, %c0_i32 : i32, i32
  }
  func.func @transform_1(%arg0: i32) -> (i32, i32) {
    %c0_i32 = arith.constant 0 : i32
    %c0_i32_0 = arith.constant 0 : i32
    return %arg0, %c0_i32 : i32, i32
  }
  func.func @transform_2(%arg0: i32) -> (i32, i32) {
    %c0_i32 = arith.constant 0 : i32
    %c0_i32_0 = arith.constant 0 : i32
    return %arg0, %c0_i32 : i32, i32
  }
  func.func @transform_3(%arg0: i32) -> (i32, i32) {
    %c0_i32 = arith.constant 0 : i32
    %c0_i32_0 = arith.constant 0 : i32
    return %arg0, %c0_i32 : i32, i32
  }
  func.func @transform_4(%arg0: i32) -> (i32, i32) {
    %c0_i32 = arith.constant 0 : i32
    %c0_i32_0 = arith.constant 0 : i32
    %c0_i32_1 = arith.constant 0 : i32
    return %c0_i32, %c0_i32_0 : i32, i32
  }
  func.func @transform_5(%arg0: i32) -> (i32, i32) {
    %c0_i32 = arith.constant 0 : i32
    %c0_i32_0 = arith.constant 0 : i32
    return %arg0, %c0_i32 : i32, i32
  }
}

</mosaic_0001>

<sc_bundles>
// kernel: kernel.11.cloned.1.call-start
scs
__scs_entry_jumppad:
0x0: {  	(pc) =	sbr.rel $0x88, $3  }
0x1: {  	(tag) =	ssettag $0x0;
	lr =	simm.s32 $0x1  }
0x2: {  	[smem:$0x3F9B] =	sst lr;
	_ =	strace $0xD0000000  }
0x3: {  	_ = 	snop  }
0x4: {  	_ = 	snop  }
0x5: {  	_ = 	snop  }
0x6: {  	_ = 	snop  }
0x7: {  	_ = 	snop  }
__scs_overlays_trampoline_lowered:
0x8: {  	[smem:$0x3FAA] =	sst s0  }
0x9: {  	[smem:$0x3FAB] =	sst s1  }
0xa: {  	[smem:$0x3FAC] =	sst s2  }
0xb: {  	[smem:$0x3FAD] =	sst s3  }
0xc: {  	[smem:$0x3FAE] =	sst s4  }
0xd: {  	[smem:$0x3FAF] =	sst s5  }
0xe: {  	[smem:$0x3FB0] =	sst s6  }
0xf: {  	[smem:$0x3FB1] =	sst s7  }
0x10: {  	[smem:$0x3FB2] =	sst s8  }
0x11: {  	[smem:$0x3FB3] =	sst s9;
	s0 =	simm.s32 @!p0 $0x0  }
0x12: {  	s1 =	sld [smem:$0x3F99];
	s0 =	simm.s32 @p0 $0x1  }
0x13: {  	[smem:$0x3FB4] =	sst s0;
	s0 =	simm.s32 @!p1 $0x0  }
0x14: {  	s2 =	sld [smem:$0x3F98];
	s0 =	simm.s32 @p1 $0x1  }
0x15: {  	[smem:$0x3FB5] =	sst s0;
	s0 =	simm.s32 @!p2 $0x0  }
0x16: {  	s3 =	sld [smem:$0x3FDB];
	s0 =	simm.s32 @p2 $0x1  }
0x17: {  	s4 =	simm.s32 $0x1BF5;
	[smem:$0x3FB7] =	sst s0  }
0x18: {  	s0 =	sld [smem:$0x3F9A];
	_ =	swait.ge [sflag:s4], $0x0  }
0x19: {  	s7 =	sld [smem:$0x3F9B]  }
0x1a: {  	s8 =	sadd.s32 $0xFFFFE003, lr  }
0x1b: {  	s9 =	sadd.s32 $0xFFFFFEF7, lr;
	s5 =	simm.s32 $0xFFFFFFFF;
	p2 =	slt.u32 s8, $0xFFFFF086  }
0x1c: {  	p1 =	slt.u32 s9, $0xF7A;
	s5 =	simm.s32 @!p2 $0x0  }
0x1d: {  	s5 =	simm.s32 @p1 $0x1;
	p0 =	seq.s32 s7, s2  }
0x1e: {  	s7 =	smul.u32 @!p0 $0xF7A, s2;
	p2 =	seq.s32 @!p0 s5, $0x0  }
0x1f: {  	s9 =	smul.u32 $0xF7A, s1;
	s8 =	simm.s32 @!p0 $0x1BF5;
	p2 =	por !p2, p0  }
0x20: {  	[sflag:s8] =	ssyncset.s32 @!p0 $0xFFFFF086;
	s6 =	sadd.s32 @!p0 s3, s7;
	s7 =	simm.s32 @!p0 $0x108  }
0x21: {  	s3 =	sadd.s32 s3, s9;
	s6 =	sadd.s32 @!p0 $0x88, s6;
	s7 =	simm.s32 @p2 $0x1082  }
0x22: {  	[simem:s7], [sflag:s8] =	dma.local @!p0 [hbm:s6], $0xF7A  }
0x23: {  	s9 =	sor.u32 $0xD0000000, s2;
	s6 =	simm.s32 $0x108;
	_ =	swait.ge @!p0 [sflag:s8], $0x0  }
0x24: {  	s3 =	sadd.s32 $0x88, s3;
	s6 =	simm.s32 @!p1 $0x1082;
	[sflag:s4] =	ssyncset.s32 $0xFFFFF086  }
0x25: {  	[simem:s6], [sflag:s4] =	dma.local [hbm:s3], $0xF7A  }
0x26: {  	[smem:$0x3F9B] =	sst s1;
	(tag) =	ssettag s2;
	_ =	strace s9  }
0x27: {  	s1 =	sld [smem:$0x3FAB]  }
0x28: {  	s2 =	sld [smem:$0x3FAC]  }
0x29: {  	s4 =	sld [smem:$0x3FAE]  }
0x2a: {  	p0 =	seq.s32 s5, $0x0;
	s5 =	sld [smem:$0x3FAF]  }
0x2b: {  	s6 =	sld [smem:$0x3FB0]  }
0x2c: {  	s7 =	sld [smem:$0x3FB1]  }
0x2d: {  	s3 =	simm.s32 $0x108;
	s8 =	sld [smem:$0x3FB2]  }
0x2e: {  	s3 =	simm.s32 @!p0 $0x1082;
	s9 =	sld [smem:$0x3FB3]  }
0x2f: {  	lr =	sadd.s32 s0, s3;
	s0 =	sld [smem:$0x3FAA]  }
0x30: {  	s3 =	sld [smem:$0x3FAD]  }
0x31: {  	[smem:$0x3FB6] =	sst s10  }
0x32: {  	s10 =	sld [smem:$0x3FB4];
	_ =	sdelay $0x3  }
0x33: {  	p0 =	seq.s32 s10, $0x1;
	s10 =	sld [smem:$0x3FB6];
	_ =	sdelay $0x3  }
0x34: {  	[smem:$0x3FB6] =	sst s10  }
0x35: {  	s10 =	sld [smem:$0x3FB5];
	_ =	sdelay $0x3  }
0x36: {  	p1 =	seq.s32 s10, $0x1;
	s10 =	sld [smem:$0x3FB6];
	_ =	sdelay $0x3  }
0x37: {  	[smem:$0x3FB6] =	sst s10  }
0x38: {  	s10 =	sld [smem:$0x3FB7]  }
0x39: {  	_ = 	snop;
	(pc) =	sbr.ind lr, $3  }
0x3a: {  	_ = 	snop  }
0x3b: {  	_ = 	snop  }
0x3c: {  	p2 =	seq.s32 s10, $0x1;
	s10 =	sld [smem:$0x3FB6]  }
0x3d: {  	_ =	shalt  }
0x3e: {  	_ =	shalt  }
0x3f: {  	_ =	shalt  }
0x40: {  	_ =	shalt  }
0x41: {  	_ =	shalt  }
0x42: {  	_ =	shalt  }
0x43: {  	_ =	shalt  }
0x44: {  	_ =	shalt  }
0x45: {  	_ =	shalt  }
0x46: {  	_ =	shalt  }
0x47: {  	_ =	shalt  }
0x48: {  	_ =	shalt  }
0x49: {  	_ =	shalt  }
0x4a: {  	_ =	shalt  }
0x4b: {  	_ =	shalt  }
0x4c: {  	_ =	shalt  }
0x4d: {  	_ =	shalt  }
0x4e: {  	_ =	shalt  }
0x4f: {  	_ =	shalt  }
0x50: {  	_ =	shalt  }
0x51: {  	_ =	shalt  }
0x52: {  	_ =	shalt  }
0x53: {  	_ =	shalt  }
0x54: {  	_ =	shalt  }
0x55: {  	_ =	shalt  }
0x56: {  	_ =	shalt  }
0x57: {  	_ =	shalt  }
0x58: {  	_ =	shalt  }
0x59: {  	_ =	shalt  }
0x5a: {  	_ =	shalt  }
0x5b: {  	_ =	shalt  }
0x5c: {  	_ =	shalt  }
0x5d: {  	_ =	shalt  }
0x5e: {  	_ =	shalt  }
0x5f: {  	_ =	shalt  }
0x60: {  	_ =	shalt  }
0x61: {  	_ =	shalt  }
0x62: {  	_ =	shalt  }
0x63: {  	_ =	shalt  }
0x64: {  	_ =	shalt  }
0x65: {  	_ =	shalt  }
0x66: {  	_ =	shalt  }
0x67: {  	_ =	shalt  }
0x68: {  	_ =	shalt  }
0x69: {  	_ =	shalt  }
0x6a: {  	_ =	shalt  }
0x6b: {  	_ =	shalt  }
0x6c: {  	_ =	shalt  }
0x6d: {  	_ =	shalt  }
0x6e: {  	_ =	shalt  }
0x6f: {  	_ =	shalt  }
0x70: {  	_ =	shalt  }
0x71: {  	_ =	shalt  }
0x72: {  	_ =	shalt  }
0x73: {  	_ =	shalt  }
0x74: {  	_ =	shalt  }
0x75: {  	_ =	shalt  }
0x76: {  	_ =	shalt  }
0x77: {  	_ =	shalt  }
0x78: {  	_ =	shalt  }
0x79: {  	_ =	shalt  }
0x7a: {  	_ =	shalt  }
0x7b: {  	_ =	shalt  }
0x7c: {  	_ =	shalt  }
0x7d: {  	_ =	shalt  }
0x7e: {  	_ =	shalt  }
0x7f: {  	_ =	shalt  }
0x80: {  	_ =	shalt  }
0x81: {  	_ =	shalt  }
0x82: {  	_ =	shalt  }
0x83: {  	_ =	shalt  }
0x84: {  	_ =	shalt  }
0x85: {  	_ =	shalt  }
0x86: {  	_ =	shalt  }
0x87: {  	_ =	shalt  }
.Lfunc_end0:
.L_simem_size_0:
called_computation.1_lowered:
.L_overlay_start_0:
0x88: {  	s2 =	sld [smem:$0x3FD9]  }
0x89: {  	s3 =	sld [smem:$0x3FFE];
	_ =	sdelay $0x1  }
0x8a: {  	s1 =	srdreg.scid  }
0x8b: {  	s0 =	sand.u32 $0x1, s1  }
0x8c: {  	s17 =	sshll.u32 s0, $0xA;
	s2 =	sadd.s32 s3, s2  }
0x8d: {  	s2 =	sadd.s32 s2, s17  }
0x8e: {  	[smem:$0x3FC2] =	sst s2  }
0x8f: {  	_ = 	snop  }
0x90: {  	s2 =	sld [smem:$0x3FD0];
	(tm) =	ssettm $0x1  }
0x91: {  	s18 =	sld [smem:$0x3FFB];
	_ =	sdelay $0x3  }
0x92: {  	_ =	strace s18  }
0x93: {  	s3 =	sld [smem:$0x3FFC];
	_ =	sdelay $0x3  }
0x94: {  	_ =	strace s3  }
0x95: {  	s3 =	sld [smem:$0x3FFD];
	_ =	sdelay $0x3  }
0x96: {  	_ =	strace s3  }
0x97: {  	_ =	strace $0x8FFFFFFF  }
0x98: {  	s19 =	sld [smem:$0x3FDB];
	_ =	sdelay $0x1  }
0x99: {  	s4 =	simm.s32 $_scs_section_size  }
0x9a: {  	s5 =	simm.s32 $_size__tile_overlayer_lowered;
	s6 =	simm.s32 $_tile_overlayer_lowered  }
0x9b: {  	s22 =	simm.s32 $0x1BFF;
	s21 =	sshll.u32 s6, $0x1;
	s3 =	sadd.s32 s4, s19  }
0x9c: {  	s7 =	simm.s32 $0x0;
	s20 =	sshll.u32 s5, $0x1;
	s5 =	sadd.s32 s21, s3  }
0x9d: {  	[timem:s7], [sflag:s22] =	dma.local [hbm:s5], s20  }
0x9e: {  	_ =	swait.ge [sflag:s22], s20  }
0x9f: {  	s4 =	ssub.s32 $0x0, s20;
	[sflag:s22] =	ssyncset.done $0x0  }
0xa0: {  	[sflag:s22] =	ssyncadd.s32 s4;
	_ =	sdelay $0x1  }
0xa1: {  	s23 =	simm.s32 $0x1B8B  }
0xa2: {  	_ =	swait.ge [sflag:s23], $0x1  }
0xa3: {  	[sflag:s23] =	ssyncset.done $0x0  }
0xa4: {  	s25 =	simm.s32 $0x1B8E;
	s24 =	sld [smem:$0x3FFE];
	[sflag:s23] =	ssyncadd.s32 $0xFFFFFFFF  }
0xa5: {  	s26 =	simm.s32 $execute0_lowered;
	[smem:$0x3FD2] =	sst s25  }
0xa6: {  	s5 =	sshll.u32 s26, $0x1;
	_ =	strace $0x80000049;
	[dreg:$0x1] =	wrdreg $0xFFFFFFFF  }
0xa7: {  	s28 =	simm.s32 $_size_execute0_lowered;
	s3 =	sadd.s32 s3, s5;
	[dreg:$0x0] =	wrdreg $0x0  }
0xa8: {  	s5 =	sshll.u32 s28, $0x1;
	[dreg:$0x2] =	wrdreg s3  }
0xa9: {  	[dreg:$0x3] =	wrdreg s5  }
0xaa: {  	[dreg:$0x4] =	wrdreg $0xC0  }
0xab: {  	_ =	task [dreg:s7], $0x5FFFF  }
0xac: {  	[dreg:$0x1] =	wrdreg $0xFFFFFFFF  }
0xad: {  	[dreg:$0x0] =	wrdreg $0x60  }
0xae: {  	[dreg:$0x2] =	wrdreg s24  }
0xaf: {  	[dreg:$0x3] =	wrdreg s2  }
0xb0: {  	[dreg:$0x4] =	wrdreg $0x110000  }
0xb1: {  	[dreg:$0x5] =	wrdreg $0x1B0000  }
0xb2: {  	[dreg:$0x6] =	wrdreg $0x9  }
0xb3: {  	_ =	task.clear_ibuf [dreg:s7], $0x7FFFF;
	_ =	strace $0x90000049  }
0xb4: {  	s29 =	simm.s32 $0x9;
	_ =	strace $0x8000004B  }
0xb5: {  	_ =	swait.ge [sflag:s29], $0x1  }
0xb6: {  	[sflag:s29] =	ssyncadd.s32 $0xFFFFFFFF  }
0xb7: {  	_ =	strace $0x9000004B  }
0xb8: {  	_ =	sfence  }
0xb9: {  	s30 =	sld [smem:$0x0];
	_ =	sdelay $0x2  }
0xba: {  	s31 =	sshll.u32 s1, $0xD;
	s1 =	sshrl.u32 s1, $0x2  }
0xbb: {  	s3 =	sand.u32 $0x4000, s31;
	s1 =	sadd.s32 s1, s30  }
0xbc: {  	s0 =	sor.u32 s3, s0;
	s1 =	sshll.u32 s1, $0x11  }
0xbd: {  	s0 =	sor.u32 s1, s0  }
0xbe: {  	s0 =	sadd.s32 $0x8F2B, s0  }
0xbf: {  	[sflag:s0] =	ssyncadd.remote.s32 $0x1  }
0xc0: {  	_ =	sfence.sel $0xFFFF  }
0xc1: {  	[dreg:$0x0] =	wrdreg $0xFFFFFFFF;
	(pc) =	sbr.abs _section_cstart, $3  }
0xc2: {  	[dreg:$0x1] =	wrdreg $0xFFFFFFFF  }
0xc3: {  	_ =	task.clear_ibuf [dreg:s7], $0x2FFFF;
	_ =	strace $0x9FFFFFFF  }
0xc4: {  	(tm) =	ssettm $0x7FFFFFFF  }
0xc5: {  	_ =	shalt  }
tec
execute0_lowered:
.L_overlay_start_1:
0x0: {  	(tag) =	ssettag $0x1  }
0x1: {  	s0 =	rddreg [dreg:$0x0]  }
0x2: {  	s1 =	rddreg [dreg:$0x1]  }
0x3: {  	s2 =	rddreg [dreg:$0x2]  }
0x4: {  	s3 =	rddreg [dreg:$0x3];
	s13 =	stileid.u32;
	s4 =	simm.s32 $0x0  }
0x5: {  	s5 =	srdreg.scid;
	s16 =	simm.s32 $0x80;
	s17 =	simm.s32 $0x5000  }
0x6: {  	s18 =	simm.s32 $0x6000;
	s28 =	simm.s32 $0xB000;
	s29 =	simm.s32 $0x7  }
0x7: {  	s30 =	simm.s32 $0x3;
	s31 =	simm.s32 $0xD000;
	s6 =	smul.u32 $0x2800, s13  }
0x8: {  	[smem:$0x7FF] =	sst s4;
	s7 =	smul.u32 $0x9C80, s13;
	s5 =	sand.u32 $0x1, s5  }
0x9: {  	s9 =	smul.u32 $0xA000, s13;
	s12 =	sadd.s32 $0x3F400, s0;
	s26 =	sshll.u32 s13, $0x6  }
0xa: {  	p0 =	seq.s32 s5, $0x0;
	s19 =	smul.u32 $0xA0000, s5;
	_ =	strace $0x8000004A  }
0xb: {  	s5 =	ssub.s32 $0x2, s5;
	[dreg:$0x5] =	wrdreg s12;
	s13 =	sor.u32 $0x1C09, s26  }
0xc: {  	s26 =	simm.s32 $0x2;
	s12 =	simm.s32 $0xF000;
	s8 =	sadd.s32 $0x28000, s6  }
0xd: {  	s10 =	sshrl.u32 s7, $0x4;
	s20 =	sshrl.u32 s5, $0x1;
	s22 =	sadd.s32 s9, s2  }
0xe: {  	s23 =	sshrl.u32 s7, $0x1;
	s8 =	smov.u32 @p0 s6;
	s10 =	sadd.s32 s10, s0  }
0xf: {  	s6 =	sadd.s32 s9, s19;
	s5 =	ssub.s32 s5, s20;
	s14 =	sshrl.u32 s22, $0x3  }
0x10: {  	s20 =	simm.s32 $0x7000;
	s22 =	simm.s32 $0x8000;
	s19 =	simm.s32 $0x5  }
0x11: {  	s8 =	sshrl.u32 s8, $0x3;
	s6 =	sshrl.u32 s6, $0x3;
	s24 =	sadd.s32 $0x35400, s10  }
0x12: {  	s25 =	smax.u32 s5, $0x1;
	s11 =	sadd.s32 s8, s0;
	s0 =	sadd.s32 s6, s0  }
0x13: {  	s1 =	sadd.s32 s1, s8;
	s6 =	sadd.s32 s23, s3;
	[dreg:$0x8] =	wrdreg s24  }
.Ltmp0:
0x14: {  	[dreg:$0xa] =	wrdreg s25;
	s23 =	simm.s32 $0x1;
	(pc) =	sbr.rel .LBB2_1-.Ltmp0, $4  }
0x15: {  	v0 =	vlaneseq.u32;
	s24 =	simm.s32 $0x9000;
	s25 =	simm.s32 $0x6;
	s21 =	sadd.s32 $0x2E00, s11  }
0x16: {  	v0 =	vmul.u32 $0x2, v0;
	[dreg:$0x7] =	wrdreg s1;
	s0 =	sadd.s32 $0x40800, s0;
	s11 =	simm.s32 $0x9  }
0x17: {  	s15 =	sshrl.u32 s6, $0x3;
	s1 =	simm.s32 $0x4;
	[dreg:$0x6] =	wrdreg s21  }
0x18: {  	v1 =	vor.u32 $0x1, v0;
	v2 =	vor.u32 $0x20, v0;
	v3 =	vor.u32 $0x21, v0;
	[dreg:$0x9] =	wrdreg s0;
	s0 =	simm.s32 $0x8;
	s21 =	simm.s32 $0x0  }
.LBB2_24:
0x19: {  	[spmem:s2] =	stream.indirect.scatter.add.f32 [tilespmem:s12], [sflag:$0x8], $0x40, s7, s16, $0xb8;
	[tilespmem:$0x1FE40] =	vst v63  }
0x1a: {  	_ =	swait.ge [sflag:s19], $0x2000  }
0x1b: {  	[sflag:s19] =	ssyncset.done $0x0  }
0x1c: {  	[sflag:s19] =	ssyncadd.s32 $0xFFFFE000  }
0x1d: {  	_ =	swait.ge [sflag:s25], $0x2000  }
0x1e: {  	[sflag:s25] =	ssyncset.done $0x0  }
0x1f: {  	[sflag:s25] =	ssyncadd.s32 $0xFFFFE000  }
0x20: {  	_ =	swait.ge [sflag:s29], $0x2000  }
0x21: {  	[sflag:s29] =	ssyncset.done $0x0  }
0x22: {  	[sflag:s29] =	ssyncadd.s32 $0xFFFFE000  }
0x23: {  	_ =	swait.ge [sflag:s0], $0x2000  }
0x24: {  	[sflag:s0] =	ssyncset.done $0x0  }
0x25: {  	[sflag:s0] =	ssyncadd.s32 $0xFFFFE000  }
0x26: {  	[bflag:$0x0] =	sbarrier.arrive $0xFFFF  }
0x27: {  	s5 =	rddreg [dreg:$0x9]  }
0x28: {  	[hbm:s5], [sflag:s13] =	dma.local [spmem:s14], $0x1400  }
0x29: {  	_ =	swait.ge [sflag:s11], $0x1400  }
0x2a: {  	s21 =	sadd.s32 $0x1, s21;
	s10 =	rddreg [dreg:$0xa]  }
0x2b: {  	p0 =	sne.s32 s21, s10  }
.Ltmp1:
0x2c: {  	_ = 	snop;
	(pc) =	sbr.rel @!p0 .LBB2_25-.Ltmp1, $3  }
0x2d: {  	_ =	sdelay $0x1  }
0x2e: {  	[sflag:s11] =	ssyncset.done $0x0  }
0x2f: {  	[sflag:s11] =	ssyncadd.s32 $0xFFFFEC00  }
.LBB2_1:
0x30: {  	s5 =	rddreg [dreg:$0x6]  }
0x31: {  	[tilespmem:s4], [sflag:$0x9] =	stream.linear.gather [hbm4b:s5+s4], $0x2800, $0x38;
	[tilespmem:$0x1FE40] =	vst v63  }
0x32: {  	_ =	swait.ge [sflag:s11], $0x2800  }
0x33: {  	[sflag:s11] =	ssyncset.done $0x0  }
0x34: {  	s6 =	simm.s32 $0x2800;
	s10 =	rddreg [dreg:$0x7];
	[sflag:s11] =	ssyncadd.s32 $0xFFFFD800  }
0x35: {  	[tilespmem:s6], [sflag:$0x9] =	stream.linear.gather [hbm4b:s10+s4], $0x2800, $0x38;
	[tilespmem:$0x1FE40] =	vst v63  }
0x36: {  	_ =	swait.ge [sflag:s11], $0x2800  }
0x37: {  	[sflag:s11] =	ssyncset.done $0x0  }
0x38: {  	s7 =	rddreg [dreg:$0x5];
	[sflag:s11] =	ssyncadd.s32 $0xFFFFD800  }
0x39: {  	[spmem:s14], [sflag:s13] =	dma.local [hbm:s7], $0x1400  }
0x3a: {  	_ =	swait.ge [sflag:s11], $0x1400  }
0x3b: {  	[sflag:s11] =	ssyncset.done $0x0  }
0x3c: {  	s8 =	rddreg [dreg:$0x8];
	[sflag:s11] =	ssyncadd.s32 $0xFFFFEC00  }
0x3d: {  	[spmem:s15], [sflag:s13] =	dma.local [hbm:s8], $0x9C8  }
0x3e: {  	_ =	swait.ge [sflag:s11], $0x9C8  }
0x3f: {  	[sflag:s11] =	ssyncset.done $0x0  }
0x40: {  	[sflag:s11] =	ssyncadd.s32 $0xFFFFF638  }
0x41: {  	[bflag:$0x0] =	sbarrier.arrive $0xFFFF  }
0x42: {  	[tilespmem:s17], [sflag:$0x1] =	stream.indirect.gather [spmem:s3], $0x20, s4, s16, $0xb8;
	[tilespmem:$0x1FE40] =	vst v63  }
0x43: {  	_ = 	snop  }
0x44: {  	[tilespmem:s18], [sflag:$0x2] =	stream.indirect.gather [spmem:s3], $0x20, s16, s16, $0xb8;
	[tilespmem:$0x1FE40] =	vst v63  }
0x45: {  	s9 =	simm.s32 $0x100  }
0x46: {  	[tilespmem:s20], [sflag:$0x3] =	stream.indirect.gather [spmem:s3], $0x20, s9, s16, $0xb8;
	[tilespmem:$0x1FE40] =	vst v63  }
0x47: {  	s5 =	simm.s32 $0x0;
	s10 =	simm.s32 $0x180  }
0x48: {  	[tilespmem:s22], [sflag:$0x4] =	stream.indirect.gather [spmem:s3], $0x20, s10, s16, $0xb8;
	[tilespmem:$0x1FE40] =	vst v63  }
.LBB2_2:
0x49: {  	p0 =	seq.s32 s5, $0x0  }
0x4a: {  	s6 =	simm.s32 @!p0 $0x5  }
0x4b: {  	_ =	swait.ge @!p0 [sflag:s6], $0x2000  }
0x4c: {  	[sflag:s6] =	ssyncset.done @!p0 $0x0  }
0x4d: {  	[sflag:s6] =	ssyncadd.s32 @!p0 $0xFFFFE000  }
0x4e: {  	_ =	swait.ge [sflag:s23], $0x1000  }
0x4f: {  	[sflag:s23] =	ssyncset.done $0x0  }
0x50: {  	s6 =	simm.s32 $0x5010;
	[sflag:s23] =	ssyncadd.s32 $0xFFFFF000  }
0x51: {  	s9 =	simm.s32 $0x0;
	v4 =	vld [tilespmem:s6+$0xFFFFFFF0]  }
0x52: {  	v5 =	vor.u32 s9, v0  }
0x53: {  	v6 =	vor.u32 s9, v1;
	_ =	sdelay $0x2  }
0x54: {  	v7 =	vshll.u32 v4, $0x10  }
0x55: {  	v4 =	vand.u32 $0xFFFF0000, v4;
	[tilespmem:v5+s24+$0x0] =	vst.idx.msk $0xffff, v7  }
0x56: {  	[tilespmem:v6+s24+$0x0] =	vst.idx.msk $0xffff, v4  }
0x57: {  	v5 =	vld [tilespmem:s6+$0x0]  }
0x58: {  	v6 =	vor.u32 s9, v2;
	_ =	sdelay $0x1  }
0x59: {  	v4 =	vor.u32 s9, v3;
	_ =	sdelay $0x1  }
0x5a: {  	v7 =	vshll.u32 v5, $0x10  }
0x5b: {  	s7 =	sshll.u32 s5, $0xB;
	s8 =	simm.s32 $0x1;
	v5 =	vand.u32 $0xFFFF0000, v5;
	[tilespmem:v6+s24+$0x0] =	vst.idx.msk $0xffff, v7  }
.LBB2_3:
0x5c: {  	p1 =	sne.s32 s8, $0x7F  }
0x5d: {  	[tilespmem:v4+s24+$0x0] =	vst.idx.msk $0xffff, v5;
	s6 =	sadd.s32 $0x20, s6;
	s9 =	smov.u32 s8;
	s8 =	sadd.s32 $0x1, s8  }
0x5e: {  	v4 =	vld [tilespmem:s6+$0xFFFFFFF0];
	s9 =	sshll.u32 s9, $0x6  }
0x5f: {  	v5 =	vor.u32 s9, v0  }
0x60: {  	v6 =	vor.u32 s9, v1;
	_ =	sdelay $0x2  }
0x61: {  	v7 =	vshll.u32 v4, $0x10  }
0x62: {  	v4 =	vand.u32 $0xFFFF0000, v4;
	[tilespmem:v5+s24+$0x0] =	vst.idx.msk $0xffff, v7  }
0x63: {  	[tilespmem:v6+s24+$0x0] =	vst.idx.msk $0xffff, v4  }
0x64: {  	v5 =	vld [tilespmem:s6+$0x0]  }
0x65: {  	v6 =	vor.u32 s9, v2  }
.Ltmp2:
0x66: {  	v4 =	vor.u32 s9, v3;
	(pc) =	sbr.rel @p1 .LBB2_3-.Ltmp2, $3  }
0x67: {  	_ =	sdelay $0x1  }
0x68: {  	v7 =	vshll.u32 v5, $0x10  }
0x69: {  	v5 =	vand.u32 $0xFFFF0000, v5;
	[tilespmem:v6+s24+$0x0] =	vst.idx.msk $0xffff, v7  }
0x6a: {  	p1 =	sne.s32 s5, $0x13  }
.Ltmp3:
0x6b: {  	_ = 	snop;
	(pc) =	sbr.rel @p1 .LBB2_6-.Ltmp3, $3  }
0x6c: {  	_ =	sdelay $0x1  }
0x6d: {  	s6 =	sshrl.u32 s7, $0x2  }
0x6e: {  	[tilespmem:v4+s24+$0x0] =	vst.idx.msk $0xffff, v5;
	s7 =	sadd.s32 $0x2800, s6  }
.Ltmp4:
0x6f: {  	(pc) =	sbr.rel .LBB2_7-.Ltmp4, $3  }
0x70: {  	_ =	sdelay $0x1  }
0x71: {  	s7 =	sadd.s32 $0x2800, s6  }
0x72: {  	[spmem:s2] =	stream.indirect.scatter.add.f32 [tilespmem:s24], [sflag:$0x5], $0x40, s7, s16, $0xb8;
	[tilespmem:$0x1FE40] =	vst v63  }
.LBB2_6:
.Ltmp5:
0x73: {  	(pc) =	sbr.rel @p0 .LBB2_8-.Ltmp5, $4  }
0x74: {  	s8 =	sadd.s32 $0x200, s6  }
0x75: {  	[tilespmem:s17], [sflag:$0x1] =	stream.indirect.gather [spmem:s3], $0x20, s8, s16, $0xb8;
	[tilespmem:$0x1FE40] =	vst v63  }
0x76: {  	_ = 	snop  }
0x77: {  	[spmem:s2] =	stream.indirect.scatter.add.f32 [tilespmem:s24], [sflag:$0x5], $0x40, s7, s16, $0xb8;
	[tilespmem:$0x1FE40] =	vst v63  }
.LBB2_7:
0x78: {  	_ =	swait.ge [sflag:s25], $0x2000  }
0x79: {  	[sflag:s25] =	ssyncset.done $0x0  }
0x7a: {  	[sflag:s25] =	ssyncadd.s32 $0xFFFFE000  }
.LBB2_8:
0x7b: {  	_ =	swait.ge [sflag:s26], $0x1000  }
0x7c: {  	[sflag:s26] =	ssyncset.done $0x0  }
0x7d: {  	s8 =	simm.s32 $0x6010;
	[sflag:s26] =	ssyncadd.s32 $0xFFFFF000  }
0x7e: {  	s10 =	simm.s32 $0x0;
	v4 =	vld [tilespmem:s8+$0xFFFFFFF0]  }
0x7f: {  	v5 =	vor.u32 s10, v0  }
0x80: {  	v6 =	vor.u32 s10, v1;
	_ =	sdelay $0x2  }
0x81: {  	v7 =	vshll.u32 v4, $0x10  }
0x82: {  	v4 =	vand.u32 $0xFFFF0000, v4;
	[tilespmem:v5+s28+$0x0] =	vst.idx.msk $0xffff, v7  }
0x83: {  	[tilespmem:v6+s28+$0x0] =	vst.idx.msk $0xffff, v4  }
0x84: {  	v5 =	vld [tilespmem:s8+$0x0]  }
0x85: {  	v6 =	vor.u32 s10, v2;
	_ =	sdelay $0x1  }
0x86: {  	v4 =	vor.u32 s10, v3;
	_ =	sdelay $0x1  }
0x87: {  	v7 =	vshll.u32 v5, $0x10  }
0x88: {  	s9 =	simm.s32 $0x1;
	v5 =	vand.u32 $0xFFFF0000, v5;
	[tilespmem:v6+s28+$0x0] =	vst.idx.msk $0xffff, v7  }
.LBB2_9:
0x89: {  	p2 =	sne.s32 s9, $0x7F  }
0x8a: {  	[tilespmem:v4+s28+$0x0] =	vst.idx.msk $0xffff, v5;
	s8 =	sadd.s32 $0x20, s8;
	s10 =	smov.u32 s9;
	s9 =	sadd.s32 $0x1, s9  }
0x8b: {  	v4 =	vld [tilespmem:s8+$0xFFFFFFF0];
	s10 =	sshll.u32 s10, $0x6  }
0x8c: {  	v5 =	vor.u32 s10, v0  }
0x8d: {  	v6 =	vor.u32 s10, v1;
	_ =	sdelay $0x2  }
0x8e: {  	v7 =	vshll.u32 v4, $0x10  }
0x8f: {  	v4 =	vand.u32 $0xFFFF0000, v4;
	[tilespmem:v5+s28+$0x0] =	vst.idx.msk $0xffff, v7  }
0x90: {  	[tilespmem:v6+s28+$0x0] =	vst.idx.msk $0xffff, v4  }
0x91: {  	v5 =	vld [tilespmem:s8+$0x0]  }
0x92: {  	v6 =	vor.u32 s10, v2  }
.Ltmp6:
0x93: {  	v4 =	vor.u32 s10, v3;
	(pc) =	sbr.rel @p2 .LBB2_9-.Ltmp6, $3  }
0x94: {  	_ =	sdelay $0x1  }
0x95: {  	v7 =	vshll.u32 v5, $0x10  }
0x96: {  	v5 =	vand.u32 $0xFFFF0000, v5;
	[tilespmem:v6+s28+$0x0] =	vst.idx.msk $0xffff, v7  }
.Ltmp7:
0x97: {  	_ = 	snop;
	(pc) =	sbr.rel @p1 .LBB2_12-.Ltmp7, $2  }
0x98: {  	_ =	sdelay $0x2  }
0x99: {  	[tilespmem:v4+s28+$0x0] =	vst.idx.msk $0xffff, v5;
	s8 =	sadd.s32 $0x80, s7  }
.Ltmp8:
0x9a: {  	(pc) =	sbr.rel .LBB2_13-.Ltmp8, $2  }
0x9b: {  	_ =	sdelay $0x2  }
0x9c: {  	[spmem:s2] =	stream.indirect.scatter.add.f32 [tilespmem:s28], [sflag:$0x6], $0x40, s8, s16, $0xb8;
	[tilespmem:$0x1FE40] =	vst v63  }
.LBB2_12:
.Ltmp9:
0x9d: {  	(pc) =	sbr.rel @p0 .LBB2_14-.Ltmp9, $4  }
0x9e: {  	s9 =	sadd.s32 $0x280, s6  }
0x9f: {  	[tilespmem:s18], [sflag:$0x2] =	stream.indirect.gather [spmem:s3], $0x20, s9, s16, $0xb8;
	[tilespmem:$0x1FE40] =	vst v63  }
0xa0: {  	_ = 	snop  }
0xa1: {  	[spmem:s2] =	stream.indirect.scatter.add.f32 [tilespmem:s28], [sflag:$0x6], $0x40, s8, s16, $0xb8;
	[tilespmem:$0x1FE40] =	vst v63  }
.LBB2_13:
0xa2: {  	_ =	swait.ge [sflag:s29], $0x2000  }
0xa3: {  	[sflag:s29] =	ssyncset.done $0x0  }
0xa4: {  	[sflag:s29] =	ssyncadd.s32 $0xFFFFE000  }
.LBB2_14:
0xa5: {  	_ =	swait.ge [sflag:s30], $0x1000  }
0xa6: {  	[sflag:s30] =	ssyncset.done $0x0  }
0xa7: {  	s8 =	simm.s32 $0x7010;
	[sflag:s30] =	ssyncadd.s32 $0xFFFFF000  }
0xa8: {  	s10 =	simm.s32 $0x0;
	v4 =	vld [tilespmem:s8+$0xFFFFFFF0]  }
0xa9: {  	v5 =	vor.u32 s10, v0  }
0xaa: {  	v6 =	vor.u32 s10, v1;
	_ =	sdelay $0x2  }
0xab: {  	v7 =	vshll.u32 v4, $0x10  }
0xac: {  	v4 =	vand.u32 $0xFFFF0000, v4;
	[tilespmem:v5+s31+$0x0] =	vst.idx.msk $0xffff, v7  }
0xad: {  	[tilespmem:v6+s31+$0x0] =	vst.idx.msk $0xffff, v4  }
0xae: {  	v5 =	vld [tilespmem:s8+$0x0]  }
0xaf: {  	v6 =	vor.u32 s10, v2;
	_ =	sdelay $0x1  }
0xb0: {  	v4 =	vor.u32 s10, v3;
	_ =	sdelay $0x1  }
0xb1: {  	v7 =	vshll.u32 v5, $0x10  }
0xb2: {  	s9 =	simm.s32 $0x1;
	v5 =	vand.u32 $0xFFFF0000, v5;
	[tilespmem:v6+s31+$0x0] =	vst.idx.msk $0xffff, v7  }
.LBB2_15:
0xb3: {  	p2 =	sne.s32 s9, $0x7F  }
0xb4: {  	[tilespmem:v4+s31+$0x0] =	vst.idx.msk $0xffff, v5;
	s8 =	sadd.s32 $0x20, s8;
	s10 =	smov.u32 s9;
	s9 =	sadd.s32 $0x1, s9  }
0xb5: {  	v4 =	vld [tilespmem:s8+$0xFFFFFFF0];
	s10 =	sshll.u32 s10, $0x6  }
0xb6: {  	v5 =	vor.u32 s10, v0  }
0xb7: {  	v6 =	vor.u32 s10, v1;
	_ =	sdelay $0x2  }
0xb8: {  	v7 =	vshll.u32 v4, $0x10  }
0xb9: {  	v4 =	vand.u32 $0xFFFF0000, v4;
	[tilespmem:v5+s31+$0x0] =	vst.idx.msk $0xffff, v7  }
0xba: {  	[tilespmem:v6+s31+$0x0] =	vst.idx.msk $0xffff, v4  }
0xbb: {  	v5 =	vld [tilespmem:s8+$0x0]  }
0xbc: {  	v6 =	vor.u32 s10, v2  }
.Ltmp10:
0xbd: {  	v4 =	vor.u32 s10, v3;
	(pc) =	sbr.rel @p2 .LBB2_15-.Ltmp10, $3  }
0xbe: {  	_ =	sdelay $0x1  }
0xbf: {  	v7 =	vshll.u32 v5, $0x10  }
0xc0: {  	v5 =	vand.u32 $0xFFFF0000, v5;
	[tilespmem:v6+s31+$0x0] =	vst.idx.msk $0xffff, v7  }
.Ltmp11:
0xc1: {  	_ = 	snop;
	(pc) =	sbr.rel @p1 .LBB2_18-.Ltmp11, $2  }
0xc2: {  	_ =	sdelay $0x2  }
0xc3: {  	[tilespmem:v4+s31+$0x0] =	vst.idx.msk $0xffff, v5;
	s8 =	sadd.s32 $0x100, s7  }
.Ltmp12:
0xc4: {  	(pc) =	sbr.rel .LBB2_19-.Ltmp12, $2  }
0xc5: {  	_ =	sdelay $0x2  }
0xc6: {  	[spmem:s2] =	stream.indirect.scatter.add.f32 [tilespmem:s31], [sflag:$0x7], $0x40, s8, s16, $0xb8;
	[tilespmem:$0x1FE40] =	vst v63  }
.LBB2_18:
.Ltmp13:
0xc7: {  	(pc) =	sbr.rel @p0 .LBB2_20-.Ltmp13, $4  }
0xc8: {  	s9 =	sadd.s32 $0x300, s6  }
0xc9: {  	[tilespmem:s20], [sflag:$0x3] =	stream.indirect.gather [spmem:s3], $0x20, s9, s16, $0xb8;
	[tilespmem:$0x1FE40] =	vst v63  }
0xca: {  	_ = 	snop  }
0xcb: {  	[spmem:s2] =	stream.indirect.scatter.add.f32 [tilespmem:s31], [sflag:$0x7], $0x40, s8, s16, $0xb8;
	[tilespmem:$0x1FE40] =	vst v63  }
.LBB2_19:
0xcc: {  	_ =	swait.ge [sflag:s0], $0x2000  }
0xcd: {  	[sflag:s0] =	ssyncset.done $0x0  }
0xce: {  	[sflag:s0] =	ssyncadd.s32 $0xFFFFE000  }
.LBB2_20:
0xcf: {  	_ =	swait.ge [sflag:s1], $0x1000  }
0xd0: {  	[sflag:s1] =	ssyncset.done $0x0  }
0xd1: {  	s8 =	simm.s32 $0x8010;
	[sflag:s1] =	ssyncadd.s32 $0xFFFFF000  }
0xd2: {  	s10 =	simm.s32 $0x0;
	v4 =	vld [tilespmem:s8+$0xFFFFFFF0]  }
0xd3: {  	v5 =	vor.u32 s10, v0  }
0xd4: {  	v6 =	vor.u32 s10, v1;
	_ =	sdelay $0x2  }
0xd5: {  	v7 =	vshll.u32 v4, $0x10  }
0xd6: {  	v4 =	vand.u32 $0xFFFF0000, v4;
	[tilespmem:v5+s12+$0x0] =	vst.idx.msk $0xffff, v7  }
0xd7: {  	[tilespmem:v6+s12+$0x0] =	vst.idx.msk $0xffff, v4  }
0xd8: {  	v5 =	vld [tilespmem:s8+$0x0]  }
0xd9: {  	v6 =	vor.u32 s10, v2;
	_ =	sdelay $0x1  }
0xda: {  	v4 =	vor.u32 s10, v3;
	_ =	sdelay $0x1  }
0xdb: {  	v7 =	vshll.u32 v5, $0x10  }
0xdc: {  	s9 =	simm.s32 $0x1;
	v5 =	vand.u32 $0xFFFF0000, v5;
	[tilespmem:v6+s12+$0x0] =	vst.idx.msk $0xffff, v7  }
.LBB2_21:
0xdd: {  	p0 =	sne.s32 s9, $0x7F  }
0xde: {  	[tilespmem:v4+s12+$0x0] =	vst.idx.msk $0xffff, v5;
	s8 =	sadd.s32 $0x20, s8;
	s10 =	smov.u32 s9;
	s9 =	sadd.s32 $0x1, s9  }
0xdf: {  	v4 =	vld [tilespmem:s8+$0xFFFFFFF0];
	s10 =	sshll.u32 s10, $0x6  }
0xe0: {  	v5 =	vor.u32 s10, v0  }
0xe1: {  	v6 =	vor.u32 s10, v1;
	_ =	sdelay $0x2  }
0xe2: {  	v7 =	vshll.u32 v4, $0x10  }
0xe3: {  	v4 =	vand.u32 $0xFFFF0000, v4;
	[tilespmem:v5+s12+$0x0] =	vst.idx.msk $0xffff, v7  }
0xe4: {  	[tilespmem:v6+s12+$0x0] =	vst.idx.msk $0xffff, v4  }
0xe5: {  	v5 =	vld [tilespmem:s8+$0x0]  }
0xe6: {  	v6 =	vor.u32 s10, v2  }
.Ltmp14:
0xe7: {  	v4 =	vor.u32 s10, v3;
	(pc) =	sbr.rel @p0 .LBB2_21-.Ltmp14, $3  }
0xe8: {  	_ =	sdelay $0x1  }
0xe9: {  	v7 =	vshll.u32 v5, $0x10  }
0xea: {  	v5 =	vand.u32 $0xFFFF0000, v5;
	[tilespmem:v6+s12+$0x0] =	vst.idx.msk $0xffff, v7  }
0xeb: {  	p0 =	seq.s32 s5, $0x13  }
.Ltmp15:
0xec: {  	_ = 	snop;
	(pc) =	sbr.rel @p0 .LBB2_24-.Ltmp15, $2  }
0xed: {  	_ =	sdelay $0x2  }
0xee: {  	[tilespmem:v4+s12+$0x0] =	vst.idx.msk $0xffff, v5;
	s7 =	sadd.s32 $0x180, s7  }
.Ltmp16:
0xef: {  	(pc) =	sbr.rel .LBB2_2-.Ltmp16, $4  }
0xf0: {  	s6 =	sadd.s32 $0x380, s6  }
0xf1: {  	[tilespmem:s22], [sflag:$0x4] =	stream.indirect.gather [spmem:s3], $0x20, s6, s16, $0xb8;
	[tilespmem:$0x1FE40] =	vst v63  }
0xf2: {  	s5 =	sadd.s32 $0x1, s5  }
0xf3: {  	[spmem:s2] =	stream.indirect.scatter.add.f32 [tilespmem:s12], [sflag:$0x8], $0x40, s7, s16, $0xb8;
	[tilespmem:$0x1FE40] =	vst v63  }
.LBB2_25:
0xf4: {  	_ =	sfence.sel $0x180000  }
0xf5: {  	[bflag:$0x0] =	sbarrier.arrive $0xFFFF  }
0xf6: {  	_ =	strace $0x9000004A  }
0xf7: {  	s0 =	stileid.u32;
	[bflag:$0x2] =	sbarrier.arrive $0xFFFF  }
0xf8: {  	p0 =	sne.s32 s0, $0x0;
	s0 =	rddreg [dreg:$0x4]  }
0xf9: {  	s0 =	sadd.s32 @!p0 $0x100000, s0  }
0xfa: {  	[sflag:s0] =	ssyncadd.tile.s32 @!p0 $0x1;
	_ =	shalt  }
.Lfunc_end2:
_tile_overlayer_lowered:
.L_overlay_start_2:
0xfb: {  	(tag) =	ssettag $0x2  }
0xfc: {  	s0 =	rddreg [dreg:$0x0];
	s2 =	stileid.u32  }
0xfd: {  	s1 =	rddreg [dreg:$0x1];
	p0 =	sne.s32 s2, $0x0  }
0xfe: {  	s3 =	rddreg [dreg:$0x2];
	[bflag:$0x3] =	sbarrier.arrive $0xFFFF;
	s2 =	simm.s32 @!p0 $0x1C09  }
0xff: {  	[timem:s3], [sflag:s2] =	dma.local @!p0 [hbm:s0], s1  }
0x100: {  	s0 =	simm.s32 @!p0 $0x9  }
0x101: {  	_ =	swait.ge @!p0 [sflag:s0], s1  }
0x102: {  	s1 =	ssub.s32 @!p0 $0x0, s1;
	[sflag:s0] =	ssyncset.done @!p0 $0x0  }
0x103: {  	[sflag:s0] =	ssyncadd.s32 @!p0 s1  }
0x104: {  	[bflag:$0x3] =	sbarrier.arrive $0xFFFF  }
0x105: {  	_ =	shalt  }

// kernel: kernel.14.cloned.1.call-start
scs
__scs_entry_jumppad:
0x0: {  	(pc) =	sbr.rel $0x88, $3  }
0x1: {  	(tag) =	ssettag $0x0;
	lr =	simm.s32 $0x1  }
0x2: {  	[smem:$0x3F9B] =	sst lr;
	_ =	strace $0xD0000000  }
0x3: {  	_ = 	snop  }
0x4: {  	_ = 	snop  }
0x5: {  	_ = 	snop  }
0x6: {  	_ = 	snop  }
0x7: {  	_ = 	snop  }
__scs_overlays_trampoline_lowered:
0x8: {  	[smem:$0x3FAA] =	sst s0  }
0x9: {  	[smem:$0x3FAB] =	sst s1  }
0xa: {  	[smem:$0x3FAC] =	sst s2  }
0xb: {  	[smem:$0x3FAD] =	sst s3  }
0xc: {  	[smem:$0x3FAE] =	sst s4  }
0xd: {  	[smem:$0x3FAF] =	sst s5  }
0xe: {  	[smem:$0x3FB0] =	sst s6  }
0xf: {  	[smem:$0x3FB1] =	sst s7  }
0x10: {  	[smem:$0x3FB2] =	sst s8  }
0x11: {  	[smem:$0x3FB3] =	sst s9;
	s0 =	simm.s32 @!p0 $0x0  }
0x12: {  	s1 =	sld [smem:$0x3F99];
	s0 =	simm.s32 @p0 $0x1  }
0x13: {  	[smem:$0x3FB4] =	sst s0;
	s0 =	simm.s32 @!p1 $0x0  }
0x14: {  	s2 =	sld [smem:$0x3F98];
	s0 =	simm.s32 @p1 $0x1  }
0x15: {  	[smem:$0x3FB5] =	sst s0;
	s0 =	simm.s32 @!p2 $0x0  }
0x16: {  	s3 =	sld [smem:$0x3FDB];
	s0 =	simm.s32 @p2 $0x1  }
0x17: {  	s4 =	simm.s32 $0x1BF5;
	[smem:$0x3FB7] =	sst s0  }
0x18: {  	s0 =	sld [smem:$0x3F9A];
	_ =	swait.ge [sflag:s4], $0x0  }
0x19: {  	s7 =	sld [smem:$0x3F9B]  }
0x1a: {  	s8 =	sadd.s32 $0xFFFFE003, lr  }
0x1b: {  	s9 =	sadd.s32 $0xFFFFFEF7, lr;
	s5 =	simm.s32 $0xFFFFFFFF;
	p2 =	slt.u32 s8, $0xFFFFF086  }
0x1c: {  	p1 =	slt.u32 s9, $0xF7A;
	s5 =	simm.s32 @!p2 $0x0  }
0x1d: {  	s5 =	simm.s32 @p1 $0x1;
	p0 =	seq.s32 s7, s2  }
0x1e: {  	s7 =	smul.u32 @!p0 $0xF7A, s2;
	p2 =	seq.s32 @!p0 s5, $0x0  }
0x1f: {  	s9 =	smul.u32 $0xF7A, s1;
	s8 =	simm.s32 @!p0 $0x1BF5;
	p2 =	por !p2, p0  }
0x20: {  	[sflag:s8] =	ssyncset.s32 @!p0 $0xFFFFF086;
	s6 =	sadd.s32 @!p0 s3, s7;
	s7 =	simm.s32 @!p0 $0x108  }
0x21: {  	s3 =	sadd.s32 s3, s9;
	s6 =	sadd.s32 @!p0 $0x88, s6;
	s7 =	simm.s32 @p2 $0x1082  }
0x22: {  	[simem:s7], [sflag:s8] =	dma.local @!p0 [hbm:s6], $0xF7A  }
0x23: {  	s9 =	sor.u32 $0xD0000000, s2;
	s6 =	simm.s32 $0x108;
	_ =	swait.ge @!p0 [sflag:s8], $0x0  }
0x24: {  	s3 =	sadd.s32 $0x88, s3;
	s6 =	simm.s32 @!p1 $0x1082;
	[sflag:s4] =	ssyncset.s32 $0xFFFFF086  }
0x25: {  	[simem:s6], [sflag:s4] =	dma.local [hbm:s3], $0xF7A  }
0x26: {  	[smem:$0x3F9B] =	sst s1;
	(tag) =	ssettag s2;
	_ =	strace s9  }
0x27: {  	s1 =	sld [smem:$0x3FAB]  }
0x28: {  	s2 =	sld [smem:$0x3FAC]  }
0x29: {  	s4 =	sld [smem:$0x3FAE]  }
0x2a: {  	p0 =	seq.s32 s5, $0x0;
	s5 =	sld [smem:$0x3FAF]  }
0x2b: {  	s6 =	sld [smem:$0x3FB0]  }
0x2c: {  	s7 =	sld [smem:$0x3FB1]  }
0x2d: {  	s3 =	simm.s32 $0x108;
	s8 =	sld [smem:$0x3FB2]  }
0x2e: {  	s3 =	simm.s32 @!p0 $0x1082;
	s9 =	sld [smem:$0x3FB3]  }
0x2f: {  	lr =	sadd.s32 s0, s3;
	s0 =	sld [smem:$0x3FAA]  }
0x30: {  	s3 =	sld [smem:$0x3FAD]  }
0x31: {  	[smem:$0x3FB6] =	sst s10  }
0x32: {  	s10 =	sld [smem:$0x3FB4];
	_ =	sdelay $0x3  }
0x33: {  	p0 =	seq.s32 s10, $0x1;
	s10 =	sld [smem:$0x3FB6];
	_ =	sdelay $0x3  }
0x34: {  	[smem:$0x3FB6] =	sst s10  }
0x35: {  	s10 =	sld [smem:$0x3FB5];
	_ =	sdelay $0x3  }
0x36: {  	p1 =	seq.s32 s10, $0x1;
	s10 =	sld [smem:$0x3FB6];
	_ =	sdelay $0x3  }
0x37: {  	[smem:$0x3FB6] =	sst s10  }
0x38: {  	s10 =	sld [smem:$0x3FB7]  }
0x39: {  	_ = 	snop;
	(pc) =	sbr.ind lr, $3  }
0x3a: {  	_ = 	snop  }
0x3b: {  	_ = 	snop  }
0x3c: {  	p2 =	seq.s32 s10, $0x1;
	s10 =	sld [smem:$0x3FB6]  }
0x3d: {  	_ =	shalt  }
0x3e: {  	_ =	shalt  }
0x3f: {  	_ =	shalt  }
0x40: {  	_ =	shalt  }
0x41: {  	_ =	shalt  }
0x42: {  	_ =	shalt  }
0x43: {  	_ =	shalt  }
0x44: {  	_ =	shalt  }
0x45: {  	_ =	shalt  }
0x46: {  	_ =	shalt  }
0x47: {  	_ =	shalt  }
0x48: {  	_ =	shalt  }
0x49: {  	_ =	shalt  }
0x4a: {  	_ =	shalt  }
0x4b: {  	_ =	shalt  }
0x4c: {  	_ =	shalt  }
0x4d: {  	_ =	shalt  }
0x4e: {  	_ =	shalt  }
0x4f: {  	_ =	shalt  }
0x50: {  	_ =	shalt  }
0x51: {  	_ =	shalt  }
0x52: {  	_ =	shalt  }
0x53: {  	_ =	shalt  }
0x54: {  	_ =	shalt  }
0x55: {  	_ =	shalt  }
0x56: {  	_ =	shalt  }
0x57: {  	_ =	shalt  }
0x58: {  	_ =	shalt  }
0x59: {  	_ =	shalt  }
0x5a: {  	_ =	shalt  }
0x5b: {  	_ =	shalt  }
0x5c: {  	_ =	shalt  }
0x5d: {  	_ =	shalt  }
0x5e: {  	_ =	shalt  }
0x5f: {  	_ =	shalt  }
0x60: {  	_ =	shalt  }
0x61: {  	_ =	shalt  }
0x62: {  	_ =	shalt  }
0x63: {  	_ =	shalt  }
0x64: {  	_ =	shalt  }
0x65: {  	_ =	shalt  }
0x66: {  	_ =	shalt  }
0x67: {  	_ =	shalt  }
0x68: {  	_ =	shalt  }
0x69: {  	_ =	shalt  }
0x6a: {  	_ =	shalt  }
0x6b: {  	_ =	shalt  }
0x6c: {  	_ =	shalt  }
0x6d: {  	_ =	shalt  }
0x6e: {  	_ =	shalt  }
0x6f: {  	_ =	shalt  }
0x70: {  	_ =	shalt  }
0x71: {  	_ =	shalt  }
0x72: {  	_ =	shalt  }
0x73: {  	_ =	shalt  }
0x74: {  	_ =	shalt  }
0x75: {  	_ =	shalt  }
0x76: {  	_ =	shalt  }
0x77: {  	_ =	shalt  }
0x78: {  	_ =	shalt  }
0x79: {  	_ =	shalt  }
0x7a: {  	_ =	shalt  }
0x7b: {  	_ =	shalt  }
0x7c: {  	_ =	shalt  }
0x7d: {  	_ =	shalt  }
0x7e: {  	_ =	shalt  }
0x7f: {  	_ =	shalt  }
0x80: {  	_ =	shalt  }
0x81: {  	_ =	shalt  }
0x82: {  	_ =	shalt  }
0x83: {  	_ =	shalt  }
0x84: {  	_ =	shalt  }
0x85: {  	_ =	shalt  }
0x86: {  	_ =	shalt  }
0x87: {  	_ =	shalt  }
.Lfunc_end0:
.L_simem_size_0:
called_computation.2_lowered:
.L_overlay_start_0:
0x88: {  	s2 =	sld [smem:$0x3FD9]  }
0x89: {  	s3 =	sld [smem:$0x3FFE];
	_ =	sdelay $0x1  }
0x8a: {  	s1 =	srdreg.scid  }
0x8b: {  	s0 =	sand.u32 $0x1, s1  }
0x8c: {  	s17 =	sshll.u32 s0, $0xA;
	s2 =	sadd.s32 s3, s2  }
0x8d: {  	s2 =	sadd.s32 s2, s17  }
0x8e: {  	[smem:$0x3FC2] =	sst s2  }
0x8f: {  	_ = 	snop  }
0x90: {  	s2 =	sld [smem:$0x3FD0];
	(tm) =	ssettm $0x1  }
0x91: {  	s18 =	sld [smem:$0x3FFB];
	_ =	sdelay $0x3  }
0x92: {  	_ =	strace s18  }
0x93: {  	s3 =	sld [smem:$0x3FFC];
	_ =	sdelay $0x3  }
0x94: {  	_ =	strace s3  }
0x95: {  	s3 =	sld [smem:$0x3FFD];
	_ =	sdelay $0x3  }
0x96: {  	_ =	strace s3  }
0x97: {  	_ =	strace $0x8FFFFFFF  }
0x98: {  	s19 =	sld [smem:$0x3FDB];
	_ =	sdelay $0x1  }
0x99: {  	s4 =	simm.s32 $_scs_section_size  }
0x9a: {  	s5 =	simm.s32 $_size__tile_overlayer_lowered;
	s6 =	simm.s32 $_tile_overlayer_lowered  }
0x9b: {  	s22 =	simm.s32 $0x1BFF;
	s21 =	sshll.u32 s6, $0x1;
	s3 =	sadd.s32 s4, s19  }
0x9c: {  	s7 =	simm.s32 $0x0;
	s20 =	sshll.u32 s5, $0x1;
	s5 =	sadd.s32 s21, s3  }
0x9d: {  	[timem:s7], [sflag:s22] =	dma.local [hbm:s5], s20  }
0x9e: {  	_ =	swait.ge [sflag:s22], s20  }
0x9f: {  	s4 =	ssub.s32 $0x0, s20;
	[sflag:s22] =	ssyncset.done $0x0  }
0xa0: {  	[sflag:s22] =	ssyncadd.s32 s4;
	_ =	sdelay $0x1  }
0xa1: {  	s23 =	simm.s32 $0x1B8B  }
0xa2: {  	_ =	swait.ge [sflag:s23], $0x1  }
0xa3: {  	[sflag:s23] =	ssyncset.done $0x0  }
0xa4: {  	s25 =	simm.s32 $0x1B8E;
	s24 =	sld [smem:$0x3FFE];
	[sflag:s23] =	ssyncadd.s32 $0xFFFFFFFF  }
0xa5: {  	s26 =	simm.s32 $execute0_lowered;
	[smem:$0x3FD2] =	sst s25  }
0xa6: {  	s5 =	sshll.u32 s26, $0x1;
	_ =	strace $0x8000004C;
	[dreg:$0x1] =	wrdreg $0xFFFFFFFF  }
0xa7: {  	s28 =	simm.s32 $_size_execute0_lowered;
	s3 =	sadd.s32 s3, s5;
	[dreg:$0x0] =	wrdreg $0x0  }
0xa8: {  	s5 =	sshll.u32 s28, $0x1;
	[dreg:$0x2] =	wrdreg s3  }
0xa9: {  	[dreg:$0x3] =	wrdreg s5  }
0xaa: {  	[dreg:$0x4] =	wrdreg $0xC0  }
0xab: {  	_ =	task [dreg:s7], $0x5FFFF  }
0xac: {  	[dreg:$0x1] =	wrdreg $0xFFFFFFFF  }
0xad: {  	[dreg:$0x0] =	wrdreg $0x60  }
0xae: {  	[dreg:$0x2] =	wrdreg s24  }
0xaf: {  	[dreg:$0x3] =	wrdreg s2  }
0xb0: {  	[dreg:$0x4] =	wrdreg $0x110000  }
0xb1: {  	[dreg:$0x5] =	wrdreg $0x1B0000  }
0xb2: {  	[dreg:$0x6] =	wrdreg $0x9  }
0xb3: {  	_ =	task.clear_ibuf [dreg:s7], $0x7FFFF;
	_ =	strace $0x9000004C  }
0xb4: {  	s29 =	simm.s32 $0x9;
	_ =	strace $0x8000004E  }
0xb5: {  	_ =	swait.ge [sflag:s29], $0x1  }
0xb6: {  	[sflag:s29] =	ssyncadd.s32 $0xFFFFFFFF  }
0xb7: {  	_ =	strace $0x9000004E  }
0xb8: {  	_ =	sfence  }
0xb9: {  	s30 =	sld [smem:$0x0];
	_ =	sdelay $0x2  }
0xba: {  	s31 =	sshll.u32 s1, $0xD;
	s1 =	sshrl.u32 s1, $0x2  }
0xbb: {  	s3 =	sand.u32 $0x4000, s31;
	s1 =	sadd.s32 s1, s30  }
0xbc: {  	s0 =	sor.u32 s3, s0;
	s1 =	sshll.u32 s1, $0x11  }
0xbd: {  	s0 =	sor.u32 s1, s0  }
0xbe: {  	s0 =	sadd.s32 $0x8F2B, s0  }
0xbf: {  	[sflag:s0] =	ssyncadd.remote.s32 $0x1  }
0xc0: {  	_ =	sfence.sel $0xFFFF  }
0xc1: {  	[dreg:$0x0] =	wrdreg $0xFFFFFFFF;
	(pc) =	sbr.abs _section_cstart, $3  }
0xc2: {  	[dreg:$0x1] =	wrdreg $0xFFFFFFFF  }
0xc3: {  	_ =	task.clear_ibuf [dreg:s7], $0x2FFFF;
	_ =	strace $0x9FFFFFFF  }
0xc4: {  	(tm) =	ssettm $0x7FFFFFFF  }
0xc5: {  	_ =	shalt  }
tec
execute0_lowered:
.L_overlay_start_1:
0x0: {  	(tag) =	ssettag $0x1  }
0x1: {  	s0 =	rddreg [dreg:$0x0]  }
0x2: {  	s1 =	rddreg [dreg:$0x1]  }
0x3: {  	s2 =	rddreg [dreg:$0x2]  }
0x4: {  	s3 =	rddreg [dreg:$0x3];
	s13 =	stileid.u32;
	s4 =	simm.s32 $0x0  }
0x5: {  	s5 =	srdreg.scid;
	s16 =	simm.s32 $0x80;
	s17 =	simm.s32 $0x5000  }
0x6: {  	s18 =	simm.s32 $0x6000;
	s28 =	simm.s32 $0xB000;
	s29 =	simm.s32 $0x7  }
0x7: {  	s30 =	simm.s32 $0x3;
	s31 =	simm.s32 $0xD000;
	s6 =	smul.u32 $0x2800, s13  }
0x8: {  	[smem:$0x7FF] =	sst s4;
	s7 =	smul.u32 $0x9C80, s13;
	s5 =	sand.u32 $0x1, s5  }
0x9: {  	s9 =	smul.u32 $0xA000, s13;
	s12 =	sadd.s32 $0x3F400, s0;
	s26 =	sshll.u32 s13, $0x6  }
0xa: {  	p0 =	seq.s32 s5, $0x0;
	s19 =	smul.u32 $0xA0000, s5;
	_ =	strace $0x8000004D  }
0xb: {  	s5 =	ssub.s32 $0x2, s5;
	[dreg:$0x5] =	wrdreg s12;
	s13 =	sor.u32 $0x1C09, s26  }
0xc: {  	s26 =	simm.s32 $0x2;
	s12 =	simm.s32 $0xF000;
	s8 =	sadd.s32 $0x28000, s6  }
0xd: {  	s10 =	sshrl.u32 s7, $0x4;
	s20 =	sshrl.u32 s5, $0x1;
	s22 =	sadd.s32 s9, s2  }
0xe: {  	s23 =	sshrl.u32 s7, $0x1;
	s8 =	smov.u32 @p0 s6;
	s10 =	sadd.s32 s10, s0  }
0xf: {  	s6 =	sadd.s32 s9, s19;
	s5 =	ssub.s32 s5, s20;
	s14 =	sshrl.u32 s22, $0x3  }
0x10: {  	s20 =	simm.s32 $0x7000;
	s22 =	simm.s32 $0x8000;
	s19 =	simm.s32 $0x5  }
0x11: {  	s8 =	sshrl.u32 s8, $0x3;
	s6 =	sshrl.u32 s6, $0x3;
	s24 =	sadd.s32 $0x35400, s10  }
0x12: {  	s25 =	smax.u32 s5, $0x1;
	s11 =	sadd.s32 s8, s0;
	s0 =	sadd.s32 s6, s0  }
0x13: {  	s1 =	sadd.s32 s1, s8;
	s6 =	sadd.s32 s23, s3;
	[dreg:$0x8] =	wrdreg s24  }
.Ltmp0:
0x14: {  	[dreg:$0xa] =	wrdreg s25;
	s23 =	simm.s32 $0x1;
	(pc) =	sbr.rel .LBB2_1-.Ltmp0, $4  }
0x15: {  	v0 =	vlaneseq.u32;
	s24 =	simm.s32 $0x9000;
	s25 =	simm.s32 $0x6;
	s21 =	sadd.s32 $0x2E00, s11  }
0x16: {  	v0 =	vmul.u32 $0x2, v0;
	[dreg:$0x7] =	wrdreg s1;
	s0 =	sadd.s32 $0x40800, s0;
	s11 =	simm.s32 $0x9  }
0x17: {  	s15 =	sshrl.u32 s6, $0x3;
	s1 =	simm.s32 $0x4;
	[dreg:$0x6] =	wrdreg s21  }
0x18: {  	v1 =	vor.u32 $0x1, v0;
	v2 =	vor.u32 $0x20, v0;
	v3 =	vor.u32 $0x21, v0;
	[dreg:$0x9] =	wrdreg s0;
	s0 =	simm.s32 $0x8;
	s21 =	simm.s32 $0x0  }
.LBB2_24:
0x19: {  	[spmem:s2] =	stream.indirect.scatter.add.f32 [tilespmem:s12], [sflag:$0x8], $0x40, s7, s16, $0xb8;
	[tilespmem:$0x1FE40] =	vst v63  }
0x1a: {  	_ =	swait.ge [sflag:s19], $0x2000  }
0x1b: {  	[sflag:s19] =	ssyncset.done $0x0  }
0x1c: {  	[sflag:s19] =	ssyncadd.s32 $0xFFFFE000  }
0x1d: {  	_ =	swait.ge [sflag:s25], $0x2000  }
0x1e: {  	[sflag:s25] =	ssyncset.done $0x0  }
0x1f: {  	[sflag:s25] =	ssyncadd.s32 $0xFFFFE000  }
0x20: {  	_ =	swait.ge [sflag:s29], $0x2000  }
0x21: {  	[sflag:s29] =	ssyncset.done $0x0  }
0x22: {  	[sflag:s29] =	ssyncadd.s32 $0xFFFFE000  }
0x23: {  	_ =	swait.ge [sflag:s0], $0x2000  }
0x24: {  	[sflag:s0] =	ssyncset.done $0x0  }
0x25: {  	[sflag:s0] =	ssyncadd.s32 $0xFFFFE000  }
0x26: {  	[bflag:$0x0] =	sbarrier.arrive $0xFFFF  }
0x27: {  	s5 =	rddreg [dreg:$0x9]  }
0x28: {  	[hbm:s5], [sflag:s13] =	dma.local [spmem:s14], $0x1400  }
0x29: {  	_ =	swait.ge [sflag:s11], $0x1400  }
0x2a: {  	s21 =	sadd.s32 $0x1, s21;
	s10 =	rddreg [dreg:$0xa]  }
0x2b: {  	p0 =	sne.s32 s21, s10  }
.Ltmp1:
0x2c: {  	_ = 	snop;
	(pc) =	sbr.rel @!p0 .LBB2_25-.Ltmp1, $3  }
0x2d: {  	_ =	sdelay $0x1  }
0x2e: {  	[sflag:s11] =	ssyncset.done $0x0  }
0x2f: {  	[sflag:s11] =	ssyncadd.s32 $0xFFFFEC00  }
.LBB2_1:
0x30: {  	s5 =	rddreg [dreg:$0x6]  }
0x31: {  	[tilespmem:s4], [sflag:$0x9] =	stream.linear.gather [hbm4b:s5+s4], $0x2800, $0x38;
	[tilespmem:$0x1FE40] =	vst v63  }
0x32: {  	_ =	swait.ge [sflag:s11], $0x2800  }
0x33: {  	[sflag:s11] =	ssyncset.done $0x0  }
0x34: {  	s6 =	simm.s32 $0x2800;
	s10 =	rddreg [dreg:$0x7];
	[sflag:s11] =	ssyncadd.s32 $0xFFFFD800  }
0x35: {  	[tilespmem:s6], [sflag:$0x9] =	stream.linear.gather [hbm4b:s10+s4], $0x2800, $0x38;
	[tilespmem:$0x1FE40] =	vst v63  }
0x36: {  	_ =	swait.ge [sflag:s11], $0x2800  }
0x37: {  	[sflag:s11] =	ssyncset.done $0x0  }
0x38: {  	s7 =	rddreg [dreg:$0x5];
	[sflag:s11] =	ssyncadd.s32 $0xFFFFD800  }
0x39: {  	[spmem:s14], [sflag:s13] =	dma.local [hbm:s7], $0x1400  }
0x3a: {  	_ =	swait.ge [sflag:s11], $0x1400  }
0x3b: {  	[sflag:s11] =	ssyncset.done $0x0  }
0x3c: {  	s8 =	rddreg [dreg:$0x8];
	[sflag:s11] =	ssyncadd.s32 $0xFFFFEC00  }
0x3d: {  	[spmem:s15], [sflag:s13] =	dma.local [hbm:s8], $0x9C8  }
0x3e: {  	_ =	swait.ge [sflag:s11], $0x9C8  }
0x3f: {  	[sflag:s11] =	ssyncset.done $0x0  }
0x40: {  	[sflag:s11] =	ssyncadd.s32 $0xFFFFF638  }
0x41: {  	[bflag:$0x0] =	sbarrier.arrive $0xFFFF  }
0x42: {  	[tilespmem:s17], [sflag:$0x1] =	stream.indirect.gather [spmem:s3], $0x20, s4, s16, $0xb8;
	[tilespmem:$0x1FE40] =	vst v63  }
0x43: {  	_ = 	snop  }
0x44: {  	[tilespmem:s18], [sflag:$0x2] =	stream.indirect.gather [spmem:s3], $0x20, s16, s16, $0xb8;
	[tilespmem:$0x1FE40] =	vst v63  }
0x45: {  	s9 =	simm.s32 $0x100  }
0x46: {  	[tilespmem:s20], [sflag:$0x3] =	stream.indirect.gather [spmem:s3], $0x20, s9, s16, $0xb8;
	[tilespmem:$0x1FE40] =	vst v63  }
0x47: {  	s5 =	simm.s32 $0x0;
	s10 =	simm.s32 $0x180  }
0x48: {  	[tilespmem:s22], [sflag:$0x4] =	stream.indirect.gather [spmem:s3], $0x20, s10, s16, $0xb8;
	[tilespmem:$0x1FE40] =	vst v63  }
.LBB2_2:
0x49: {  	p0 =	seq.s32 s5, $0x0  }
0x4a: {  	s6 =	simm.s32 @!p0 $0x5  }
0x4b: {  	_ =	swait.ge @!p0 [sflag:s6], $0x2000  }
0x4c: {  	[sflag:s6] =	ssyncset.done @!p0 $0x0  }
0x4d: {  	[sflag:s6] =	ssyncadd.s32 @!p0 $0xFFFFE000  }
0x4e: {  	_ =	swait.ge [sflag:s23], $0x1000  }
0x4f: {  	[sflag:s23] =	ssyncset.done $0x0  }
0x50: {  	s6 =	simm.s32 $0x5010;
	[sflag:s23] =	ssyncadd.s32 $0xFFFFF000  }
0x51: {  	s9 =	simm.s32 $0x0;
	v4 =	vld [tilespmem:s6+$0xFFFFFFF0]  }
0x52: {  	v5 =	vor.u32 s9, v0  }
0x53: {  	v6 =	vor.u32 s9, v1;
	_ =	sdelay $0x2  }
0x54: {  	v7 =	vshll.u32 v4, $0x10  }
0x55: {  	v4 =	vand.u32 $0xFFFF0000, v4;
	[tilespmem:v5+s24+$0x0] =	vst.idx.msk $0xffff, v7  }
0x56: {  	[tilespmem:v6+s24+$0x0] =	vst.idx.msk $0xffff, v4  }
0x57: {  	v5 =	vld [tilespmem:s6+$0x0]  }
0x58: {  	v6 =	vor.u32 s9, v2;
	_ =	sdelay $0x1  }
0x59: {  	v4 =	vor.u32 s9, v3;
	_ =	sdelay $0x1  }
0x5a: {  	v7 =	vshll.u32 v5, $0x10  }
0x5b: {  	s7 =	sshll.u32 s5, $0xB;
	s8 =	simm.s32 $0x1;
	v5 =	vand.u32 $0xFFFF0000, v5;
	[tilespmem:v6+s24+$0x0] =	vst.idx.msk $0xffff, v7  }
.LBB2_3:
0x5c: {  	p1 =	sne.s32 s8, $0x7F  }
0x5d: {  	[tilespmem:v4+s24+$0x0] =	vst.idx.msk $0xffff, v5;
	s6 =	sadd.s32 $0x20, s6;
	s9 =	smov.u32 s8;
	s8 =	sadd.s32 $0x1, s8  }
0x5e: {  	v4 =	vld [tilespmem:s6+$0xFFFFFFF0];
	s9 =	sshll.u32 s9, $0x6  }
0x5f: {  	v5 =	vor.u32 s9, v0  }
0x60: {  	v6 =	vor.u32 s9, v1;
	_ =	sdelay $0x2  }
0x61: {  	v7 =	vshll.u32 v4, $0x10  }
0x62: {  	v4 =	vand.u32 $0xFFFF0000, v4;
	[tilespmem:v5+s24+$0x0] =	vst.idx.msk $0xffff, v7  }
0x63: {  	[tilespmem:v6+s24+$0x0] =	vst.idx.msk $0xffff, v4  }
0x64: {  	v5 =	vld [tilespmem:s6+$0x0]  }
0x65: {  	v6 =	vor.u32 s9, v2  }
.Ltmp2:
0x66: {  	v4 =	vor.u32 s9, v3;
	(pc) =	sbr.rel @p1 .LBB2_3-.Ltmp2, $3  }
0x67: {  	_ =	sdelay $0x1  }
0x68: {  	v7 =	vshll.u32 v5, $0x10  }
0x69: {  	v5 =	vand.u32 $0xFFFF0000, v5;
	[tilespmem:v6+s24+$0x0] =	vst.idx.msk $0xffff, v7  }
0x6a: {  	p1 =	sne.s32 s5, $0x13  }
.Ltmp3:
0x6b: {  	_ = 	snop;
	(pc) =	sbr.rel @p1 .LBB2_6-.Ltmp3, $3  }
0x6c: {  	_ =	sdelay $0x1  }
0x6d: {  	s6 =	sshrl.u32 s7, $0x2  }
0x6e: {  	[tilespmem:v4+s24+$0x0] =	vst.idx.msk $0xffff, v5;
	s7 =	sadd.s32 $0x2800, s6  }
.Ltmp4:
0x6f: {  	(pc) =	sbr.rel .LBB2_7-.Ltmp4, $3  }
0x70: {  	_ =	sdelay $0x1  }
0x71: {  	s7 =	sadd.s32 $0x2800, s6  }
0x72: {  	[spmem:s2] =	stream.indirect.scatter.add.f32 [tilespmem:s24], [sflag:$0x5], $0x40, s7, s16, $0xb8;
	[tilespmem:$0x1FE40] =	vst v63  }
.LBB2_6:
.Ltmp5:
0x73: {  	(pc) =	sbr.rel @p0 .LBB2_8-.Ltmp5, $4  }
0x74: {  	s8 =	sadd.s32 $0x200, s6  }
0x75: {  	[tilespmem:s17], [sflag:$0x1] =	stream.indirect.gather [spmem:s3], $0x20, s8, s16, $0xb8;
	[tilespmem:$0x1FE40] =	vst v63  }
0x76: {  	_ = 	snop  }
0x77: {  	[spmem:s2] =	stream.indirect.scatter.add.f32 [tilespmem:s24], [sflag:$0x5], $0x40, s7, s16, $0xb8;
	[tilespmem:$0x1FE40] =	vst v63  }
.LBB2_7:
0x78: {  	_ =	swait.ge [sflag:s25], $0x2000  }
0x79: {  	[sflag:s25] =	ssyncset.done $0x0  }
0x7a: {  	[sflag:s25] =	ssyncadd.s32 $0xFFFFE000  }
.LBB2_8:
0x7b: {  	_ =	swait.ge [sflag:s26], $0x1000  }
0x7c: {  	[sflag:s26] =	ssyncset.done $0x0  }
0x7d: {  	s8 =	simm.s32 $0x6010;
	[sflag:s26] =	ssyncadd.s32 $0xFFFFF000  }
0x7e: {  	s10 =	simm.s32 $0x0;
	v4 =	vld [tilespmem:s8+$0xFFFFFFF0]  }
0x7f: {  	v5 =	vor.u32 s10, v0  }
0x80: {  	v6 =	vor.u32 s10, v1;
	_ =	sdelay $0x2  }
0x81: {  	v7 =	vshll.u32 v4, $0x10  }
0x82: {  	v4 =	vand.u32 $0xFFFF0000, v4;
	[tilespmem:v5+s28+$0x0] =	vst.idx.msk $0xffff, v7  }
0x83: {  	[tilespmem:v6+s28+$0x0] =	vst.idx.msk $0xffff, v4  }
0x84: {  	v5 =	vld [tilespmem:s8+$0x0]  }
0x85: {  	v6 =	vor.u32 s10, v2;
	_ =	sdelay $0x1  }
0x86: {  	v4 =	vor.u32 s10, v3;
	_ =	sdelay $0x1  }
0x87: {  	v7 =	vshll.u32 v5, $0x10  }
0x88: {  	s9 =	simm.s32 $0x1;
	v5 =	vand.u32 $0xFFFF0000, v5;
	[tilespmem:v6+s28+$0x0] =	vst.idx.msk $0xffff, v7  }
.LBB2_9:
0x89: {  	p2 =	sne.s32 s9, $0x7F  }
0x8a: {  	[tilespmem:v4+s28+$0x0] =	vst.idx.msk $0xffff, v5;
	s8 =	sadd.s32 $0x20, s8;
	s10 =	smov.u32 s9;
	s9 =	sadd.s32 $0x1, s9  }
0x8b: {  	v4 =	vld [tilespmem:s8+$0xFFFFFFF0];
	s10 =	sshll.u32 s10, $0x6  }
0x8c: {  	v5 =	vor.u32 s10, v0  }
0x8d: {  	v6 =	vor.u32 s10, v1;
	_ =	sdelay $0x2  }
0x8e: {  	v7 =	vshll.u32 v4, $0x10  }
0x8f: {  	v4 =	vand.u32 $0xFFFF0000, v4;
	[tilespmem:v5+s28+$0x0] =	vst.idx.msk $0xffff, v7  }
0x90: {  	[tilespmem:v6+s28+$0x0] =	vst.idx.msk $0xffff, v4  }
0x91: {  	v5 =	vld [tilespmem:s8+$0x0]  }
0x92: {  	v6 =	vor.u32 s10, v2  }
.Ltmp6:
0x93: {  	v4 =	vor.u32 s10, v3;
	(pc) =	sbr.rel @p2 .LBB2_9-.Ltmp6, $3  }
0x94: {  	_ =	sdelay $0x1  }
0x95: {  	v7 =	vshll.u32 v5, $0x10  }
0x96: {  	v5 =	vand.u32 $0xFFFF0000, v5;
	[tilespmem:v6+s28+$0x0] =	vst.idx.msk $0xffff, v7  }
.Ltmp7:
0x97: {  	_ = 	snop;
	(pc) =	sbr.rel @p1 .LBB2_12-.Ltmp7, $2  }
0x98: {  	_ =	sdelay $0x2  }
0x99: {  	[tilespmem:v4+s28+$0x0] =	vst.idx.msk $0xffff, v5;
	s8 =	sadd.s32 $0x80, s7  }
.Ltmp8:
0x9a: {  	(pc) =	sbr.rel .LBB2_13-.Ltmp8, $2  }
0x9b: {  	_ =	sdelay $0x2  }
0x9c: {  	[spmem:s2] =	stream.indirect.scatter.add.f32 [tilespmem:s28], [sflag:$0x6], $0x40, s8, s16, $0xb8;
	[tilespmem:$0x1FE40] =	vst v63  }
.LBB2_12:
.Ltmp9:
0x9d: {  	(pc) =	sbr.rel @p0 .LBB2_14-.Ltmp9, $4  }
0x9e: {  	s9 =	sadd.s32 $0x280, s6  }
0x9f: {  	[tilespmem:s18], [sflag:$0x2] =	stream.indirect.gather [spmem:s3], $0x20, s9, s16, $0xb8;
	[tilespmem:$0x1FE40] =	vst v63  }
0xa0: {  	_ = 	snop  }
0xa1: {  	[spmem:s2] =	stream.indirect.scatter.add.f32 [tilespmem:s28], [sflag:$0x6], $0x40, s8, s16, $0xb8;
	[tilespmem:$0x1FE40] =	vst v63  }
.LBB2_13:
0xa2: {  	_ =	swait.ge [sflag:s29], $0x2000  }
0xa3: {  	[sflag:s29] =	ssyncset.done $0x0  }
0xa4: {  	[sflag:s29] =	ssyncadd.s32 $0xFFFFE000  }
.LBB2_14:
0xa5: {  	_ =	swait.ge [sflag:s30], $0x1000  }
0xa6: {  	[sflag:s30] =	ssyncset.done $0x0  }
0xa7: {  	s8 =	simm.s32 $0x7010;
	[sflag:s30] =	ssyncadd.s32 $0xFFFFF000  }
0xa8: {  	s10 =	simm.s32 $0x0;
	v4 =	vld [tilespmem:s8+$0xFFFFFFF0]  }
0xa9: {  	v5 =	vor.u32 s10, v0  }
0xaa: {  	v6 =	vor.u32 s10, v1;
	_ =	sdelay $0x2  }
0xab: {  	v7 =	vshll.u32 v4, $0x10  }
0xac: {  	v4 =	vand.u32 $0xFFFF0000, v4;
	[tilespmem:v5+s31+$0x0] =	vst.idx.msk $0xffff, v7  }
0xad: {  	[tilespmem:v6+s31+$0x0] =	vst.idx.msk $0xffff, v4  }
0xae: {  	v5 =	vld [tilespmem:s8+$0x0]  }
0xaf: {  	v6 =	vor.u32 s10, v2;
	_ =	sdelay $0x1  }
0xb0: {  	v4 =	vor.u32 s10, v3;
	_ =	sdelay $0x1  }
0xb1: {  	v7 =	vshll.u32 v5, $0x10  }
0xb2: {  	s9 =	simm.s32 $0x1;
	v5 =	vand.u32 $0xFFFF0000, v5;
	[tilespmem:v6+s31+$0x0] =	vst.idx.msk $0xffff, v7  }
.LBB2_15:
0xb3: {  	p2 =	sne.s32 s9, $0x7F  }
0xb4: {  	[tilespmem:v4+s31+$0x0] =	vst.idx.msk $0xffff, v5;
	s8 =	sadd.s32 $0x20, s8;
	s10 =	smov.u32 s9;
	s9 =	sadd.s32 $0x1, s9  }
0xb5: {  	v4 =	vld [tilespmem:s8+$0xFFFFFFF0];
	s10 =	sshll.u32 s10, $0x6  }
0xb6: {  	v5 =	vor.u32 s10, v0  }
0xb7: {  	v6 =	vor.u32 s10, v1;
	_ =	sdelay $0x2  }
0xb8: {  	v7 =	vshll.u32 v4, $0x10  }
0xb9: {  	v4 =	vand.u32 $0xFFFF0000, v4;
	[tilespmem:v5+s31+$0x0] =	vst.idx.msk $0xffff, v7  }
0xba: {  	[tilespmem:v6+s31+$0x0] =	vst.idx.msk $0xffff, v4  }
0xbb: {  	v5 =	vld [tilespmem:s8+$0x0]  }
0xbc: {  	v6 =	vor.u32 s10, v2  }
.Ltmp10:
0xbd: {  	v4 =	vor.u32 s10, v3;
	(pc) =	sbr.rel @p2 .LBB2_15-.Ltmp10, $3  }
0xbe: {  	_ =	sdelay $0x1  }
0xbf: {  	v7 =	vshll.u32 v5, $0x10  }
0xc0: {  	v5 =	vand.u32 $0xFFFF0000, v5;
	[tilespmem:v6+s31+$0x0] =	vst.idx.msk $0xffff, v7  }
.Ltmp11:
0xc1: {  	_ = 	snop;
	(pc) =	sbr.rel @p1 .LBB2_18-.Ltmp11, $2  }
0xc2: {  	_ =	sdelay $0x2  }
0xc3: {  	[tilespmem:v4+s31+$0x0] =	vst.idx.msk $0xffff, v5;
	s8 =	sadd.s32 $0x100, s7  }
.Ltmp12:
0xc4: {  	(pc) =	sbr.rel .LBB2_19-.Ltmp12, $2  }
0xc5: {  	_ =	sdelay $0x2  }
0xc6: {  	[spmem:s2] =	stream.indirect.scatter.add.f32 [tilespmem:s31], [sflag:$0x7], $0x40, s8, s16, $0xb8;
	[tilespmem:$0x1FE40] =	vst v63  }
.LBB2_18:
.Ltmp13:
0xc7: {  	(pc) =	sbr.rel @p0 .LBB2_20-.Ltmp13, $4  }
0xc8: {  	s9 =	sadd.s32 $0x300, s6  }
0xc9: {  	[tilespmem:s20], [sflag:$0x3] =	stream.indirect.gather [spmem:s3], $0x20, s9, s16, $0xb8;
	[tilespmem:$0x1FE40] =	vst v63  }
0xca: {  	_ = 	snop  }
0xcb: {  	[spmem:s2] =	stream.indirect.scatter.add.f32 [tilespmem:s31], [sflag:$0x7], $0x40, s8, s16, $0xb8;
	[tilespmem:$0x1FE40] =	vst v63  }
.LBB2_19:
0xcc: {  	_ =	swait.ge [sflag:s0], $0x2000  }
0xcd: {  	[sflag:s0] =	ssyncset.done $0x0  }
0xce: {  	[sflag:s0] =	ssyncadd.s32 $0xFFFFE000  }
.LBB2_20:
0xcf: {  	_ =	swait.ge [sflag:s1], $0x1000  }
0xd0: {  	[sflag:s1] =	ssyncset.done $0x0  }
0xd1: {  	s8 =	simm.s32 $0x8010;
	[sflag:s1] =	ssyncadd.s32 $0xFFFFF000  }
0xd2: {  	s10 =	simm.s32 $0x0;
	v4 =	vld [tilespmem:s8+$0xFFFFFFF0]  }
0xd3: {  	v5 =	vor.u32 s10, v0  }
0xd4: {  	v6 =	vor.u32 s10, v1;
	_ =	sdelay $0x2  }
0xd5: {  	v7 =	vshll.u32 v4, $0x10  }
0xd6: {  	v4 =	vand.u32 $0xFFFF0000, v4;
	[tilespmem:v5+s12+$0x0] =	vst.idx.msk $0xffff, v7  }
0xd7: {  	[tilespmem:v6+s12+$0x0] =	vst.idx.msk $0xffff, v4  }
0xd8: {  	v5 =	vld [tilespmem:s8+$0x0]  }
0xd9: {  	v6 =	vor.u32 s10, v2;
	_ =	sdelay $0x1  }
0xda: {  	v4 =	vor.u32 s10, v3;
	_ =	sdelay $0x1  }
0xdb: {  	v7 =	vshll.u32 v5, $0x10  }
0xdc: {  	s9 =	simm.s32 $0x1;
	v5 =	vand.u32 $0xFFFF0000, v5;
	[tilespmem:v6+s12+$0x0] =	vst.idx.msk $0xffff, v7  }
.LBB2_21:
0xdd: {  	p0 =	sne.s32 s9, $0x7F  }
0xde: {  	[tilespmem:v4+s12+$0x0] =	vst.idx.msk $0xffff, v5;
	s8 =	sadd.s32 $0x20, s8;
	s10 =	smov.u32 s9;
	s9 =	sadd.s32 $0x1, s9  }
0xdf: {  	v4 =	vld [tilespmem:s8+$0xFFFFFFF0];
	s10 =	sshll.u32 s10, $0x6  }
0xe0: {  	v5 =	vor.u32 s10, v0  }
0xe1: {  	v6 =	vor.u32 s10, v1;
	_ =	sdelay $0x2  }
0xe2: {  	v7 =	vshll.u32 v4, $0x10  }
0xe3: {  	v4 =	vand.u32 $0xFFFF0000, v4;
	[tilespmem:v5+s12+$0x0] =	vst.idx.msk $0xffff, v7  }
0xe4: {  	[tilespmem:v6+s12+$0x0] =	vst.idx.msk $0xffff, v4  }
0xe5: {  	v5 =	vld [tilespmem:s8+$0x0]  }
0xe6: {  	v6 =	vor.u32 s10, v2  }
.Ltmp14:
0xe7: {  	v4 =	vor.u32 s10, v3;
	(pc) =	sbr.rel @p0 .LBB2_21-.Ltmp14, $3  }
0xe8: {  	_ =	sdelay $0x1  }
0xe9: {  	v7 =	vshll.u32 v5, $0x10  }
0xea: {  	v5 =	vand.u32 $0xFFFF0000, v5;
	[tilespmem:v6+s12+$0x0] =	vst.idx.msk $0xffff, v7  }
0xeb: {  	p0 =	seq.s32 s5, $0x13  }
.Ltmp15:
0xec: {  	_ = 	snop;
	(pc) =	sbr.rel @p0 .LBB2_24-.Ltmp15, $2  }
0xed: {  	_ =	sdelay $0x2  }
0xee: {  	[tilespmem:v4+s12+$0x0] =	vst.idx.msk $0xffff, v5;
	s7 =	sadd.s32 $0x180, s7  }
.Ltmp16:
0xef: {  	(pc) =	sbr.rel .LBB2_2-.Ltmp16, $4  }
0xf0: {  	s6 =	sadd.s32 $0x380, s6  }
0xf1: {  	[tilespmem:s22], [sflag:$0x4] =	stream.indirect.gather [spmem:s3], $0x20, s6, s16, $0xb8;
	[tilespmem:$0x1FE40] =	vst v63  }
0xf2: {  	s5 =	sadd.s32 $0x1, s5  }
0xf3: {  	[spmem:s2] =	stream.indirect.scatter.add.f32 [tilespmem:s12], [sflag:$0x8], $0x40, s7, s16, $0xb8;
	[tilespmem:$0x1FE40] =	vst v63  }
.LBB2_25:
0xf4: {  	_ =	sfence.sel $0x180000  }
0xf5: {  	[bflag:$0x0] =	sbarrier.arrive $0xFFFF  }
0xf6: {  	_ =	strace $0x9000004D  }
0xf7: {  	s0 =	stileid.u32;
	[bflag:$0x2] =	sbarrier.arrive $0xFFFF  }
0xf8: {  	p0 =	sne.s32 s0, $0x0;
	s0 =	rddreg [dreg:$0x4]  }
0xf9: {  	s0 =	sadd.s32 @!p0 $0x100000, s0  }
0xfa: {  	[sflag:s0] =	ssyncadd.tile.s32 @!p0 $0x1;
	_ =	shalt  }
.Lfunc_end2:
_tile_overlayer_lowered:
.L_overlay_start_2:
0xfb: {  	(tag) =	ssettag $0x2  }
0xfc: {  	s0 =	rddreg [dreg:$0x0];
	s2 =	stileid.u32  }
0xfd: {  	s1 =	rddreg [dreg:$0x1];
	p0 =	sne.s32 s2, $0x0  }
0xfe: {  	s3 =	rddreg [dreg:$0x2];
	[bflag:$0x3] =	sbarrier.arrive $0xFFFF;
	s2 =	simm.s32 @!p0 $0x1C09  }
0xff: {  	[timem:s3], [sflag:s2] =	dma.local @!p0 [hbm:s0], s1  }
0x100: {  	s0 =	simm.s32 @!p0 $0x9  }
0x101: {  	_ =	swait.ge @!p0 [sflag:s0], s1  }
0x102: {  	s1 =	ssub.s32 @!p0 $0x0, s1;
	[sflag:s0] =	ssyncset.done @!p0 $0x0  }
0x103: {  	[sflag:s0] =	ssyncadd.s32 @!p0 s1  }
0x104: {  	[bflag:$0x3] =	sbarrier.arrive $0xFFFF  }
0x105: {  	_ =	shalt  }

// kernel: kernel.8.cloned.1.call-start
scs
__scs_entry_jumppad:
0x0: {  	(pc) =	sbr.rel $0x88, $3  }
0x1: {  	(tag) =	ssettag $0x0;
	lr =	simm.s32 $0x1  }
0x2: {  	[smem:$0x3F9B] =	sst lr;
	_ =	strace $0xD0000000  }
0x3: {  	_ = 	snop  }
0x4: {  	_ = 	snop  }
0x5: {  	_ = 	snop  }
0x6: {  	_ = 	snop  }
0x7: {  	_ = 	snop  }
__scs_overlays_trampoline_lowered:
0x8: {  	[smem:$0x3FAA] =	sst s0  }
0x9: {  	[smem:$0x3FAB] =	sst s1  }
0xa: {  	[smem:$0x3FAC] =	sst s2  }
0xb: {  	[smem:$0x3FAD] =	sst s3  }
0xc: {  	[smem:$0x3FAE] =	sst s4  }
0xd: {  	[smem:$0x3FAF] =	sst s5  }
0xe: {  	[smem:$0x3FB0] =	sst s6  }
0xf: {  	[smem:$0x3FB1] =	sst s7  }
0x10: {  	[smem:$0x3FB2] =	sst s8  }
0x11: {  	[smem:$0x3FB3] =	sst s9;
	s0 =	simm.s32 @!p0 $0x0  }
0x12: {  	s1 =	sld [smem:$0x3F99];
	s0 =	simm.s32 @p0 $0x1  }
0x13: {  	[smem:$0x3FB4] =	sst s0;
	s0 =	simm.s32 @!p1 $0x0  }
0x14: {  	s2 =	sld [smem:$0x3F98];
	s0 =	simm.s32 @p1 $0x1  }
0x15: {  	[smem:$0x3FB5] =	sst s0;
	s0 =	simm.s32 @!p2 $0x0  }
0x16: {  	s3 =	sld [smem:$0x3FDB];
	s0 =	simm.s32 @p2 $0x1  }
0x17: {  	s4 =	simm.s32 $0x1BF5;
	[smem:$0x3FB7] =	sst s0  }
0x18: {  	s0 =	sld [smem:$0x3F9A];
	_ =	swait.ge [sflag:s4], $0x0  }
0x19: {  	s7 =	sld [smem:$0x3F9B]  }
0x1a: {  	s8 =	sadd.s32 $0xFFFFE003, lr  }
0x1b: {  	s9 =	sadd.s32 $0xFFFFFEF7, lr;
	s5 =	simm.s32 $0xFFFFFFFF;
	p2 =	slt.u32 s8, $0xFFFFF086  }
0x1c: {  	p1 =	slt.u32 s9, $0xF7A;
	s5 =	simm.s32 @!p2 $0x0  }
0x1d: {  	s5 =	simm.s32 @p1 $0x1;
	p0 =	seq.s32 s7, s2  }
0x1e: {  	s7 =	smul.u32 @!p0 $0xF7A, s2;
	p2 =	seq.s32 @!p0 s5, $0x0  }
0x1f: {  	s9 =	smul.u32 $0xF7A, s1;
	s8 =	simm.s32 @!p0 $0x1BF5;
	p2 =	por !p2, p0  }
0x20: {  	[sflag:s8] =	ssyncset.s32 @!p0 $0xFFFFF086;
	s6 =	sadd.s32 @!p0 s3, s7;
	s7 =	simm.s32 @!p0 $0x108  }
0x21: {  	s3 =	sadd.s32 s3, s9;
	s6 =	sadd.s32 @!p0 $0x88, s6;
	s7 =	simm.s32 @p2 $0x1082  }
0x22: {  	[simem:s7], [sflag:s8] =	dma.local @!p0 [hbm:s6], $0xF7A  }
0x23: {  	s9 =	sor.u32 $0xD0000000, s2;
	s6 =	simm.s32 $0x108;
	_ =	swait.ge @!p0 [sflag:s8], $0x0  }
0x24: {  	s3 =	sadd.s32 $0x88, s3;
	s6 =	simm.s32 @!p1 $0x1082;
	[sflag:s4] =	ssyncset.s32 $0xFFFFF086  }
0x25: {  	[simem:s6], [sflag:s4] =	dma.local [hbm:s3], $0xF7A  }
0x26: {  	[smem:$0x3F9B] =	sst s1;
	(tag) =	ssettag s2;
	_ =	strace s9  }
0x27: {  	s1 =	sld [smem:$0x3FAB]  }
0x28: {  	s2 =	sld [smem:$0x3FAC]  }
0x29: {  	s4 =	sld [smem:$0x3FAE]  }
0x2a: {  	p0 =	seq.s32 s5, $0x0;
	s5 =	sld [smem:$0x3FAF]  }
0x2b: {  	s6 =	sld [smem:$0x3FB0]  }
0x2c: {  	s7 =	sld [smem:$0x3FB1]  }
0x2d: {  	s3 =	simm.s32 $0x108;
	s8 =	sld [smem:$0x3FB2]  }
0x2e: {  	s3 =	simm.s32 @!p0 $0x1082;
	s9 =	sld [smem:$0x3FB3]  }
0x2f: {  	lr =	sadd.s32 s0, s3;
	s0 =	sld [smem:$0x3FAA]  }
0x30: {  	s3 =	sld [smem:$0x3FAD]  }
0x31: {  	[smem:$0x3FB6] =	sst s10  }
0x32: {  	s10 =	sld [smem:$0x3FB4];
	_ =	sdelay $0x3  }
0x33: {  	p0 =	seq.s32 s10, $0x1;
	s10 =	sld [smem:$0x3FB6];
	_ =	sdelay $0x3  }
0x34: {  	[smem:$0x3FB6] =	sst s10  }
0x35: {  	s10 =	sld [smem:$0x3FB5];
	_ =	sdelay $0x3  }
0x36: {  	p1 =	seq.s32 s10, $0x1;
	s10 =	sld [smem:$0x3FB6];
	_ =	sdelay $0x3  }
0x37: {  	[smem:$0x3FB6] =	sst s10  }
0x38: {  	s10 =	sld [smem:$0x3FB7]  }
0x39: {  	_ = 	snop;
	(pc) =	sbr.ind lr, $3  }
0x3a: {  	_ = 	snop  }
0x3b: {  	_ = 	snop  }
0x3c: {  	p2 =	seq.s32 s10, $0x1;
	s10 =	sld [smem:$0x3FB6]  }
0x3d: {  	_ =	shalt  }
0x3e: {  	_ =	shalt  }
0x3f: {  	_ =	shalt  }
0x40: {  	_ =	shalt  }
0x41: {  	_ =	shalt  }
0x42: {  	_ =	shalt  }
0x43: {  	_ =	shalt  }
0x44: {  	_ =	shalt  }
0x45: {  	_ =	shalt  }
0x46: {  	_ =	shalt  }
0x47: {  	_ =	shalt  }
0x48: {  	_ =	shalt  }
0x49: {  	_ =	shalt  }
0x4a: {  	_ =	shalt  }
0x4b: {  	_ =	shalt  }
0x4c: {  	_ =	shalt  }
0x4d: {  	_ =	shalt  }
0x4e: {  	_ =	shalt  }
0x4f: {  	_ =	shalt  }
0x50: {  	_ =	shalt  }
0x51: {  	_ =	shalt  }
0x52: {  	_ =	shalt  }
0x53: {  	_ =	shalt  }
0x54: {  	_ =	shalt  }
0x55: {  	_ =	shalt  }
0x56: {  	_ =	shalt  }
0x57: {  	_ =	shalt  }
0x58: {  	_ =	shalt  }
0x59: {  	_ =	shalt  }
0x5a: {  	_ =	shalt  }
0x5b: {  	_ =	shalt  }
0x5c: {  	_ =	shalt  }
0x5d: {  	_ =	shalt  }
0x5e: {  	_ =	shalt  }
0x5f: {  	_ =	shalt  }
0x60: {  	_ =	shalt  }
0x61: {  	_ =	shalt  }
0x62: {  	_ =	shalt  }
0x63: {  	_ =	shalt  }
0x64: {  	_ =	shalt  }
0x65: {  	_ =	shalt  }
0x66: {  	_ =	shalt  }
0x67: {  	_ =	shalt  }
0x68: {  	_ =	shalt  }
0x69: {  	_ =	shalt  }
0x6a: {  	_ =	shalt  }
0x6b: {  	_ =	shalt  }
0x6c: {  	_ =	shalt  }
0x6d: {  	_ =	shalt  }
0x6e: {  	_ =	shalt  }
0x6f: {  	_ =	shalt  }
0x70: {  	_ =	shalt  }
0x71: {  	_ =	shalt  }
0x72: {  	_ =	shalt  }
0x73: {  	_ =	shalt  }
0x74: {  	_ =	shalt  }
0x75: {  	_ =	shalt  }
0x76: {  	_ =	shalt  }
0x77: {  	_ =	shalt  }
0x78: {  	_ =	shalt  }
0x79: {  	_ =	shalt  }
0x7a: {  	_ =	shalt  }
0x7b: {  	_ =	shalt  }
0x7c: {  	_ =	shalt  }
0x7d: {  	_ =	shalt  }
0x7e: {  	_ =	shalt  }
0x7f: {  	_ =	shalt  }
0x80: {  	_ =	shalt  }
0x81: {  	_ =	shalt  }
0x82: {  	_ =	shalt  }
0x83: {  	_ =	shalt  }
0x84: {  	_ =	shalt  }
0x85: {  	_ =	shalt  }
0x86: {  	_ =	shalt  }
0x87: {  	_ =	shalt  }
.Lfunc_end0:
.L_simem_size_0:
called_computation_lowered:
.L_overlay_start_0:
0x88: {  	s2 =	sld [smem:$0x3FD9]  }
0x89: {  	s3 =	sld [smem:$0x3FFE];
	_ =	sdelay $0x1  }
0x8a: {  	s1 =	srdreg.scid  }
0x8b: {  	s0 =	sand.u32 $0x1, s1  }
0x8c: {  	s17 =	sshll.u32 s0, $0xA;
	s2 =	sadd.s32 s3, s2  }
0x8d: {  	s2 =	sadd.s32 s2, s17  }
0x8e: {  	[smem:$0x3FC2] =	sst s2  }
0x8f: {  	_ = 	snop  }
0x90: {  	s2 =	sld [smem:$0x3FD0];
	(tm) =	ssettm $0x1  }
0x91: {  	s18 =	sld [smem:$0x3FFB];
	_ =	sdelay $0x3  }
0x92: {  	_ =	strace s18  }
0x93: {  	s3 =	sld [smem:$0x3FFC];
	_ =	sdelay $0x3  }
0x94: {  	_ =	strace s3  }
0x95: {  	s3 =	sld [smem:$0x3FFD];
	_ =	sdelay $0x3  }
0x96: {  	_ =	strace s3  }
0x97: {  	_ =	strace $0x8FFFFFFF  }
0x98: {  	s19 =	sld [smem:$0x3FDB];
	_ =	sdelay $0x1  }
0x99: {  	s4 =	simm.s32 $_scs_section_size  }
0x9a: {  	s5 =	simm.s32 $_size__tile_overlayer_lowered;
	s6 =	simm.s32 $_tile_overlayer_lowered  }
0x9b: {  	s22 =	simm.s32 $0x1BFF;
	s21 =	sshll.u32 s6, $0x1;
	s3 =	sadd.s32 s4, s19  }
0x9c: {  	s7 =	simm.s32 $0x0;
	s20 =	sshll.u32 s5, $0x1;
	s5 =	sadd.s32 s21, s3  }
0x9d: {  	[timem:s7], [sflag:s22] =	dma.local [hbm:s5], s20  }
0x9e: {  	_ =	swait.ge [sflag:s22], s20  }
0x9f: {  	s4 =	ssub.s32 $0x0, s20;
	[sflag:s22] =	ssyncset.done $0x0  }
0xa0: {  	[sflag:s22] =	ssyncadd.s32 s4;
	_ =	sdelay $0x1  }
0xa1: {  	s23 =	simm.s32 $0x1B8B  }
0xa2: {  	_ =	swait.ge [sflag:s23], $0x1  }
0xa3: {  	[sflag:s23] =	ssyncset.done $0x0  }
0xa4: {  	s25 =	simm.s32 $0x1B8E;
	s24 =	sld [smem:$0x3FFE];
	[sflag:s23] =	ssyncadd.s32 $0xFFFFFFFF  }
0xa5: {  	s26 =	simm.s32 $execute0_lowered;
	[smem:$0x3FD2] =	sst s25  }
0xa6: {  	s5 =	sshll.u32 s26, $0x1;
	_ =	strace $0x80000046;
	[dreg:$0x1] =	wrdreg $0xFFFFFFFF  }
0xa7: {  	s28 =	simm.s32 $_size_execute0_lowered;
	s3 =	sadd.s32 s3, s5;
	[dreg:$0x0] =	wrdreg $0x0  }
0xa8: {  	s5 =	sshll.u32 s28, $0x1;
	[dreg:$0x2] =	wrdreg s3  }
0xa9: {  	[dreg:$0x3] =	wrdreg s5  }
0xaa: {  	[dreg:$0x4] =	wrdreg $0xC0  }
0xab: {  	_ =	task [dreg:s7], $0x5FFFF  }
0xac: {  	[dreg:$0x1] =	wrdreg $0xFFFFFFFF  }
0xad: {  	[dreg:$0x0] =	wrdreg $0x60  }
0xae: {  	[dreg:$0x2] =	wrdreg s2  }
0xaf: {  	[dreg:$0x3] =	wrdreg s24  }
0xb0: {  	[dreg:$0x4] =	wrdreg $0x28800  }
0xb1: {  	[dreg:$0x5] =	wrdreg $0x9  }
0xb2: {  	_ =	task.clear_ibuf [dreg:s7], $0x6FFFF;
	_ =	strace $0x90000046  }
0xb3: {  	s29 =	simm.s32 $0x9;
	_ =	strace $0x80000048  }
0xb4: {  	_ =	swait.ge [sflag:s29], $0x1  }
0xb5: {  	[sflag:s29] =	ssyncadd.s32 $0xFFFFFFFF  }
0xb6: {  	_ =	strace $0x90000048  }
0xb7: {  	_ =	sfence  }
0xb8: {  	s30 =	sld [smem:$0x0];
	_ =	sdelay $0x2  }
0xb9: {  	s31 =	sshll.u32 s1, $0xD;
	s1 =	sshrl.u32 s1, $0x2  }
0xba: {  	s3 =	sand.u32 $0x4000, s31;
	s1 =	sadd.s32 s1, s30  }
0xbb: {  	s0 =	sor.u32 s3, s0;
	s1 =	sshll.u32 s1, $0x11  }
0xbc: {  	s0 =	sor.u32 s1, s0  }
0xbd: {  	s0 =	sadd.s32 $0x8F2B, s0  }
0xbe: {  	[sflag:s0] =	ssyncadd.remote.s32 $0x1  }
0xbf: {  	_ =	sfence.sel $0xFFFF  }
0xc0: {  	[dreg:$0x0] =	wrdreg $0xFFFFFFFF;
	(pc) =	sbr.abs _section_cstart, $3  }
0xc1: {  	[dreg:$0x1] =	wrdreg $0xFFFFFFFF  }
0xc2: {  	_ =	task.clear_ibuf [dreg:s7], $0x2FFFF;
	_ =	strace $0x9FFFFFFF  }
0xc3: {  	(tm) =	ssettm $0x7FFFFFFF  }
tec
execute0_lowered:
.L_overlay_start_1:
0x0: {  	(tag) =	ssettag $0x1  }
0x1: {  	s6 =	rddreg [dreg:$0x0]  }
0x2: {  	s7 =	rddreg [dreg:$0x1];
	s1 =	srdreg.scid  }
0x3: {  	s0 =	stileid.u32;
	s2 =	rddreg [dreg:$0x2];
	s3 =	simm.s32 $0x0  }
0x4: {  	s13 =	simm.s32 $0x80;
	s8 =	sand.u32 $0x1, s1;
	s1 =	rddreg [dreg:$0x3]  }
0x5: {  	s14 =	simm.s32 $0x0;
	s9 =	smul.u32 $0x280, s0;
	[smem:$0x7FF] =	sst s3  }
0x6: {  	s11 =	smul.u32 $0x2800, s0;
	s4 =	sadd.s32 $0x2000, s7;
	s5 =	sadd.s32 $0x2200, s7  }
0x7: {  	s31 =	sshll.u32 s0, $0x6;
	s10 =	smul.u32 $0x2800, s8;
	_ =	strace $0x80000047  }
0x8: {  	p0 =	seq.s32 s8, $0x0;
	s8 =	ssub.s32 $0x2, s8;
	s12 =	sadd.s32 $0x28000, s11  }
0x9: {  	s29 =	sshrl.u32 s8, $0x1;
	s30 =	sadd.s32 s9, s2;
	s10 =	sadd.s32 s9, s10  }
0xa: {  	s12 =	smov.u32 @p0 s11;
	s8 =	ssub.s32 s8, s29;
	s9 =	simm.s32 $0x1  }
0xb: {  	s10 =	sshrl.u32 s10, $0x3;
	s11 =	sshrl.u32 s12, $0x3;
	s8 =	smax.u32 s8, $0x1  }
0xc: {  	s12 =	sshrl.u32 s30, $0x3;
	s7 =	sadd.s32 s10, s7;
	s6 =	sadd.s32 s6, s11  }
0xd: {  	s10 =	simm.s32 $0x2800;
	s11 =	sor.u32 $0x1C01, s31;
	s7 =	sadd.s32 $0x2400, s7  }
.LBB2_1:
0xe: {  	[tilespmem:s3], [sflag:$0x1] =	stream.linear.gather [hbm4b:s6+s3], $0x2800, $0x38;
	[tilespmem:$0x2B00] =	vst v63  }
0xf: {  	_ =	swait.ge [sflag:s9], $0x2800  }
0x10: {  	[sflag:s9] =	ssyncset.done $0x0  }
0x11: {  	[sflag:s9] =	ssyncadd.s32 $0xFFFFD800  }
0x12: {  	[tilespmem:s10], [sflag:$0x1] =	stream.linear.gather [hbm4b:s4+s3], $0x80, $0x38;
	[tilespmem:$0x2B00] =	vst v63  }
0x13: {  	_ =	swait.ge [sflag:s9], $0x80  }
0x14: {  	[sflag:s9] =	ssyncset.done $0x0  }
0x15: {  	[sflag:s9] =	ssyncadd.s32 $0xFFFFFF80  }
0x16: {  	[spmem:s12], [sflag:s11] =	dma.local [hbm:s5], $0x50  }
0x17: {  	_ =	swait.ge [sflag:s9], $0x50  }
0x18: {  	[sflag:s9] =	ssyncset.done $0x0  }
0x19: {  	[sflag:s9] =	ssyncadd.s32 $0xFFFFFFB0  }
0x1a: {  	s15 =	simm.s32 $0x0;
	[bflag:$0x0] =	sbarrier.arrive $0xFFFF  }
0x1b: {  	[spmem:s2] =	stream.indirect.scatter.add.f32 [tilespmem:s10], [sflag:$0x1], $0x1, s15, s13, $0xb8;
	[tilespmem:$0x2B00] =	vst v63  }
0x1c: {  	_ =	swait.ge [sflag:s9], $0x80  }
0x1d: {  	s15 =	simm.s32 $0x200;
	[sflag:s9] =	ssyncset.done $0x0  }
.LBB2_2:
0x1e: {  	s16 =	sshra.s32 s15, $0x2;
	[sflag:s9] =	ssyncadd.s32 $0xFFFFFF80;
	p0 =	sne.s32 s15, $0x9E00  }
0x1f: {  	[spmem:s2] =	stream.indirect.scatter.add.f32 [tilespmem:s10], [sflag:$0x1], $0x1, s16, s13, $0xb8;
	[tilespmem:$0x2B00] =	vst v63  }
.Ltmp0:
0x20: {  	_ = 	snop;
	(pc) =	sbr.rel @p0 .LBB2_2-.Ltmp0, $4  }
0x21: {  	_ = 	snop  }
0x22: {  	s15 =	sadd.s32 $0x200, s15  }
0x23: {  	_ =	swait.ge [sflag:s9], $0x80  }
0x24: {  	[sflag:s9] =	ssyncset.done $0x0  }
0x25: {  	s14 =	sadd.s32 $0x1, s14  }
0x26: {  	[sflag:s9] =	ssyncadd.s32 $0xFFFFFF80;
	p0 =	sne.s32 s14, s8  }
.Ltmp1:
0x27: {  	[bflag:$0x0] =	sbarrier.arrive $0xFFFF;
	(pc) =	sbr.rel @p0 .LBB2_1-.Ltmp1, $4  }
0x28: {  	[hbm:s7], [sflag:s11] =	dma.local [spmem:s12], $0x50  }
0x29: {  	_ =	swait.ge [sflag:s9], $0x50  }
0x2a: {  	[sflag:s9] =	ssyncset.done $0x0  }
0x2b: {  	[sflag:s9] =	ssyncadd.s32 $0xFFFFFFB0  }
0x2c: {  	_ =	sfence.sel $0x180000  }
0x2d: {  	[bflag:$0x0] =	sbarrier.arrive $0xFFFF  }
0x2e: {  	p0 =	sne.s32 s0, $0x0;
	_ =	strace $0x90000047  }
0x2f: {  	s0 =	sadd.s32 @!p0 $0x100000, s1;
	[bflag:$0x2] =	sbarrier.arrive $0xFFFF  }
0x30: {  	[sflag:s0] =	ssyncadd.tile.s32 @!p0 $0x1;
	_ =	shalt  }
.Lfunc_end2:
_tile_overlayer_lowered:
.L_overlay_start_2:
0x31: {  	(tag) =	ssettag $0x2  }
0x32: {  	s0 =	rddreg [dreg:$0x0];
	s2 =	stileid.u32  }
0x33: {  	s1 =	rddreg [dreg:$0x1];
	p0 =	sne.s32 s2, $0x0  }
0x34: {  	s3 =	rddreg [dreg:$0x2];
	[bflag:$0x3] =	sbarrier.arrive $0xFFFF;
	s2 =	simm.s32 @!p0 $0x1C01  }
0x35: {  	[timem:s3], [sflag:s2] =	dma.local @!p0 [hbm:s0], s1  }
0x36: {  	s0 =	simm.s32 @!p0 $0x1  }
0x37: {  	_ =	swait.ge @!p0 [sflag:s0], s1  }
0x38: {  	s1 =	ssub.s32 @!p0 $0x0, s1;
	[sflag:s0] =	ssyncset.done @!p0 $0x0  }
0x39: {  	[sflag:s0] =	ssyncadd.s32 @!p0 s1  }
0x3a: {  	[bflag:$0x3] =	sbarrier.arrive $0xFFFF  }
0x3b: {  	_ =	shalt  }

</sc_bundles>
